<compile_context>
chip_gen: v7x
topology: tpu7x:2x2x1
jax: 0.10.2.dev20260603
libtpu: 0.0.44.dev20260713+nightly
codegen_flags: <defaults>
</compile_context>

<pallas_src>
import functools

import jax
import jax.numpy as jnp
from jax import lax
from jax.experimental import pallas as pl
from jax.experimental.pallas import tpu as pltpu
from jax.experimental.pallas import tpu_sc as plsc

NC = 2
NS = 16
NW = NC * NS
CHUNK = 128
BLK = 1024


def _round_up(a, b):
    return (a + b - 1) // b * b



def _sc_degree(dst3, n_pad):
    nchunks = dst3.shape[1]
    rpt = n_pad // NS

    mesh = plsc.VectorSubcoreMesh(core_axis_name="c", subcore_axis_name="s")

    @functools.partial(
        pl.kernel,
        out_type=jax.ShapeDtypeStruct((NC, n_pad), jnp.float32),
        mesh=mesh,
        scratch_types=[
            pltpu.VMEM((nchunks, CHUNK), jnp.int32),
            pltpu.VMEM((CHUNK,), jnp.float32),
            pltpu.VMEM((rpt,), jnp.float32),
            pltpu.VMEM_SHARED((n_pad,), jnp.float32),
        ],
    )
    def k(dst_hbm, deg_hbm, dst_v, ones_v, stage_v, deg_sh):
        c = lax.axis_index("c")
        s = lax.axis_index("s")
        slab = c * NS + s
        ones = jnp.ones((16,), jnp.float32)
        zeros = jnp.zeros((16,), jnp.float32)
        for u in range(CHUNK // 16):
            ones_v[pl.ds(u * 16, 16)] = ones

        def zbody(r, _):
            stage_v[pl.ds(r * 16, 16)] = zeros
            return ()
        lax.fori_loop(0, rpt // 16, zbody, ())
        pltpu.sync_copy(stage_v, deg_sh.at[pl.ds(s * rpt, rpt)])
        plsc.subcore_barrier()

        pltpu.sync_copy(dst_hbm.at[slab], dst_v)

        def body(j, _):
            pltpu.sync_copy(ones_v, deg_sh.at[dst_v.at[j]], add=True)
            return ()
        lax.fori_loop(0, nchunks, body, ())
        plsc.subcore_barrier()

        pltpu.sync_copy(deg_sh.at[pl.ds(s * rpt, rpt)], stage_v)
        pltpu.sync_copy(stage_v, deg_hbm.at[c, pl.ds(s * rpt, rpt)])

    return k(dst3)


def _sc_scatter(g, src3, dst3, n_pad):
    nchunks = src3.shape[1]
    niter = nchunks // 4
    rpt = n_pad // NS

    mesh = plsc.VectorSubcoreMesh(core_axis_name="c", subcore_axis_name="s")

    @functools.partial(
        pl.kernel,
        out_type=jax.ShapeDtypeStruct((NC, n_pad, 128), jnp.float32),
        mesh=mesh,
        scratch_types=[
            pltpu.VMEM((nchunks, CHUNK), jnp.int32),
            pltpu.VMEM((CHUNK,), jnp.int32),
            pltpu.VMEM((CHUNK,), jnp.int32),
            pltpu.VMEM((CHUNK,), jnp.int32),
            pltpu.VMEM((CHUNK,), jnp.int32),
            pltpu.VMEM((CHUNK, 128), jnp.float32),
            pltpu.VMEM((CHUNK, 128), jnp.float32),
            pltpu.VMEM_SHARED((n_pad, 128), jnp.float32),
            pltpu.SemaphoreType.DMA,
            pltpu.SemaphoreType.DMA,
            pltpu.SemaphoreType.DMA,
            pltpu.SemaphoreType.DMA,
            pltpu.SemaphoreType.DMA,
            pltpu.SemaphoreType.DMA,
            pltpu.SemaphoreType.DMA,
            pltpu.SemaphoreType.DMA,
        ],
    )
    def k(g_hbm, src_hbm, dst_hbm, out_hbm, src_v, d0, d1, d2, d3,
          buf_a, buf_b, acc_sh, gs0, gs1, as0, as1, ds0, ds1, ds2, ds3):
        didx = [d0, d1, d2, d3]
        bufs = [buf_a, buf_b]
        gsem = [gs0, gs1]
        asem = [as0, as1]
        dsem = [ds0, ds1, ds2, ds3]
        c = lax.axis_index("c")
        s = lax.axis_index("s")
        slab = c * NS + s
        zeros = jnp.zeros((16,), jnp.float32)

        def zbody(r, _):
            for u in range(8):
                buf_a[r, pl.ds(u * 16, 16)] = zeros
            return ()
        lax.fori_loop(0, CHUNK, zbody, ())
        for q in range(rpt // CHUNK):
            pltpu.sync_copy(buf_a, acc_sh.at[pl.ds(s * rpt + q * CHUNK, CHUNK)])

        pltpu.async_copy(dst_hbm.at[slab, 0], didx[0], dsem[0])
        pltpu.async_copy(dst_hbm.at[slab, 1], didx[1], dsem[1])
        pltpu.sync_copy(src_hbm.at[slab], src_v)
        plsc.subcore_barrier()

        def step(j, r):
            e = 4 * j + r
            first = r if r < 2 else None

            def stage_a():
                pltpu.make_async_copy(
                    bufs[r % 2], acc_sh.at[didx[(r + 2) % 4]],
                    asem[r % 2]).wait()

            if first is not None:
                @pl.when(j > 0)
                def _():
                    stage_a()
            else:
                stage_a()

            @pl.when(e + 2 < nchunks)
            def _():
                pltpu.async_copy(dst_hbm.at[slab, e + 2], didx[(r + 2) % 4],
                                 dsem[(r + 2) % 4])

            pltpu.async_copy(g_hbm.at[src_v.at[e]], bufs[r % 2], gsem[r % 2])

            def stage_d():
                pltpu.make_async_copy(
                    g_hbm.at[src_v.at[e - 1]], bufs[(r + 1) % 2],
                    gsem[(r + 1) % 2]).wait()
                pltpu.make_async_copy(
                    dst_hbm.at[slab, e - 1], didx[(r + 3) % 4],
                    dsem[(r + 3) % 4]).wait()
                pltpu.async_copy(
                    bufs[(r + 1) % 2], acc_sh.at[didx[(r + 3) % 4]],
                    asem[(r + 1) % 2], add=True)

            if r == 0:
                @pl.when(j > 0)
                def _():
                    stage_d()
            else:
                stage_d()

        def body(j, _):
            for r in range(4):
                step(j, r)
            return ()
        lax.fori_loop(0, niter, body, ())

        last = nchunks - 1
        pltpu.make_async_copy(g_hbm.at[src_v.at[last]], bufs[1], gsem[1]).wait()
        pltpu.make_async_copy(dst_hbm.at[slab, last], didx[3], dsem[3]).wait()
        pltpu.async_copy(bufs[1], acc_sh.at[didx[3]], asem[1], add=True)
        pltpu.make_async_copy(bufs[0], acc_sh.at[didx[2]], asem[0]).wait()
        pltpu.make_async_copy(bufs[1], acc_sh.at[didx[3]], asem[1]).wait()
        plsc.subcore_barrier()

        pltpu.sync_copy(acc_sh.at[pl.ds(s * rpt, rpt)],
                        out_hbm.at[c, pl.ds(s * rpt, rpt)])

    return k(g, src3, dst3)



def _tc_first(x, w, d0, d1, n_pad):
    grid = (n_pad // BLK,)

    def body(x_ref, w_ref, d0_ref, d1_ref, g_ref, sl_ref):
        deg = d0_ref[...] + d1_ref[...] + 1.0
        dis = lax.rsqrt(deg)
        inv = 1.0 / deg
        h = jnp.dot(x_ref[...], w_ref[...], preferred_element_type=jnp.float32)
        g_ref[...] = h * dis
        sl_ref[...] = h * inv

    return pl.pallas_call(
        body,
        grid=grid,
        in_specs=[
            pl.BlockSpec((BLK, 128), lambda i: (i, 0)),
            pl.BlockSpec((128, 128), lambda i: (0, 0)),
            pl.BlockSpec((BLK, 1), lambda i: (i, 0)),
            pl.BlockSpec((BLK, 1), lambda i: (i, 0)),
        ],
        out_specs=[
            pl.BlockSpec((BLK, 128), lambda i: (i, 0)),
            pl.BlockSpec((BLK, 128), lambda i: (i, 0)),
        ],
        out_shape=[
            jax.ShapeDtypeStruct((n_pad, 128), jnp.float32),
            jax.ShapeDtypeStruct((n_pad, 128), jnp.float32),
        ],
    )(x, w, d0, d1)


def _tc_mid(sp, sl, b, w, d0, d1, n_pad):
    grid = (n_pad // BLK,)

    def body(sp_ref, sl_ref, b_ref, w_ref, d0_ref, d1_ref, g_ref, sl2_ref):
        deg = d0_ref[...] + d1_ref[...] + 1.0
        dis = lax.rsqrt(deg)
        inv = 1.0 / deg
        o = (sp_ref[0] + sp_ref[1]) * dis + sl_ref[...] + b_ref[...]
        h = jnp.dot(o, w_ref[...], preferred_element_type=jnp.float32)
        g_ref[...] = h * dis
        sl2_ref[...] = h * inv

    return pl.pallas_call(
        body,
        grid=grid,
        in_specs=[
            pl.BlockSpec((2, BLK, 128), lambda i: (0, i, 0)),
            pl.BlockSpec((BLK, 128), lambda i: (i, 0)),
            pl.BlockSpec((1, 128), lambda i: (0, 0)),
            pl.BlockSpec((128, 128), lambda i: (0, 0)),
            pl.BlockSpec((BLK, 1), lambda i: (i, 0)),
            pl.BlockSpec((BLK, 1), lambda i: (i, 0)),
        ],
        out_specs=[
            pl.BlockSpec((BLK, 128), lambda i: (i, 0)),
            pl.BlockSpec((BLK, 128), lambda i: (i, 0)),
        ],
        out_shape=[
            jax.ShapeDtypeStruct((n_pad, 128), jnp.float32),
            jax.ShapeDtypeStruct((n_pad, 128), jnp.float32),
        ],
    )(sp, sl, b, w, d0, d1)


def _tc_last(sp, sl, b, d0, d1, n_pad, n):
    grid = (n_pad // BLK,)

    def body(sp_ref, sl_ref, b_ref, d0_ref, d1_ref, o_ref):
        deg = d0_ref[...] + d1_ref[...] + 1.0
        dis = lax.rsqrt(deg)
        o_ref[...] = (sp_ref[0] + sp_ref[1]) * dis + sl_ref[...] + b_ref[...]

    return pl.pallas_call(
        body,
        grid=grid,
        in_specs=[
            pl.BlockSpec((2, BLK, 128), lambda i: (0, i, 0)),
            pl.BlockSpec((BLK, 128), lambda i: (i, 0)),
            pl.BlockSpec((1, 128), lambda i: (0, 0)),
            pl.BlockSpec((BLK, 1), lambda i: (i, 0)),
            pl.BlockSpec((BLK, 1), lambda i: (i, 0)),
        ],
        out_specs=pl.BlockSpec((BLK, 128), lambda i: (i, 0)),
        out_shape=jax.ShapeDtypeStruct((n, 128), jnp.float32),
    )(sp, sl, b, d0, d1)



def kernel(x, edge_index, W1, b1, W2, b2):
    n, d = x.shape
    e = edge_index.shape[1]
    n_pad = _round_up(n + 1, BLK)

    src = edge_index[0].astype(jnp.int32)
    dst = edge_index[1].astype(jnp.int32)

    spare = n_pad - n
    e1 = _round_up(e, NW)
    pad_flat = n + (jnp.arange(e1 - e, dtype=jnp.int32) % spare)
    src1 = jnp.concatenate([src, jnp.zeros((e1 - e,), jnp.int32)])
    dst1 = jnp.concatenate([dst, pad_flat])
    per_real = e1 // NW
    per_tile = _round_up(per_real, 2 * CHUNK)
    extra = per_tile - per_real
    pad_dst = n + (jnp.arange(extra, dtype=jnp.int32) % spare)
    src2 = jnp.concatenate(
        [src1.reshape(NW, per_real),
         jnp.broadcast_to(pad_dst, (NW, extra))], axis=1)
    dst2 = jnp.concatenate(
        [dst1.reshape(NW, per_real),
         jnp.broadcast_to(pad_dst, (NW, extra))], axis=1)
    src3 = src2.reshape(NW, per_tile // CHUNK, CHUNK)
    dst3 = dst2.reshape(NW, per_tile // CHUNK, CHUNK)

    x_pad = jnp.pad(x, ((0, n_pad - n), (0, 0)))
    b1r = b1.reshape(1, 128)
    b2r = b2.reshape(1, 128)

    deg_p = _sc_degree(dst3, n_pad)
    d0 = deg_p[0].reshape(n_pad, 1)
    d1 = deg_p[1].reshape(n_pad, 1)

    g1, sl1 = _tc_first(x_pad, W1, d0, d1, n_pad)
    sp1 = _sc_scatter(g1, src3, dst3, n_pad)
    g2, sl2 = _tc_mid(sp1, sl1, b1r, W2, d0, d1, n_pad)
    sp2 = _sc_scatter(g2, src3, dst3, n_pad)
    return _tc_last(sp2, sl2, b2r, d0, d1, n_pad, n)

# --- scband reference (transcript-rebuilt; emitter-appended) ---
"""Pipeline reference for scband-gnn-8383776162106 (READ-ONLY COPY).

The authoritative reference and input builder live on the scoring server;
editing this copy changes nothing except your own understanding.
"""

import jax, jax.numpy as jnp
import numpy as np

N = 10000
E = 320000
D = 128

def _glorot(key, shape):
    limit = np.sqrt(6.0 / (shape[0] + shape[1]))
    return jax.random.uniform(key, shape, minval=-limit, maxval=limit, dtype=jnp.float32)

def setup_inputs(seed: int = 0) -> dict:
    key = jax.random.key(seed)
    k1, k2, k3, k4 = jax.random.split(key, 4)
    x = jax.random.normal(k1, (N, D), dtype=jnp.float32)
    edge_index = jax.random.randint(k2, (2, E), 0, N, dtype=jnp.int64)
    W1 = _glorot(k3, (D, 128))
    b1 = jnp.zeros((128,), dtype=jnp.float32)
    W2 = _glorot(k4, (128, 128))
    b2 = jnp.zeros((128,), dtype=jnp.float32)
    return {"x": x, "edge_index": edge_index, "W1": W1, "b1": b1, "W2": W2, "b2": b2}

def _gcn_conv(x, src, dst, W, b, n):
    # PyG GCNConv: linear transform, then symmetric-normalized aggregation (self-loops already added), then bias
    h = x @ W
    deg = jnp.zeros((n,), dtype=h.dtype).at[dst].add(1.0)
    dis = jnp.where(deg > 0, 1.0 / jnp.sqrt(deg), 0.0)
    norm = dis[src] * dis[dst]
    msg = h[src] * norm[:, None]
    out = jnp.zeros((n, W.shape[1]), dtype=h.dtype).at[dst].add(msg)
    return out + b

def reference(x, edge_index, W1, b1, W2, b2):
    n = x.shape[0]
    loop = jnp.arange(n, dtype=edge_index.dtype)
    src = jnp.concatenate([edge_index[0], loop])
    dst = jnp.concatenate([edge_index[1], loop])
    h = _gcn_conv(x, src, dst, W1, b1, n)
    h = _gcn_conv(h, src, dst, W2, b2, n)
    return h

if __name__ == "__main__":
    import jax
    _d = setup_inputs()
    print(jax.jit(kernel)(*tuple(_d.values())))

</pallas_src>

<mosaic_0001>
#map = affine_map<(d0, d1) -> (0, 0, 0)>
#map1 = affine_map<(d0, d1) -> (0, 0)>
module attributes {stable_mosaic.version = 14 : i64} {
  func.func @k(%arg0: i32, %arg1: i32, %arg2: memref<32x80x128xi32, #tpu.memory_space<hbm>>, %arg3: memref<2x10240xf32, #tpu.memory_space<hbm>>, %arg4: memref<80x128xi32, #tpu.memory_space<vmem>>, %arg5: memref<128xf32, #tpu.memory_space<vmem>>, %arg6: memref<640xf32, #tpu.memory_space<vmem>>, %arg7: memref<10240xf32, #tpu.memory_space<vmem_shared>>) attributes {dimension_semantics = [#tpu.dimension_semantics<core_parallel>, #tpu.dimension_semantics<subcore_parallel>], iteration_bounds = array<i64: 2, 16>, scalar_prefetch = 0 : i64, scratch_operands = 4 : i64, tpu.core_type = #tpu.core_type<sc_vector_subcore>, window_params = [{transform_indices = #map}, {transform_indices = #map1}]} {
    %mul3A = arith.constant 16 : i32
    %mul3A_0 = arith.muli %arg0, %mul3A : i32
    %add3A = arith.addi %mul3A_0, %arg1 : i32
    %broadcast_in_dim3A = arith.constant 1.000000e+00 : f32
    %broadcast_in_dim3A_1 = vector.broadcast %broadcast_in_dim3A : f32 to vector<16xf32>
    %broadcast_in_dim3A_2 = arith.constant 0.000000e+00 : f32
    %broadcast_in_dim3A_3 = vector.broadcast %broadcast_in_dim3A_2 : f32 to vector<16xf32>
    %swap3A = arith.constant 0 : index
    %swap3A_4 = tpu.vector_load %arg5[%swap3A] {strides = array<i32>} : memref<128xf32, #tpu.memory_space<vmem>>, vector<16xf32>,
    %swap3A_5 = vector.shape_cast %swap3A_4 : vector<16xf32> to vector<16xf32>
    %swap3A_6 = vector.shape_cast %broadcast_in_dim3A_1 : vector<16xf32> to vector<16xf32>
    tpu.vector_store %arg5[%swap3A], %swap3A_6 {strides = array<i32>} : memref<128xf32, #tpu.memory_space<vmem>>, vector<16xf32>,
    %swap3A_7 = arith.constant 16 : index
    %swap3A_8 = tpu.vector_load %arg5[%swap3A_7] {strides = array<i32>} : memref<128xf32, #tpu.memory_space<vmem>>, vector<16xf32>,
    %swap3A_9 = vector.shape_cast %swap3A_8 : vector<16xf32> to vector<16xf32>
    %swap3A_10 = vector.shape_cast %broadcast_in_dim3A_1 : vector<16xf32> to vector<16xf32>
    tpu.vector_store %arg5[%swap3A_7], %swap3A_10 {strides = array<i32>} : memref<128xf32, #tpu.memory_space<vmem>>, vector<16xf32>,
    %swap3A_11 = arith.constant 32 : index
    %swap3A_12 = tpu.vector_load %arg5[%swap3A_11] {strides = array<i32>} : memref<128xf32, #tpu.memory_space<vmem>>, vector<16xf32>,
    %swap3A_13 = vector.shape_cast %swap3A_12 : vector<16xf32> to vector<16xf32>
    %swap3A_14 = vector.shape_cast %broadcast_in_dim3A_1 : vector<16xf32> to vector<16xf32>
    tpu.vector_store %arg5[%swap3A_11], %swap3A_14 {strides = array<i32>} : memref<128xf32, #tpu.memory_space<vmem>>, vector<16xf32>,
    %swap3A_15 = arith.constant 48 : index
    %swap3A_16 = tpu.vector_load %arg5[%swap3A_15] {strides = array<i32>} : memref<128xf32, #tpu.memory_space<vmem>>, vector<16xf32>,
    %swap3A_17 = vector.shape_cast %swap3A_16 : vector<16xf32> to vector<16xf32>
    %swap3A_18 = vector.shape_cast %broadcast_in_dim3A_1 : vector<16xf32> to vector<16xf32>
    tpu.vector_store %arg5[%swap3A_15], %swap3A_18 {strides = array<i32>} : memref<128xf32, #tpu.memory_space<vmem>>, vector<16xf32>,
    %swap3A_19 = arith.constant 64 : index
    %swap3A_20 = tpu.vector_load %arg5[%swap3A_19] {strides = array<i32>} : memref<128xf32, #tpu.memory_space<vmem>>, vector<16xf32>,
    %swap3A_21 = vector.shape_cast %swap3A_20 : vector<16xf32> to vector<16xf32>
    %swap3A_22 = vector.shape_cast %broadcast_in_dim3A_1 : vector<16xf32> to vector<16xf32>
    tpu.vector_store %arg5[%swap3A_19], %swap3A_22 {strides = array<i32>} : memref<128xf32, #tpu.memory_space<vmem>>, vector<16xf32>,
    %swap3A_23 = arith.constant 80 : index
    %swap3A_24 = tpu.vector_load %arg5[%swap3A_23] {strides = array<i32>} : memref<128xf32, #tpu.memory_space<vmem>>, vector<16xf32>,
    %swap3A_25 = vector.shape_cast %swap3A_24 : vector<16xf32> to vector<16xf32>
    %swap3A_26 = vector.shape_cast %broadcast_in_dim3A_1 : vector<16xf32> to vector<16xf32>
    tpu.vector_store %arg5[%swap3A_23], %swap3A_26 {strides = array<i32>} : memref<128xf32, #tpu.memory_space<vmem>>, vector<16xf32>,
    %swap3A_27 = arith.constant 96 : index
    %swap3A_28 = tpu.vector_load %arg5[%swap3A_27] {strides = array<i32>} : memref<128xf32, #tpu.memory_space<vmem>>, vector<16xf32>,
    %swap3A_29 = vector.shape_cast %swap3A_28 : vector<16xf32> to vector<16xf32>
    %swap3A_30 = vector.shape_cast %broadcast_in_dim3A_1 : vector<16xf32> to vector<16xf32>
    tpu.vector_store %arg5[%swap3A_27], %swap3A_30 {strides = array<i32>} : memref<128xf32, #tpu.memory_space<vmem>>, vector<16xf32>,
    %swap3A_31 = arith.constant 112 : index
    %swap3A_32 = tpu.vector_load %arg5[%swap3A_31] {strides = array<i32>} : memref<128xf32, #tpu.memory_space<vmem>>, vector<16xf32>,
    %swap3A_33 = vector.shape_cast %swap3A_32 : vector<16xf32> to vector<16xf32>
    %swap3A_34 = vector.shape_cast %broadcast_in_dim3A_1 : vector<16xf32> to vector<16xf32>
    tpu.vector_store %arg5[%swap3A_31], %swap3A_34 {strides = array<i32>} : memref<128xf32, #tpu.memory_space<vmem>>, vector<16xf32>,
    %scan3A = arith.constant 0 : i32
    %scan3A_35 = arith.constant 40 : i32
    %scan3A_36 = arith.addi %scan3A, %scan3A_35 : i32
    %scan3A_37 = arith.constant 1 : i32
    scf.for %scan3A_51 = %scan3A to %scan3A_36 step %scan3A_37  : i32 {
      %mul3A_52 = arith.constant 16 : i32
      %mul3A_53 = arith.muli %scan3A_51, %mul3A_52 : i32
      %swap3A_54 = arith.index_cast %mul3A_53 : i32 to index
      %swap3A_55 = tpu.vector_load %arg6[%swap3A_54] {strides = array<i32>} : memref<640xf32, #tpu.memory_space<vmem>>, vector<16xf32>,
      %swap3A_56 = vector.shape_cast %swap3A_55 : vector<16xf32> to vector<16xf32>
      %swap3A_57 = vector.shape_cast %broadcast_in_dim3A_3 : vector<16xf32> to vector<16xf32>
      tpu.vector_store %arg6[%swap3A_54], %swap3A_57 {strides = array<i32>} : memref<640xf32, #tpu.memory_space<vmem>>, vector<16xf32>,
    }
    %scan3A_38 = arith.constant 40 : i32
    %mul3A_39 = arith.constant 640 : i32
    %mul3A_40 = arith.muli %arg1, %mul3A_39 : i32
    "tpu.region"() ({
      %run_scoped3A = tpu.sem_alloc : memref<!tpu.dma_semaphore, #tpu.memory_space<semaphore_mem>>
      %dma_start3A = tpu.memref_slice %arg7[%mul3A_40] : memref<10240xf32, #tpu.memory_space<vmem_shared>> -> memref<640xf32, #tpu.memory_space<vmem_shared>>
      %dma_start3A_51 = tpu.memref_slice %arg7[%mul3A_40] : memref<10240xf32, #tpu.memory_space<vmem_shared>> -> memref<640xf32, #tpu.memory_space<vmem_shared>>
      tpu.enqueue_dma source(%arg6 : memref<640xf32, #tpu.memory_space<vmem>>) target(%dma_start3A_51 : memref<640xf32, #tpu.memory_space<vmem_shared>>) target_semaphore(%run_scoped3A : memref<!tpu.dma_semaphore, #tpu.memory_space<semaphore_mem>>)
      %dma_wait3A = tpu.memref_slice %arg7[%mul3A_40] : memref<10240xf32, #tpu.memory_space<vmem_shared>> -> memref<640xf32, #tpu.memory_space<vmem_shared>>
      %dma_wait3A_52 = tpu.memref_slice %arg7[%mul3A_40] : memref<10240xf32, #tpu.memory_space<vmem_shared>> -> memref<640xf32, #tpu.memory_space<vmem_shared>>
      tpu.wait_dma2 semaphore(%run_scoped3A : memref<!tpu.dma_semaphore, #tpu.memory_space<semaphore_mem>>) src(%arg6 : memref<640xf32, #tpu.memory_space<vmem>>) dst(%dma_wait3A_52 : memref<640xf32, #tpu.memory_space<vmem_shared>>)
      tpu.yield
    }) : () -> ()
    %barrier3A = arith.constant 0 : index
    tpu.barrier barrier_id(%barrier3A)
    "tpu.region"() ({
      %run_scoped3A = tpu.sem_alloc : memref<!tpu.dma_semaphore, #tpu.memory_space<semaphore_mem>>
      %dma_start3A = arith.constant 0 : i32
      %dma_start3A_51 = arith.constant 0 : i32
      %dma_start3A_52 = tpu.memref_slice %arg2[%add3A, %dma_start3A, %dma_start3A_51] : memref<32x80x128xi32, #tpu.memory_space<hbm>> -> memref<1x80x128xi32, #tpu.memory_space<hbm>>
      %dma_start3A_53 = tpu.memref_squeeze %dma_start3A_52 : memref<1x80x128xi32, #tpu.memory_space<hbm>> -> memref<80x128xi32, #tpu.memory_space<hbm>>
      %dma_start3A_54 = arith.constant 0 : i32
      %dma_start3A_55 = arith.constant 0 : i32
      %dma_start3A_56 = tpu.memref_slice %arg2[%add3A, %dma_start3A_54, %dma_start3A_55] : memref<32x80x128xi32, #tpu.memory_space<hbm>> -> memref<1x80x128xi32, #tpu.memory_space<hbm>>
      %dma_start3A_57 = tpu.memref_squeeze %dma_start3A_56 : memref<1x80x128xi32, #tpu.memory_space<hbm>> -> memref<80x128xi32, #tpu.memory_space<hbm>>
      tpu.enqueue_dma source(%dma_start3A_57 : memref<80x128xi32, #tpu.memory_space<hbm>>) target(%arg4 : memref<80x128xi32, #tpu.memory_space<vmem>>) target_semaphore(%run_scoped3A : memref<!tpu.dma_semaphore, #tpu.memory_space<semaphore_mem>>)
      %dma_wait3A = arith.constant 0 : i32
      %dma_wait3A_58 = arith.constant 0 : i32
      %dma_wait3A_59 = tpu.memref_slice %arg2[%add3A, %dma_wait3A, %dma_wait3A_58] : memref<32x80x128xi32, #tpu.memory_space<hbm>> -> memref<1x80x128xi32, #tpu.memory_space<hbm>>
      %dma_wait3A_60 = tpu.memref_squeeze %dma_wait3A_59 : memref<1x80x128xi32, #tpu.memory_space<hbm>> -> memref<80x128xi32, #tpu.memory_space<hbm>>
      %dma_wait3A_61 = arith.constant 0 : i32
      %dma_wait3A_62 = arith.constant 0 : i32
      %dma_wait3A_63 = tpu.memref_slice %arg2[%add3A, %dma_wait3A_61, %dma_wait3A_62] : memref<32x80x128xi32, #tpu.memory_space<hbm>> -> memref<1x80x128xi32, #tpu.memory_space<hbm>>
      %dma_wait3A_64 = tpu.memref_squeeze %dma_wait3A_63 : memref<1x80x128xi32, #tpu.memory_space<hbm>> -> memref<80x128xi32, #tpu.memory_space<hbm>>
      tpu.wait_dma2 semaphore(%run_scoped3A : memref<!tpu.dma_semaphore, #tpu.memory_space<semaphore_mem>>) src(%dma_wait3A_64 : memref<80x128xi32, #tpu.memory_space<hbm>>) dst(%arg4 : memref<80x128xi32, #tpu.memory_space<vmem>>)
      tpu.yield
    }) : () -> ()
    %scan3A_41 = arith.constant 0 : i32
    %scan3A_42 = arith.constant 80 : i32
    %scan3A_43 = arith.addi %scan3A_41, %scan3A_42 : i32
    %scan3A_44 = arith.constant 1 : i32
    scf.for %scan3A_51 = %scan3A_41 to %scan3A_43 step %scan3A_44  : i32 {
      "tpu.region"() ({
        %run_scoped3A = tpu.sem_alloc : memref<!tpu.dma_semaphore, #tpu.memory_space<semaphore_mem>>
        %dma_start3A = arith.constant 0 : i32
        %dma_start3A_52 = tpu.memref_slice %arg4[%scan3A_51, %dma_start3A] : memref<80x128xi32, #tpu.memory_space<vmem>> -> memref<1x128xi32, #tpu.memory_space<vmem>>
        %dma_start3A_53 = tpu.memref_squeeze %dma_start3A_52 : memref<1x128xi32, #tpu.memory_space<vmem>> -> memref<128xi32, #tpu.memory_space<vmem>>
        %dma_start3A_54 = arith.constant 0 : i32
        %dma_start3A_55 = tpu.memref_slice %arg7[%dma_start3A_54] : memref<10240xf32, #tpu.memory_space<vmem_shared>> -> memref<10240xf32, #tpu.memory_space<vmem_shared>>
        tpu.enqueue_indirect_dma source(%arg5 : memref<128xf32, #tpu.memory_space<vmem>>) target(%dma_start3A_55 : memref<10240xf32, #tpu.memory_space<vmem_shared>>) offsets(%dma_start3A_53 : memref<128xi32, #tpu.memory_space<vmem>>) semaphore(%run_scoped3A : memref<!tpu.dma_semaphore, #tpu.memory_space<semaphore_mem>>) {add = true}
        %dma_wait3A = arith.constant 0 : i32
        %dma_wait3A_56 = tpu.memref_slice %arg4[%scan3A_51, %dma_wait3A] : memref<80x128xi32, #tpu.memory_space<vmem>> -> memref<1x128xi32, #tpu.memory_space<vmem>>
        %dma_wait3A_57 = tpu.memref_squeeze %dma_wait3A_56 : memref<1x128xi32, #tpu.memory_space<vmem>> -> memref<128xi32, #tpu.memory_space<vmem>>
        %dma_wait3A_58 = arith.constant 0 : i32
        %dma_wait3A_59 = tpu.memref_slice %arg7[%dma_wait3A_58] : memref<10240xf32, #tpu.memory_space<vmem_shared>> -> memref<10240xf32, #tpu.memory_space<vmem_shared>>
        tpu.wait_indirect_dma semaphore(%run_scoped3A : memref<!tpu.dma_semaphore, #tpu.memory_space<semaphore_mem>>) src(%arg5 : memref<128xf32, #tpu.memory_space<vmem>>) dst(%dma_wait3A_59 : memref<10240xf32, #tpu.memory_space<vmem_shared>>)
        tpu.yield
      }) : () -> ()
    }
    %scan3A_45 = arith.constant 80 : i32
    %barrier3A_46 = arith.constant 0 : index
    tpu.barrier barrier_id(%barrier3A_46)
    %mul3A_47 = arith.constant 640 : i32
    %mul3A_48 = arith.muli %arg1, %mul3A_47 : i32
    "tpu.region"() ({
      %run_scoped3A = tpu.sem_alloc : memref<!tpu.dma_semaphore, #tpu.memory_space<semaphore_mem>>
      %dma_start3A = tpu.memref_slice %arg7[%mul3A_48] : memref<10240xf32, #tpu.memory_space<vmem_shared>> -> memref<640xf32, #tpu.memory_space<vmem_shared>>
      %dma_start3A_51 = tpu.memref_slice %arg7[%mul3A_48] : memref<10240xf32, #tpu.memory_space<vmem_shared>> -> memref<640xf32, #tpu.memory_space<vmem_shared>>
      tpu.enqueue_dma source(%dma_start3A_51 : memref<640xf32, #tpu.memory_space<vmem_shared>>) target(%arg6 : memref<640xf32, #tpu.memory_space<vmem>>) target_semaphore(%run_scoped3A : memref<!tpu.dma_semaphore, #tpu.memory_space<semaphore_mem>>)
      %dma_wait3A = tpu.memref_slice %arg7[%mul3A_48] : memref<10240xf32, #tpu.memory_space<vmem_shared>> -> memref<640xf32, #tpu.memory_space<vmem_shared>>
      %dma_wait3A_52 = tpu.memref_slice %arg7[%mul3A_48] : memref<10240xf32, #tpu.memory_space<vmem_shared>> -> memref<640xf32, #tpu.memory_space<vmem_shared>>
      tpu.wait_dma2 semaphore(%run_scoped3A : memref<!tpu.dma_semaphore, #tpu.memory_space<semaphore_mem>>) src(%dma_wait3A_52 : memref<640xf32, #tpu.memory_space<vmem_shared>>) dst(%arg6 : memref<640xf32, #tpu.memory_space<vmem>>)
      tpu.yield
    }) : () -> ()
    %mul3A_49 = arith.constant 640 : i32
    %mul3A_50 = arith.muli %arg1, %mul3A_49 : i32
    "tpu.region"() ({
      %run_scoped3A = tpu.sem_alloc : memref<!tpu.dma_semaphore, #tpu.memory_space<semaphore_mem>>
      %dma_start3A = tpu.memref_slice %arg3[%arg0, %mul3A_50] : memref<2x10240xf32, #tpu.memory_space<hbm>> -> memref<1x640xf32, #tpu.memory_space<hbm>>
      %dma_start3A_51 = tpu.memref_squeeze %dma_start3A : memref<1x640xf32, #tpu.memory_space<hbm>> -> memref<640xf32, #tpu.memory_space<hbm>>
      %dma_start3A_52 = tpu.memref_slice %arg3[%arg0, %mul3A_50] : memref<2x10240xf32, #tpu.memory_space<hbm>> -> memref<1x640xf32, #tpu.memory_space<hbm>>
      %dma_start3A_53 = tpu.memref_squeeze %dma_start3A_52 : memref<1x640xf32, #tpu.memory_space<hbm>> -> memref<640xf32, #tpu.memory_space<hbm>>
      tpu.enqueue_dma source(%arg6 : memref<640xf32, #tpu.memory_space<vmem>>) target(%dma_start3A_53 : memref<640xf32, #tpu.memory_space<hbm>>) target_semaphore(%run_scoped3A : memref<!tpu.dma_semaphore, #tpu.memory_space<semaphore_mem>>)
      %dma_wait3A = tpu.memref_slice %arg3[%arg0, %mul3A_50] : memref<2x10240xf32, #tpu.memory_space<hbm>> -> memref<1x640xf32, #tpu.memory_space<hbm>>
      %dma_wait3A_54 = tpu.memref_squeeze %dma_wait3A : memref<1x640xf32, #tpu.memory_space<hbm>> -> memref<640xf32, #tpu.memory_space<hbm>>
      %dma_wait3A_55 = tpu.memref_slice %arg3[%arg0, %mul3A_50] : memref<2x10240xf32, #tpu.memory_space<hbm>> -> memref<1x640xf32, #tpu.memory_space<hbm>>
      %dma_wait3A_56 = tpu.memref_squeeze %dma_wait3A_55 : memref<1x640xf32, #tpu.memory_space<hbm>> -> memref<640xf32, #tpu.memory_space<hbm>>
      tpu.wait_dma2 semaphore(%run_scoped3A : memref<!tpu.dma_semaphore, #tpu.memory_space<semaphore_mem>>) src(%arg6 : memref<640xf32, #tpu.memory_space<vmem>>) dst(%dma_wait3A_56 : memref<640xf32, #tpu.memory_space<hbm>>)
      tpu.yield
    }) : () -> ()
    return
  }
}

#map = affine_map<(d0, d1) -> (0, 0)>
#map1 = affine_map<(d0, d1) -> (0, 0, 0)>
module attributes {stable_mosaic.version = 14 : i64} {
  func.func @k(%arg0: i32, %arg1: i32, %arg2: memref<10240x128xf32, #tpu.memory_space<hbm>>, %arg3: memref<32x80x128xi32, #tpu.memory_space<hbm>>, %arg4: memref<32x80x128xi32, #tpu.memory_space<hbm>>, %arg5: memref<2x10240x128xf32, #tpu.memory_space<hbm>>, %arg6: memref<80x128xi32, #tpu.memory_space<vmem>>, %arg7: memref<128xi32, #tpu.memory_space<vmem>>, %arg8: memref<128xi32, #tpu.memory_space<vmem>>, %arg9: memref<128xi32, #tpu.memory_space<vmem>>, %arg10: memref<128xi32, #tpu.memory_space<vmem>>, %arg11: memref<128x128xf32, #tpu.memory_space<vmem>>, %arg12: memref<128x128xf32, #tpu.memory_space<vmem>>, %arg13: memref<10240x128xf32, #tpu.memory_space<vmem_shared>>, %arg14: memref<!tpu.dma_semaphore, #tpu.memory_space<semaphore_mem>>, %arg15: memref<!tpu.dma_semaphore, #tpu.memory_space<semaphore_mem>>, %arg16: memref<!tpu.dma_semaphore, #tpu.memory_space<semaphore_mem>>, %arg17: memref<!tpu.dma_semaphore, #tpu.memory_space<semaphore_mem>>, %arg18: memref<!tpu.dma_semaphore, #tpu.memory_space<semaphore_mem>>, %arg19: memref<!tpu.dma_semaphore, #tpu.memory_space<semaphore_mem>>, %arg20: memref<!tpu.dma_semaphore, #tpu.memory_space<semaphore_mem>>, %arg21: memref<!tpu.dma_semaphore, #tpu.memory_space<semaphore_mem>>) attributes {dimension_semantics = [#tpu.dimension_semantics<core_parallel>, #tpu.dimension_semantics<subcore_parallel>], iteration_bounds = array<i64: 2, 16>, scalar_prefetch = 0 : i64, scratch_operands = 16 : i64, tpu.core_type = #tpu.core_type<sc_vector_subcore>, window_params = [{transform_indices = #map}, {transform_indices = #map1}, {transform_indices = #map1}, {transform_indices = #map1}]} {
    %mul3A = arith.constant 16 : i32
    %mul3A_0 = arith.muli %arg0, %mul3A : i32
    %add3A = arith.addi %mul3A_0, %arg1 : i32
    %broadcast_in_dim3A = arith.constant 0.000000e+00 : f32
    %broadcast_in_dim3A_1 = vector.broadcast %broadcast_in_dim3A : f32 to vector<16xf32>
    %scan3A = arith.constant 0 : i32
    %scan3A_2 = arith.constant 128 : i32
    %scan3A_3 = arith.addi %scan3A, %scan3A_2 : i32
    %scan3A_4 = arith.constant 1 : i32
    scf.for %scan3A_71 = %scan3A to %scan3A_3 step %scan3A_4  : i32 {
      %swap3A = arith.index_cast %scan3A_71 : i32 to index
      %swap3A_72 = arith.constant 0 : index
      %swap3A_73 = tpu.vector_load %arg11[%swap3A, %swap3A_72] {strides = array<i32>} : memref<128x128xf32, #tpu.memory_space<vmem>>, vector<1x16xf32>,
      %swap3A_74 = vector.shape_cast %swap3A_73 : vector<1x16xf32> to vector<16xf32>
      %swap3A_75 = vector.shape_cast %broadcast_in_dim3A_1 : vector<16xf32> to vector<1x16xf32>
      tpu.vector_store %arg11[%swap3A, %swap3A_72], %swap3A_75 {strides = array<i32>} : memref<128x128xf32, #tpu.memory_space<vmem>>, vector<1x16xf32>,
      %swap3A_76 = arith.index_cast %scan3A_71 : i32 to index
      %swap3A_77 = arith.constant 16 : index
      %swap3A_78 = tpu.vector_load %arg11[%swap3A_76, %swap3A_77] {strides = array<i32>} : memref<128x128xf32, #tpu.memory_space<vmem>>, vector<1x16xf32>,
      %swap3A_79 = vector.shape_cast %swap3A_78 : vector<1x16xf32> to vector<16xf32>
      %swap3A_80 = vector.shape_cast %broadcast_in_dim3A_1 : vector<16xf32> to vector<1x16xf32>
      tpu.vector_store %arg11[%swap3A_76, %swap3A_77], %swap3A_80 {strides = array<i32>} : memref<128x128xf32, #tpu.memory_space<vmem>>, vector<1x16xf32>,
      %swap3A_81 = arith.index_cast %scan3A_71 : i32 to index
      %swap3A_82 = arith.constant 32 : index
      %swap3A_83 = tpu.vector_load %arg11[%swap3A_81, %swap3A_82] {strides = array<i32>} : memref<128x128xf32, #tpu.memory_space<vmem>>, vector<1x16xf32>,
      %swap3A_84 = vector.shape_cast %swap3A_83 : vector<1x16xf32> to vector<16xf32>
      %swap3A_85 = vector.shape_cast %broadcast_in_dim3A_1 : vector<16xf32> to vector<1x16xf32>
      tpu.vector_store %arg11[%swap3A_81, %swap3A_82], %swap3A_85 {strides = array<i32>} : memref<128x128xf32, #tpu.memory_space<vmem>>, vector<1x16xf32>,
      %swap3A_86 = arith.index_cast %scan3A_71 : i32 to index
      %swap3A_87 = arith.constant 48 : index
      %swap3A_88 = tpu.vector_load %arg11[%swap3A_86, %swap3A_87] {strides = array<i32>} : memref<128x128xf32, #tpu.memory_space<vmem>>, vector<1x16xf32>,
      %swap3A_89 = vector.shape_cast %swap3A_88 : vector<1x16xf32> to vector<16xf32>
      %swap3A_90 = vector.shape_cast %broadcast_in_dim3A_1 : vector<16xf32> to vector<1x16xf32>
      tpu.vector_store %arg11[%swap3A_86, %swap3A_87], %swap3A_90 {strides = array<i32>} : memref<128x128xf32, #tpu.memory_space<vmem>>, vector<1x16xf32>,
      %swap3A_91 = arith.index_cast %scan3A_71 : i32 to index
      %swap3A_92 = arith.constant 64 : index
      %swap3A_93 = tpu.vector_load %arg11[%swap3A_91, %swap3A_92] {strides = array<i32>} : memref<128x128xf32, #tpu.memory_space<vmem>>, vector<1x16xf32>,
      %swap3A_94 = vector.shape_cast %swap3A_93 : vector<1x16xf32> to vector<16xf32>
      %swap3A_95 = vector.shape_cast %broadcast_in_dim3A_1 : vector<16xf32> to vector<1x16xf32>
      tpu.vector_store %arg11[%swap3A_91, %swap3A_92], %swap3A_95 {strides = array<i32>} : memref<128x128xf32, #tpu.memory_space<vmem>>, vector<1x16xf32>,
      %swap3A_96 = arith.index_cast %scan3A_71 : i32 to index
      %swap3A_97 = arith.constant 80 : index
      %swap3A_98 = tpu.vector_load %arg11[%swap3A_96, %swap3A_97] {strides = array<i32>} : memref<128x128xf32, #tpu.memory_space<vmem>>, vector<1x16xf32>,
      %swap3A_99 = vector.shape_cast %swap3A_98 : vector<1x16xf32> to vector<16xf32>
      %swap3A_100 = vector.shape_cast %broadcast_in_dim3A_1 : vector<16xf32> to vector<1x16xf32>
      tpu.vector_store %arg11[%swap3A_96, %swap3A_97], %swap3A_100 {strides = array<i32>} : memref<128x128xf32, #tpu.memory_space<vmem>>, vector<1x16xf32>,
      %swap3A_101 = arith.index_cast %scan3A_71 : i32 to index
      %swap3A_102 = arith.constant 96 : index
      %swap3A_103 = tpu.vector_load %arg11[%swap3A_101, %swap3A_102] {strides = array<i32>} : memref<128x128xf32, #tpu.memory_space<vmem>>, vector<1x16xf32>,
      %swap3A_104 = vector.shape_cast %swap3A_103 : vector<1x16xf32> to vector<16xf32>
      %swap3A_105 = vector.shape_cast %broadcast_in_dim3A_1 : vector<16xf32> to vector<1x16xf32>
      tpu.vector_store %arg11[%swap3A_101, %swap3A_102], %swap3A_105 {strides = array<i32>} : memref<128x128xf32, #tpu.memory_space<vmem>>, vector<1x16xf32>,
      %swap3A_106 = arith.index_cast %scan3A_71 : i32 to index
      %swap3A_107 = arith.constant 112 : index
      %swap3A_108 = tpu.vector_load %arg11[%swap3A_106, %swap3A_107] {strides = array<i32>} : memref<128x128xf32, #tpu.memory_space<vmem>>, vector<1x16xf32>,
      %swap3A_109 = vector.shape_cast %swap3A_108 : vector<1x16xf32> to vector<16xf32>
      %swap3A_110 = vector.shape_cast %broadcast_in_dim3A_1 : vector<16xf32> to vector<1x16xf32>
      tpu.vector_store %arg11[%swap3A_106, %swap3A_107], %swap3A_110 {strides = array<i32>} : memref<128x128xf32, #tpu.memory_space<vmem>>, vector<1x16xf32>,
    }
    %scan3A_5 = arith.constant 128 : i32
    %mul3A_6 = arith.constant 640 : i32
    %mul3A_7 = arith.muli %arg1, %mul3A_6 : i32
    %add3A_8 = arith.constant 0 : i32
    %add3A_9 = arith.addi %mul3A_7, %add3A_8 : i32
    "tpu.region"() ({
      %run_scoped3A = tpu.sem_alloc : memref<!tpu.dma_semaphore, #tpu.memory_space<semaphore_mem>>
      %dma_start3A_71 = arith.constant 0 : i32
      %dma_start3A_72 = tpu.memref_slice %arg13[%add3A_9, %dma_start3A_71] : memref<10240x128xf32, #tpu.memory_space<vmem_shared>> -> memref<128x128xf32, #tpu.memory_space<vmem_shared>>
      %dma_start3A_73 = arith.constant 0 : i32
      %dma_start3A_74 = tpu.memref_slice %arg13[%add3A_9, %dma_start3A_73] : memref<10240x128xf32, #tpu.memory_space<vmem_shared>> -> memref<128x128xf32, #tpu.memory_space<vmem_shared>>
      tpu.enqueue_dma source(%arg11 : memref<128x128xf32, #tpu.memory_space<vmem>>) target(%dma_start3A_74 : memref<128x128xf32, #tpu.memory_space<vmem_shared>>) target_semaphore(%run_scoped3A : memref<!tpu.dma_semaphore, #tpu.memory_space<semaphore_mem>>)
      %dma_wait3A_75 = arith.constant 0 : i32
      %dma_wait3A_76 = tpu.memref_slice %arg13[%add3A_9, %dma_wait3A_75] : memref<10240x128xf32, #tpu.memory_space<vmem_shared>> -> memref<128x128xf32, #tpu.memory_space<vmem_shared>>
      %dma_wait3A_77 = arith.constant 0 : i32
      %dma_wait3A_78 = tpu.memref_slice %arg13[%add3A_9, %dma_wait3A_77] : memref<10240x128xf32, #tpu.memory_space<vmem_shared>> -> memref<128x128xf32, #tpu.memory_space<vmem_shared>>
      tpu.wait_dma2 semaphore(%run_scoped3A : memref<!tpu.dma_semaphore, #tpu.memory_space<semaphore_mem>>) src(%arg11 : memref<128x128xf32, #tpu.memory_space<vmem>>) dst(%dma_wait3A_78 : memref<128x128xf32, #tpu.memory_space<vmem_shared>>)
      tpu.yield
    }) : () -> ()
    %mul3A_10 = arith.constant 640 : i32
    %mul3A_11 = arith.muli %arg1, %mul3A_10 : i32
    %add3A_12 = arith.constant 128 : i32
    %add3A_13 = arith.addi %mul3A_11, %add3A_12 : i32
    "tpu.region"() ({
      %run_scoped3A = tpu.sem_alloc : memref<!tpu.dma_semaphore, #tpu.memory_space<semaphore_mem>>
      %dma_start3A_71 = arith.constant 0 : i32
      %dma_start3A_72 = tpu.memref_slice %arg13[%add3A_13, %dma_start3A_71] : memref<10240x128xf32, #tpu.memory_space<vmem_shared>> -> memref<128x128xf32, #tpu.memory_space<vmem_shared>>
      %dma_start3A_73 = arith.constant 0 : i32
      %dma_start3A_74 = tpu.memref_slice %arg13[%add3A_13, %dma_start3A_73] : memref<10240x128xf32, #tpu.memory_space<vmem_shared>> -> memref<128x128xf32, #tpu.memory_space<vmem_shared>>
      tpu.enqueue_dma source(%arg11 : memref<128x128xf32, #tpu.memory_space<vmem>>) target(%dma_start3A_74 : memref<128x128xf32, #tpu.memory_space<vmem_shared>>) target_semaphore(%run_scoped3A : memref<!tpu.dma_semaphore, #tpu.memory_space<semaphore_mem>>)
      %dma_wait3A_75 = arith.constant 0 : i32
      %dma_wait3A_76 = tpu.memref_slice %arg13[%add3A_13, %dma_wait3A_75] : memref<10240x128xf32, #tpu.memory_space<vmem_shared>> -> memref<128x128xf32, #tpu.memory_space<vmem_shared>>
      %dma_wait3A_77 = arith.constant 0 : i32
      %dma_wait3A_78 = tpu.memref_slice %arg13[%add3A_13, %dma_wait3A_77] : memref<10240x128xf32, #tpu.memory_space<vmem_shared>> -> memref<128x128xf32, #tpu.memory_space<vmem_shared>>
      tpu.wait_dma2 semaphore(%run_scoped3A : memref<!tpu.dma_semaphore, #tpu.memory_space<semaphore_mem>>) src(%arg11 : memref<128x128xf32, #tpu.memory_space<vmem>>) dst(%dma_wait3A_78 : memref<128x128xf32, #tpu.memory_space<vmem_shared>>)
      tpu.yield
    }) : () -> ()
    %mul3A_14 = arith.constant 640 : i32
    %mul3A_15 = arith.muli %arg1, %mul3A_14 : i32
    %add3A_16 = arith.constant 256 : i32
    %add3A_17 = arith.addi %mul3A_15, %add3A_16 : i32
    "tpu.region"() ({
      %run_scoped3A = tpu.sem_alloc : memref<!tpu.dma_semaphore, #tpu.memory_space<semaphore_mem>>
      %dma_start3A_71 = arith.constant 0 : i32
      %dma_start3A_72 = tpu.memref_slice %arg13[%add3A_17, %dma_start3A_71] : memref<10240x128xf32, #tpu.memory_space<vmem_shared>> -> memref<128x128xf32, #tpu.memory_space<vmem_shared>>
      %dma_start3A_73 = arith.constant 0 : i32
      %dma_start3A_74 = tpu.memref_slice %arg13[%add3A_17, %dma_start3A_73] : memref<10240x128xf32, #tpu.memory_space<vmem_shared>> -> memref<128x128xf32, #tpu.memory_space<vmem_shared>>
      tpu.enqueue_dma source(%arg11 : memref<128x128xf32, #tpu.memory_space<vmem>>) target(%dma_start3A_74 : memref<128x128xf32, #tpu.memory_space<vmem_shared>>) target_semaphore(%run_scoped3A : memref<!tpu.dma_semaphore, #tpu.memory_space<semaphore_mem>>)
      %dma_wait3A_75 = arith.constant 0 : i32
      %dma_wait3A_76 = tpu.memref_slice %arg13[%add3A_17, %dma_wait3A_75] : memref<10240x128xf32, #tpu.memory_space<vmem_shared>> -> memref<128x128xf32, #tpu.memory_space<vmem_shared>>
      %dma_wait3A_77 = arith.constant 0 : i32
      %dma_wait3A_78 = tpu.memref_slice %arg13[%add3A_17, %dma_wait3A_77] : memref<10240x128xf32, #tpu.memory_space<vmem_shared>> -> memref<128x128xf32, #tpu.memory_space<vmem_shared>>
      tpu.wait_dma2 semaphore(%run_scoped3A : memref<!tpu.dma_semaphore, #tpu.memory_space<semaphore_mem>>) src(%arg11 : memref<128x128xf32, #tpu.memory_space<vmem>>) dst(%dma_wait3A_78 : memref<128x128xf32, #tpu.memory_space<vmem_shared>>)
      tpu.yield
    }) : () -> ()
    %mul3A_18 = arith.constant 640 : i32
    %mul3A_19 = arith.muli %arg1, %mul3A_18 : i32
    %add3A_20 = arith.constant 384 : i32
    %add3A_21 = arith.addi %mul3A_19, %add3A_20 : i32
    "tpu.region"() ({
      %run_scoped3A = tpu.sem_alloc : memref<!tpu.dma_semaphore, #tpu.memory_space<semaphore_mem>>
      %dma_start3A_71 = arith.constant 0 : i32
      %dma_start3A_72 = tpu.memref_slice %arg13[%add3A_21, %dma_start3A_71] : memref<10240x128xf32, #tpu.memory_space<vmem_shared>> -> memref<128x128xf32, #tpu.memory_space<vmem_shared>>
      %dma_start3A_73 = arith.constant 0 : i32
      %dma_start3A_74 = tpu.memref_slice %arg13[%add3A_21, %dma_start3A_73] : memref<10240x128xf32, #tpu.memory_space<vmem_shared>> -> memref<128x128xf32, #tpu.memory_space<vmem_shared>>
      tpu.enqueue_dma source(%arg11 : memref<128x128xf32, #tpu.memory_space<vmem>>) target(%dma_start3A_74 : memref<128x128xf32, #tpu.memory_space<vmem_shared>>) target_semaphore(%run_scoped3A : memref<!tpu.dma_semaphore, #tpu.memory_space<semaphore_mem>>)
      %dma_wait3A_75 = arith.constant 0 : i32
      %dma_wait3A_76 = tpu.memref_slice %arg13[%add3A_21, %dma_wait3A_75] : memref<10240x128xf32, #tpu.memory_space<vmem_shared>> -> memref<128x128xf32, #tpu.memory_space<vmem_shared>>
      %dma_wait3A_77 = arith.constant 0 : i32
      %dma_wait3A_78 = tpu.memref_slice %arg13[%add3A_21, %dma_wait3A_77] : memref<10240x128xf32, #tpu.memory_space<vmem_shared>> -> memref<128x128xf32, #tpu.memory_space<vmem_shared>>
      tpu.wait_dma2 semaphore(%run_scoped3A : memref<!tpu.dma_semaphore, #tpu.memory_space<semaphore_mem>>) src(%arg11 : memref<128x128xf32, #tpu.memory_space<vmem>>) dst(%dma_wait3A_78 : memref<128x128xf32, #tpu.memory_space<vmem_shared>>)
      tpu.yield
    }) : () -> ()
    %mul3A_22 = arith.constant 640 : i32
    %mul3A_23 = arith.muli %arg1, %mul3A_22 : i32
    %add3A_24 = arith.constant 512 : i32
    %add3A_25 = arith.addi %mul3A_23, %add3A_24 : i32
    "tpu.region"() ({
      %run_scoped3A = tpu.sem_alloc : memref<!tpu.dma_semaphore, #tpu.memory_space<semaphore_mem>>
      %dma_start3A_71 = arith.constant 0 : i32
      %dma_start3A_72 = tpu.memref_slice %arg13[%add3A_25, %dma_start3A_71] : memref<10240x128xf32, #tpu.memory_space<vmem_shared>> -> memref<128x128xf32, #tpu.memory_space<vmem_shared>>
      %dma_start3A_73 = arith.constant 0 : i32
      %dma_start3A_74 = tpu.memref_slice %arg13[%add3A_25, %dma_start3A_73] : memref<10240x128xf32, #tpu.memory_space<vmem_shared>> -> memref<128x128xf32, #tpu.memory_space<vmem_shared>>
      tpu.enqueue_dma source(%arg11 : memref<128x128xf32, #tpu.memory_space<vmem>>) target(%dma_start3A_74 : memref<128x128xf32, #tpu.memory_space<vmem_shared>>) target_semaphore(%run_scoped3A : memref<!tpu.dma_semaphore, #tpu.memory_space<semaphore_mem>>)
      %dma_wait3A_75 = arith.constant 0 : i32
      %dma_wait3A_76 = tpu.memref_slice %arg13[%add3A_25, %dma_wait3A_75] : memref<10240x128xf32, #tpu.memory_space<vmem_shared>> -> memref<128x128xf32, #tpu.memory_space<vmem_shared>>
      %dma_wait3A_77 = arith.constant 0 : i32
      %dma_wait3A_78 = tpu.memref_slice %arg13[%add3A_25, %dma_wait3A_77] : memref<10240x128xf32, #tpu.memory_space<vmem_shared>> -> memref<128x128xf32, #tpu.memory_space<vmem_shared>>
      tpu.wait_dma2 semaphore(%run_scoped3A : memref<!tpu.dma_semaphore, #tpu.memory_space<semaphore_mem>>) src(%arg11 : memref<128x128xf32, #tpu.memory_space<vmem>>) dst(%dma_wait3A_78 : memref<128x128xf32, #tpu.memory_space<vmem_shared>>)
      tpu.yield
    }) : () -> ()
    %dma_start3A = arith.constant 0 : i32
    %dma_start3A_26 = arith.constant 0 : i32
    %dma_start3A_27 = tpu.memref_slice %arg4[%add3A, %dma_start3A, %dma_start3A_26] : memref<32x80x128xi32, #tpu.memory_space<hbm>> -> memref<1x1x128xi32, #tpu.memory_space<hbm>>
    %dma_start3A_28 = tpu.memref_squeeze %dma_start3A_27 : memref<1x1x128xi32, #tpu.memory_space<hbm>> -> memref<128xi32, #tpu.memory_space<hbm>>
    %dma_start3A_29 = arith.constant 0 : i32
    %dma_start3A_30 = tpu.memref_slice %arg4[%add3A, %dma_start3A, %dma_start3A_29] : memref<32x80x128xi32, #tpu.memory_space<hbm>> -> memref<1x1x128xi32, #tpu.memory_space<hbm>>
    %dma_start3A_31 = tpu.memref_squeeze %dma_start3A_30 : memref<1x1x128xi32, #tpu.memory_space<hbm>> -> memref<128xi32, #tpu.memory_space<hbm>>
    tpu.enqueue_dma source(%dma_start3A_31 : memref<128xi32, #tpu.memory_space<hbm>>) target(%arg7 : memref<128xi32, #tpu.memory_space<vmem>>) target_semaphore(%arg18 : memref<!tpu.dma_semaphore, #tpu.memory_space<semaphore_mem>>)
    %dma_start3A_32 = arith.constant 1 : i32
    %dma_start3A_33 = arith.constant 0 : i32
    %dma_start3A_34 = tpu.memref_slice %arg4[%add3A, %dma_start3A_32, %dma_start3A_33] : memref<32x80x128xi32, #tpu.memory_space<hbm>> -> memref<1x1x128xi32, #tpu.memory_space<hbm>>
    %dma_start3A_35 = tpu.memref_squeeze %dma_start3A_34 : memref<1x1x128xi32, #tpu.memory_space<hbm>> -> memref<128xi32, #tpu.memory_space<hbm>>
    %dma_start3A_36 = arith.constant 0 : i32
    %dma_start3A_37 = tpu.memref_slice %arg4[%add3A, %dma_start3A_32, %dma_start3A_36] : memref<32x80x128xi32, #tpu.memory_space<hbm>> -> memref<1x1x128xi32, #tpu.memory_space<hbm>>
    %dma_start3A_38 = tpu.memref_squeeze %dma_start3A_37 : memref<1x1x128xi32, #tpu.memory_space<hbm>> -> memref<128xi32, #tpu.memory_space<hbm>>
    tpu.enqueue_dma source(%dma_start3A_38 : memref<128xi32, #tpu.memory_space<hbm>>) target(%arg8 : memref<128xi32, #tpu.memory_space<vmem>>) target_semaphore(%arg19 : memref<!tpu.dma_semaphore, #tpu.memory_space<semaphore_mem>>)
    "tpu.region"() ({
      %run_scoped3A = tpu.sem_alloc : memref<!tpu.dma_semaphore, #tpu.memory_space<semaphore_mem>>
      %dma_start3A_71 = arith.constant 0 : i32
      %dma_start3A_72 = arith.constant 0 : i32
      %dma_start3A_73 = tpu.memref_slice %arg3[%add3A, %dma_start3A_71, %dma_start3A_72] : memref<32x80x128xi32, #tpu.memory_space<hbm>> -> memref<1x80x128xi32, #tpu.memory_space<hbm>>
      %dma_start3A_74 = tpu.memref_squeeze %dma_start3A_73 : memref<1x80x128xi32, #tpu.memory_space<hbm>> -> memref<80x128xi32, #tpu.memory_space<hbm>>
      %dma_start3A_75 = arith.constant 0 : i32
      %dma_start3A_76 = arith.constant 0 : i32
      %dma_start3A_77 = tpu.memref_slice %arg3[%add3A, %dma_start3A_75, %dma_start3A_76] : memref<32x80x128xi32, #tpu.memory_space<hbm>> -> memref<1x80x128xi32, #tpu.memory_space<hbm>>
      %dma_start3A_78 = tpu.memref_squeeze %dma_start3A_77 : memref<1x80x128xi32, #tpu.memory_space<hbm>> -> memref<80x128xi32, #tpu.memory_space<hbm>>
      tpu.enqueue_dma source(%dma_start3A_78 : memref<80x128xi32, #tpu.memory_space<hbm>>) target(%arg6 : memref<80x128xi32, #tpu.memory_space<vmem>>) target_semaphore(%run_scoped3A : memref<!tpu.dma_semaphore, #tpu.memory_space<semaphore_mem>>)
      %dma_wait3A_79 = arith.constant 0 : i32
      %dma_wait3A_80 = arith.constant 0 : i32
      %dma_wait3A_81 = tpu.memref_slice %arg3[%add3A, %dma_wait3A_79, %dma_wait3A_80] : memref<32x80x128xi32, #tpu.memory_space<hbm>> -> memref<1x80x128xi32, #tpu.memory_space<hbm>>
      %dma_wait3A_82 = tpu.memref_squeeze %dma_wait3A_81 : memref<1x80x128xi32, #tpu.memory_space<hbm>> -> memref<80x128xi32, #tpu.memory_space<hbm>>
      %dma_wait3A_83 = arith.constant 0 : i32
      %dma_wait3A_84 = arith.constant 0 : i32
      %dma_wait3A_85 = tpu.memref_slice %arg3[%add3A, %dma_wait3A_83, %dma_wait3A_84] : memref<32x80x128xi32, #tpu.memory_space<hbm>> -> memref<1x80x128xi32, #tpu.memory_space<hbm>>
      %dma_wait3A_86 = tpu.memref_squeeze %dma_wait3A_85 : memref<1x80x128xi32, #tpu.memory_space<hbm>> -> memref<80x128xi32, #tpu.memory_space<hbm>>
      tpu.wait_dma2 semaphore(%run_scoped3A : memref<!tpu.dma_semaphore, #tpu.memory_space<semaphore_mem>>) src(%dma_wait3A_86 : memref<80x128xi32, #tpu.memory_space<hbm>>) dst(%arg6 : memref<80x128xi32, #tpu.memory_space<vmem>>)
      tpu.yield
    }) : () -> ()
    %barrier3A = arith.constant 0 : index
    tpu.barrier barrier_id(%barrier3A)
    %scan3A_39 = arith.constant 0 : i32
    %scan3A_40 = arith.constant 20 : i32
    %scan3A_41 = arith.addi %scan3A_39, %scan3A_40 : i32
    %scan3A_42 = arith.constant 1 : i32
    scf.for %scan3A_71 = %scan3A_39 to %scan3A_41 step %scan3A_42  : i32 {
      %mul3A_72 = arith.constant 4 : i32
      %mul3A_73 = arith.muli %mul3A_72, %scan3A_71 : i32
      %add3A_74 = arith.constant 0 : i32
      %add3A_75 = arith.addi %mul3A_73, %add3A_74 : i32
      %gt3A = arith.constant 0 : i32
      %gt3A_76 = arith.cmpi sgt, %scan3A_71, %gt3A : i32
      %convert_element_type3A = arith.extui %gt3A_76 : i1 to i32
      %cond3A = arith.constant 0 : i32
      %cond3A_77 = arith.cmpi ne, %convert_element_type3A, %cond3A : i32
      scf.if %cond3A_77 {
        %dma_wait3A_213 = arith.constant 0 : i32
        %dma_wait3A_214 = arith.constant 0 : i32
        %dma_wait3A_215 = tpu.memref_slice %arg13[%dma_wait3A_213, %dma_wait3A_214] : memref<10240x128xf32, #tpu.memory_space<vmem_shared>> -> memref<10240x128xf32, #tpu.memory_space<vmem_shared>>
        tpu.wait_indirect_dma semaphore(%arg16 : memref<!tpu.dma_semaphore, #tpu.memory_space<semaphore_mem>>) src(%arg11 : memref<128x128xf32, #tpu.memory_space<vmem>>) dst(%dma_wait3A_215 : memref<10240x128xf32, #tpu.memory_space<vmem_shared>>)
      } else {
      }
      %add3A_78 = arith.constant 2 : i32
      %add3A_79 = arith.addi %add3A_75, %add3A_78 : i32
      %lt3A = arith.constant 80 : i32
      %lt3A_80 = arith.cmpi slt, %add3A_79, %lt3A : i32
      %convert_element_type3A_81 = arith.extui %lt3A_80 : i1 to i32
      %cond3A_82 = arith.constant 0 : i32
      %cond3A_83 = arith.cmpi ne, %convert_element_type3A_81, %cond3A_82 : i32
      scf.if %cond3A_83 {
        %add3A_213 = arith.constant 2 : i32
        %add3A_214 = arith.addi %add3A_75, %add3A_213 : i32
        %dma_start3A_215 = arith.constant 0 : i32
        %dma_start3A_216 = tpu.memref_slice %arg4[%add3A, %add3A_214, %dma_start3A_215] : memref<32x80x128xi32, #tpu.memory_space<hbm>> -> memref<1x1x128xi32, #tpu.memory_space<hbm>>
        %dma_start3A_217 = tpu.memref_squeeze %dma_start3A_216 : memref<1x1x128xi32, #tpu.memory_space<hbm>> -> memref<128xi32, #tpu.memory_space<hbm>>
        %dma_start3A_218 = arith.constant 0 : i32
        %dma_start3A_219 = tpu.memref_slice %arg4[%add3A, %add3A_214, %dma_start3A_218] : memref<32x80x128xi32, #tpu.memory_space<hbm>> -> memref<1x1x128xi32, #tpu.memory_space<hbm>>
        %dma_start3A_220 = tpu.memref_squeeze %dma_start3A_219 : memref<1x1x128xi32, #tpu.memory_space<hbm>> -> memref<128xi32, #tpu.memory_space<hbm>>
        tpu.enqueue_dma source(%dma_start3A_220 : memref<128xi32, #tpu.memory_space<hbm>>) target(%arg9 : memref<128xi32, #tpu.memory_space<vmem>>) target_semaphore(%arg20 : memref<!tpu.dma_semaphore, #tpu.memory_space<semaphore_mem>>)
      } else {
      }
      %dma_start3A_84 = arith.constant 0 : i32
      %dma_start3A_85 = tpu.memref_slice %arg6[%add3A_75, %dma_start3A_84] : memref<80x128xi32, #tpu.memory_space<vmem>> -> memref<1x128xi32, #tpu.memory_space<vmem>>
      %dma_start3A_86 = tpu.memref_squeeze %dma_start3A_85 : memref<1x128xi32, #tpu.memory_space<vmem>> -> memref<128xi32, #tpu.memory_space<vmem>>
      %dma_start3A_87 = arith.constant 0 : i32
      %dma_start3A_88 = arith.constant 0 : i32
      %dma_start3A_89 = tpu.memref_slice %arg2[%dma_start3A_87, %dma_start3A_88] : memref<10240x128xf32, #tpu.memory_space<hbm>> -> memref<10240x128xf32, #tpu.memory_space<hbm>>
      tpu.enqueue_indirect_dma source(%dma_start3A_89 : memref<10240x128xf32, #tpu.memory_space<hbm>>) target(%arg11 : memref<128x128xf32, #tpu.memory_space<vmem>>) offsets(%dma_start3A_86 : memref<128xi32, #tpu.memory_space<vmem>>) semaphore(%arg14 : memref<!tpu.dma_semaphore, #tpu.memory_space<semaphore_mem>>)
      %gt3A_90 = arith.constant 0 : i32
      %gt3A_91 = arith.cmpi sgt, %scan3A_71, %gt3A_90 : i32
      %convert_element_type3A_92 = arith.extui %gt3A_91 : i1 to i32
      %cond3A_93 = arith.constant 0 : i32
      %cond3A_94 = arith.cmpi ne, %convert_element_type3A_92, %cond3A_93 : i32
      scf.if %cond3A_94 {
        %sub3A_213 = arith.constant 1 : i32
        %sub3A_214 = arith.subi %add3A_75, %sub3A_213 : i32
        %dma_wait3A_215 = arith.constant 0 : i32
        %dma_wait3A_216 = tpu.memref_slice %arg6[%sub3A_214, %dma_wait3A_215] : memref<80x128xi32, #tpu.memory_space<vmem>> -> memref<1x128xi32, #tpu.memory_space<vmem>>
        %dma_wait3A_217 = tpu.memref_squeeze %dma_wait3A_216 : memref<1x128xi32, #tpu.memory_space<vmem>> -> memref<128xi32, #tpu.memory_space<vmem>>
        %dma_wait3A_218 = arith.constant 0 : i32
        %dma_wait3A_219 = arith.constant 0 : i32
        %dma_wait3A_220 = tpu.memref_slice %arg2[%dma_wait3A_218, %dma_wait3A_219] : memref<10240x128xf32, #tpu.memory_space<hbm>> -> memref<10240x128xf32, #tpu.memory_space<hbm>>
        tpu.wait_indirect_dma semaphore(%arg15 : memref<!tpu.dma_semaphore, #tpu.memory_space<semaphore_mem>>) src(%dma_wait3A_220 : memref<10240x128xf32, #tpu.memory_space<hbm>>) dst(%arg12 : memref<128x128xf32, #tpu.memory_space<vmem>>)
        %sub3A_221 = arith.constant 1 : i32
        %sub3A_222 = arith.subi %add3A_75, %sub3A_221 : i32
        %dma_wait3A_223 = arith.constant 0 : i32
        %dma_wait3A_224 = tpu.memref_slice %arg4[%add3A, %sub3A_222, %dma_wait3A_223] : memref<32x80x128xi32, #tpu.memory_space<hbm>> -> memref<1x1x128xi32, #tpu.memory_space<hbm>>
        %dma_wait3A_225 = tpu.memref_squeeze %dma_wait3A_224 : memref<1x1x128xi32, #tpu.memory_space<hbm>> -> memref<128xi32, #tpu.memory_space<hbm>>
        %dma_wait3A_226 = arith.constant 0 : i32
        %dma_wait3A_227 = tpu.memref_slice %arg4[%add3A, %sub3A_222, %dma_wait3A_226] : memref<32x80x128xi32, #tpu.memory_space<hbm>> -> memref<1x1x128xi32, #tpu.memory_space<hbm>>
        %dma_wait3A_228 = tpu.memref_squeeze %dma_wait3A_227 : memref<1x1x128xi32, #tpu.memory_space<hbm>> -> memref<128xi32, #tpu.memory_space<hbm>>
        tpu.wait_dma2 semaphore(%arg21 : memref<!tpu.dma_semaphore, #tpu.memory_space<semaphore_mem>>) src(%dma_wait3A_228 : memref<128xi32, #tpu.memory_space<hbm>>) dst(%arg10 : memref<128xi32, #tpu.memory_space<vmem>>)
        %dma_start3A_229 = arith.constant 0 : i32
        %dma_start3A_230 = arith.constant 0 : i32
        %dma_start3A_231 = tpu.memref_slice %arg13[%dma_start3A_229, %dma_start3A_230] : memref<10240x128xf32, #tpu.memory_space<vmem_shared>> -> memref<10240x128xf32, #tpu.memory_space<vmem_shared>>
        tpu.enqueue_indirect_dma source(%arg12 : memref<128x128xf32, #tpu.memory_space<vmem>>) target(%dma_start3A_231 : memref<10240x128xf32, #tpu.memory_space<vmem_shared>>) offsets(%arg10 : memref<128xi32, #tpu.memory_space<vmem>>) semaphore(%arg17 : memref<!tpu.dma_semaphore, #tpu.memory_space<semaphore_mem>>) {add = true}
      } else {
      }
      %mul3A_95 = arith.constant 4 : i32
      %mul3A_96 = arith.muli %mul3A_95, %scan3A_71 : i32
      %add3A_97 = arith.constant 1 : i32
      %add3A_98 = arith.addi %mul3A_96, %add3A_97 : i32
      %gt3A_99 = arith.constant 0 : i32
      %gt3A_100 = arith.cmpi sgt, %scan3A_71, %gt3A_99 : i32
      %convert_element_type3A_101 = arith.extui %gt3A_100 : i1 to i32
      %cond3A_102 = arith.constant 0 : i32
      %cond3A_103 = arith.cmpi ne, %convert_element_type3A_101, %cond3A_102 : i32
      scf.if %cond3A_103 {
        %dma_wait3A_213 = arith.constant 0 : i32
        %dma_wait3A_214 = arith.constant 0 : i32
        %dma_wait3A_215 = tpu.memref_slice %arg13[%dma_wait3A_213, %dma_wait3A_214] : memref<10240x128xf32, #tpu.memory_space<vmem_shared>> -> memref<10240x128xf32, #tpu.memory_space<vmem_shared>>
        tpu.wait_indirect_dma semaphore(%arg17 : memref<!tpu.dma_semaphore, #tpu.memory_space<semaphore_mem>>) src(%arg12 : memref<128x128xf32, #tpu.memory_space<vmem>>) dst(%dma_wait3A_215 : memref<10240x128xf32, #tpu.memory_space<vmem_shared>>)
      } else {
      }
      %add3A_104 = arith.constant 2 : i32
      %add3A_105 = arith.addi %add3A_98, %add3A_104 : i32
      %lt3A_106 = arith.constant 80 : i32
      %lt3A_107 = arith.cmpi slt, %add3A_105, %lt3A_106 : i32
      %convert_element_type3A_108 = arith.extui %lt3A_107 : i1 to i32
      %cond3A_109 = arith.constant 0 : i32
      %cond3A_110 = arith.cmpi ne, %convert_element_type3A_108, %cond3A_109 : i32
      scf.if %cond3A_110 {
        %add3A_213 = arith.constant 2 : i32
        %add3A_214 = arith.addi %add3A_98, %add3A_213 : i32
        %dma_start3A_215 = arith.constant 0 : i32
        %dma_start3A_216 = tpu.memref_slice %arg4[%add3A, %add3A_214, %dma_start3A_215] : memref<32x80x128xi32, #tpu.memory_space<hbm>> -> memref<1x1x128xi32, #tpu.memory_space<hbm>>
        %dma_start3A_217 = tpu.memref_squeeze %dma_start3A_216 : memref<1x1x128xi32, #tpu.memory_space<hbm>> -> memref<128xi32, #tpu.memory_space<hbm>>
        %dma_start3A_218 = arith.constant 0 : i32
        %dma_start3A_219 = tpu.memref_slice %arg4[%add3A, %add3A_214, %dma_start3A_218] : memref<32x80x128xi32, #tpu.memory_space<hbm>> -> memref<1x1x128xi32, #tpu.memory_space<hbm>>
        %dma_start3A_220 = tpu.memref_squeeze %dma_start3A_219 : memref<1x1x128xi32, #tpu.memory_space<hbm>> -> memref<128xi32, #tpu.memory_space<hbm>>
        tpu.enqueue_dma source(%dma_start3A_220 : memref<128xi32, #tpu.memory_space<hbm>>) target(%arg10 : memref<128xi32, #tpu.memory_space<vmem>>) target_semaphore(%arg21 : memref<!tpu.dma_semaphore, #tpu.memory_space<semaphore_mem>>)
      } else {
      }
      %dma_start3A_111 = arith.constant 0 : i32
      %dma_start3A_112 = tpu.memref_slice %arg6[%add3A_98, %dma_start3A_111] : memref<80x128xi32, #tpu.memory_space<vmem>> -> memref<1x128xi32, #tpu.memory_space<vmem>>
      %dma_start3A_113 = tpu.memref_squeeze %dma_start3A_112 : memref<1x128xi32, #tpu.memory_space<vmem>> -> memref<128xi32, #tpu.memory_space<vmem>>
      %dma_start3A_114 = arith.constant 0 : i32
      %dma_start3A_115 = arith.constant 0 : i32
      %dma_start3A_116 = tpu.memref_slice %arg2[%dma_start3A_114, %dma_start3A_115] : memref<10240x128xf32, #tpu.memory_space<hbm>> -> memref<10240x128xf32, #tpu.memory_space<hbm>>
      tpu.enqueue_indirect_dma source(%dma_start3A_116 : memref<10240x128xf32, #tpu.memory_space<hbm>>) target(%arg12 : memref<128x128xf32, #tpu.memory_space<vmem>>) offsets(%dma_start3A_113 : memref<128xi32, #tpu.memory_space<vmem>>) semaphore(%arg15 : memref<!tpu.dma_semaphore, #tpu.memory_space<semaphore_mem>>)
      %sub3A = arith.constant 1 : i32
      %sub3A_117 = arith.subi %add3A_98, %sub3A : i32
      %dma_wait3A_118 = arith.constant 0 : i32
      %dma_wait3A_119 = tpu.memref_slice %arg6[%sub3A_117, %dma_wait3A_118] : memref<80x128xi32, #tpu.memory_space<vmem>> -> memref<1x128xi32, #tpu.memory_space<vmem>>
      %dma_wait3A_120 = tpu.memref_squeeze %dma_wait3A_119 : memref<1x128xi32, #tpu.memory_space<vmem>> -> memref<128xi32, #tpu.memory_space<vmem>>
      %dma_wait3A_121 = arith.constant 0 : i32
      %dma_wait3A_122 = arith.constant 0 : i32
      %dma_wait3A_123 = tpu.memref_slice %arg2[%dma_wait3A_121, %dma_wait3A_122] : memref<10240x128xf32, #tpu.memory_space<hbm>> -> memref<10240x128xf32, #tpu.memory_space<hbm>>
      tpu.wait_indirect_dma semaphore(%arg14 : memref<!tpu.dma_semaphore, #tpu.memory_space<semaphore_mem>>) src(%dma_wait3A_123 : memref<10240x128xf32, #tpu.memory_space<hbm>>) dst(%arg11 : memref<128x128xf32, #tpu.memory_space<vmem>>)
      %sub3A_124 = arith.constant 1 : i32
      %sub3A_125 = arith.subi %add3A_98, %sub3A_124 : i32
      %dma_wait3A_126 = arith.constant 0 : i32
      %dma_wait3A_127 = tpu.memref_slice %arg4[%add3A, %sub3A_125, %dma_wait3A_126] : memref<32x80x128xi32, #tpu.memory_space<hbm>> -> memref<1x1x128xi32, #tpu.memory_space<hbm>>
      %dma_wait3A_128 = tpu.memref_squeeze %dma_wait3A_127 : memref<1x1x128xi32, #tpu.memory_space<hbm>> -> memref<128xi32, #tpu.memory_space<hbm>>
      %dma_wait3A_129 = arith.constant 0 : i32
      %dma_wait3A_130 = tpu.memref_slice %arg4[%add3A, %sub3A_125, %dma_wait3A_129] : memref<32x80x128xi32, #tpu.memory_space<hbm>> -> memref<1x1x128xi32, #tpu.memory_space<hbm>>
      %dma_wait3A_131 = tpu.memref_squeeze %dma_wait3A_130 : memref<1x1x128xi32, #tpu.memory_space<hbm>> -> memref<128xi32, #tpu.memory_space<hbm>>
      tpu.wait_dma2 semaphore(%arg18 : memref<!tpu.dma_semaphore, #tpu.memory_space<semaphore_mem>>) src(%dma_wait3A_131 : memref<128xi32, #tpu.memory_space<hbm>>) dst(%arg7 : memref<128xi32, #tpu.memory_space<vmem>>)
      %dma_start3A_132 = arith.constant 0 : i32
      %dma_start3A_133 = arith.constant 0 : i32
      %dma_start3A_134 = tpu.memref_slice %arg13[%dma_start3A_132, %dma_start3A_133] : memref<10240x128xf32, #tpu.memory_space<vmem_shared>> -> memref<10240x128xf32, #tpu.memory_space<vmem_shared>>
      tpu.enqueue_indirect_dma source(%arg11 : memref<128x128xf32, #tpu.memory_space<vmem>>) target(%dma_start3A_134 : memref<10240x128xf32, #tpu.memory_space<vmem_shared>>) offsets(%arg7 : memref<128xi32, #tpu.memory_space<vmem>>) semaphore(%arg16 : memref<!tpu.dma_semaphore, #tpu.memory_space<semaphore_mem>>) {add = true}
      %mul3A_135 = arith.constant 4 : i32
      %mul3A_136 = arith.muli %mul3A_135, %scan3A_71 : i32
      %add3A_137 = arith.constant 2 : i32
      %add3A_138 = arith.addi %mul3A_136, %add3A_137 : i32
      %dma_wait3A_139 = arith.constant 0 : i32
      %dma_wait3A_140 = arith.constant 0 : i32
      %dma_wait3A_141 = tpu.memref_slice %arg13[%dma_wait3A_139, %dma_wait3A_140] : memref<10240x128xf32, #tpu.memory_space<vmem_shared>> -> memref<10240x128xf32, #tpu.memory_space<vmem_shared>>
      tpu.wait_indirect_dma semaphore(%arg16 : memref<!tpu.dma_semaphore, #tpu.memory_space<semaphore_mem>>) src(%arg11 : memref<128x128xf32, #tpu.memory_space<vmem>>) dst(%dma_wait3A_141 : memref<10240x128xf32, #tpu.memory_space<vmem_shared>>)
      %add3A_142 = arith.constant 2 : i32
      %add3A_143 = arith.addi %add3A_138, %add3A_142 : i32
      %lt3A_144 = arith.constant 80 : i32
      %lt3A_145 = arith.cmpi slt, %add3A_143, %lt3A_144 : i32
      %convert_element_type3A_146 = arith.extui %lt3A_145 : i1 to i32
      %cond3A_147 = arith.constant 0 : i32
      %cond3A_148 = arith.cmpi ne, %convert_element_type3A_146, %cond3A_147 : i32
      scf.if %cond3A_148 {
        %add3A_213 = arith.constant 2 : i32
        %add3A_214 = arith.addi %add3A_138, %add3A_213 : i32
        %dma_start3A_215 = arith.constant 0 : i32
        %dma_start3A_216 = tpu.memref_slice %arg4[%add3A, %add3A_214, %dma_start3A_215] : memref<32x80x128xi32, #tpu.memory_space<hbm>> -> memref<1x1x128xi32, #tpu.memory_space<hbm>>
        %dma_start3A_217 = tpu.memref_squeeze %dma_start3A_216 : memref<1x1x128xi32, #tpu.memory_space<hbm>> -> memref<128xi32, #tpu.memory_space<hbm>>
        %dma_start3A_218 = arith.constant 0 : i32
        %dma_start3A_219 = tpu.memref_slice %arg4[%add3A, %add3A_214, %dma_start3A_218] : memref<32x80x128xi32, #tpu.memory_space<hbm>> -> memref<1x1x128xi32, #tpu.memory_space<hbm>>
        %dma_start3A_220 = tpu.memref_squeeze %dma_start3A_219 : memref<1x1x128xi32, #tpu.memory_space<hbm>> -> memref<128xi32, #tpu.memory_space<hbm>>
        tpu.enqueue_dma source(%dma_start3A_220 : memref<128xi32, #tpu.memory_space<hbm>>) target(%arg7 : memref<128xi32, #tpu.memory_space<vmem>>) target_semaphore(%arg18 : memref<!tpu.dma_semaphore, #tpu.memory_space<semaphore_mem>>)
      } else {
      }
      %dma_start3A_149 = arith.constant 0 : i32
      %dma_start3A_150 = tpu.memref_slice %arg6[%add3A_138, %dma_start3A_149] : memref<80x128xi32, #tpu.memory_space<vmem>> -> memref<1x128xi32, #tpu.memory_space<vmem>>
      %dma_start3A_151 = tpu.memref_squeeze %dma_start3A_150 : memref<1x128xi32, #tpu.memory_space<vmem>> -> memref<128xi32, #tpu.memory_space<vmem>>
      %dma_start3A_152 = arith.constant 0 : i32
      %dma_start3A_153 = arith.constant 0 : i32
      %dma_start3A_154 = tpu.memref_slice %arg2[%dma_start3A_152, %dma_start3A_153] : memref<10240x128xf32, #tpu.memory_space<hbm>> -> memref<10240x128xf32, #tpu.memory_space<hbm>>
      tpu.enqueue_indirect_dma source(%dma_start3A_154 : memref<10240x128xf32, #tpu.memory_space<hbm>>) target(%arg11 : memref<128x128xf32, #tpu.memory_space<vmem>>) offsets(%dma_start3A_151 : memref<128xi32, #tpu.memory_space<vmem>>) semaphore(%arg14 : memref<!tpu.dma_semaphore, #tpu.memory_space<semaphore_mem>>)
      %sub3A_155 = arith.constant 1 : i32
      %sub3A_156 = arith.subi %add3A_138, %sub3A_155 : i32
      %dma_wait3A_157 = arith.constant 0 : i32
      %dma_wait3A_158 = tpu.memref_slice %arg6[%sub3A_156, %dma_wait3A_157] : memref<80x128xi32, #tpu.memory_space<vmem>> -> memref<1x128xi32, #tpu.memory_space<vmem>>
      %dma_wait3A_159 = tpu.memref_squeeze %dma_wait3A_158 : memref<1x128xi32, #tpu.memory_space<vmem>> -> memref<128xi32, #tpu.memory_space<vmem>>
      %dma_wait3A_160 = arith.constant 0 : i32
      %dma_wait3A_161 = arith.constant 0 : i32
      %dma_wait3A_162 = tpu.memref_slice %arg2[%dma_wait3A_160, %dma_wait3A_161] : memref<10240x128xf32, #tpu.memory_space<hbm>> -> memref<10240x128xf32, #tpu.memory_space<hbm>>
      tpu.wait_indirect_dma semaphore(%arg15 : memref<!tpu.dma_semaphore, #tpu.memory_space<semaphore_mem>>) src(%dma_wait3A_162 : memref<10240x128xf32, #tpu.memory_space<hbm>>) dst(%arg12 : memref<128x128xf32, #tpu.memory_space<vmem>>)
      %sub3A_163 = arith.constant 1 : i32
      %sub3A_164 = arith.subi %add3A_138, %sub3A_163 : i32
      %dma_wait3A_165 = arith.constant 0 : i32
      %dma_wait3A_166 = tpu.memref_slice %arg4[%add3A, %sub3A_164, %dma_wait3A_165] : memref<32x80x128xi32, #tpu.memory_space<hbm>> -> memref<1x1x128xi32, #tpu.memory_space<hbm>>
      %dma_wait3A_167 = tpu.memref_squeeze %dma_wait3A_166 : memref<1x1x128xi32, #tpu.memory_space<hbm>> -> memref<128xi32, #tpu.memory_space<hbm>>
      %dma_wait3A_168 = arith.constant 0 : i32
      %dma_wait3A_169 = tpu.memref_slice %arg4[%add3A, %sub3A_164, %dma_wait3A_168] : memref<32x80x128xi32, #tpu.memory_space<hbm>> -> memref<1x1x128xi32, #tpu.memory_space<hbm>>
      %dma_wait3A_170 = tpu.memref_squeeze %dma_wait3A_169 : memref<1x1x128xi32, #tpu.memory_space<hbm>> -> memref<128xi32, #tpu.memory_space<hbm>>
      tpu.wait_dma2 semaphore(%arg19 : memref<!tpu.dma_semaphore, #tpu.memory_space<semaphore_mem>>) src(%dma_wait3A_170 : memref<128xi32, #tpu.memory_space<hbm>>) dst(%arg8 : memref<128xi32, #tpu.memory_space<vmem>>)
      %dma_start3A_171 = arith.constant 0 : i32
      %dma_start3A_172 = arith.constant 0 : i32
      %dma_start3A_173 = tpu.memref_slice %arg13[%dma_start3A_171, %dma_start3A_172] : memref<10240x128xf32, #tpu.memory_space<vmem_shared>> -> memref<10240x128xf32, #tpu.memory_space<vmem_shared>>
      tpu.enqueue_indirect_dma source(%arg12 : memref<128x128xf32, #tpu.memory_space<vmem>>) target(%dma_start3A_173 : memref<10240x128xf32, #tpu.memory_space<vmem_shared>>) offsets(%arg8 : memref<128xi32, #tpu.memory_space<vmem>>) semaphore(%arg17 : memref<!tpu.dma_semaphore, #tpu.memory_space<semaphore_mem>>) {add = true}
      %mul3A_174 = arith.constant 4 : i32
      %mul3A_175 = arith.muli %mul3A_174, %scan3A_71 : i32
      %add3A_176 = arith.constant 3 : i32
      %add3A_177 = arith.addi %mul3A_175, %add3A_176 : i32
      %dma_wait3A_178 = arith.constant 0 : i32
      %dma_wait3A_179 = arith.constant 0 : i32
      %dma_wait3A_180 = tpu.memref_slice %arg13[%dma_wait3A_178, %dma_wait3A_179] : memref<10240x128xf32, #tpu.memory_space<vmem_shared>> -> memref<10240x128xf32, #tpu.memory_space<vmem_shared>>
      tpu.wait_indirect_dma semaphore(%arg17 : memref<!tpu.dma_semaphore, #tpu.memory_space<semaphore_mem>>) src(%arg12 : memref<128x128xf32, #tpu.memory_space<vmem>>) dst(%dma_wait3A_180 : memref<10240x128xf32, #tpu.memory_space<vmem_shared>>)
      %add3A_181 = arith.constant 2 : i32
      %add3A_182 = arith.addi %add3A_177, %add3A_181 : i32
      %lt3A_183 = arith.constant 80 : i32
      %lt3A_184 = arith.cmpi slt, %add3A_182, %lt3A_183 : i32
      %convert_element_type3A_185 = arith.extui %lt3A_184 : i1 to i32
      %cond3A_186 = arith.constant 0 : i32
      %cond3A_187 = arith.cmpi ne, %convert_element_type3A_185, %cond3A_186 : i32
      scf.if %cond3A_187 {
        %add3A_213 = arith.constant 2 : i32
        %add3A_214 = arith.addi %add3A_177, %add3A_213 : i32
        %dma_start3A_215 = arith.constant 0 : i32
        %dma_start3A_216 = tpu.memref_slice %arg4[%add3A, %add3A_214, %dma_start3A_215] : memref<32x80x128xi32, #tpu.memory_space<hbm>> -> memref<1x1x128xi32, #tpu.memory_space<hbm>>
        %dma_start3A_217 = tpu.memref_squeeze %dma_start3A_216 : memref<1x1x128xi32, #tpu.memory_space<hbm>> -> memref<128xi32, #tpu.memory_space<hbm>>
        %dma_start3A_218 = arith.constant 0 : i32
        %dma_start3A_219 = tpu.memref_slice %arg4[%add3A, %add3A_214, %dma_start3A_218] : memref<32x80x128xi32, #tpu.memory_space<hbm>> -> memref<1x1x128xi32, #tpu.memory_space<hbm>>
        %dma_start3A_220 = tpu.memref_squeeze %dma_start3A_219 : memref<1x1x128xi32, #tpu.memory_space<hbm>> -> memref<128xi32, #tpu.memory_space<hbm>>
        tpu.enqueue_dma source(%dma_start3A_220 : memref<128xi32, #tpu.memory_space<hbm>>) target(%arg8 : memref<128xi32, #tpu.memory_space<vmem>>) target_semaphore(%arg19 : memref<!tpu.dma_semaphore, #tpu.memory_space<semaphore_mem>>)
      } else {
      }
      %dma_start3A_188 = arith.constant 0 : i32
      %dma_start3A_189 = tpu.memref_slice %arg6[%add3A_177, %dma_start3A_188] : memref<80x128xi32, #tpu.memory_space<vmem>> -> memref<1x128xi32, #tpu.memory_space<vmem>>
      %dma_start3A_190 = tpu.memref_squeeze %dma_start3A_189 : memref<1x128xi32, #tpu.memory_space<vmem>> -> memref<128xi32, #tpu.memory_space<vmem>>
      %dma_start3A_191 = arith.constant 0 : i32
      %dma_start3A_192 = arith.constant 0 : i32
      %dma_start3A_193 = tpu.memref_slice %arg2[%dma_start3A_191, %dma_start3A_192] : memref<10240x128xf32, #tpu.memory_space<hbm>> -> memref<10240x128xf32, #tpu.memory_space<hbm>>
      tpu.enqueue_indirect_dma source(%dma_start3A_193 : memref<10240x128xf32, #tpu.memory_space<hbm>>) target(%arg12 : memref<128x128xf32, #tpu.memory_space<vmem>>) offsets(%dma_start3A_190 : memref<128xi32, #tpu.memory_space<vmem>>) semaphore(%arg15 : memref<!tpu.dma_semaphore, #tpu.memory_space<semaphore_mem>>)
      %sub3A_194 = arith.constant 1 : i32
      %sub3A_195 = arith.subi %add3A_177, %sub3A_194 : i32
      %dma_wait3A_196 = arith.constant 0 : i32
      %dma_wait3A_197 = tpu.memref_slice %arg6[%sub3A_195, %dma_wait3A_196] : memref<80x128xi32, #tpu.memory_space<vmem>> -> memref<1x128xi32, #tpu.memory_space<vmem>>
      %dma_wait3A_198 = tpu.memref_squeeze %dma_wait3A_197 : memref<1x128xi32, #tpu.memory_space<vmem>> -> memref<128xi32, #tpu.memory_space<vmem>>
      %dma_wait3A_199 = arith.constant 0 : i32
      %dma_wait3A_200 = arith.constant 0 : i32
      %dma_wait3A_201 = tpu.memref_slice %arg2[%dma_wait3A_199, %dma_wait3A_200] : memref<10240x128xf32, #tpu.memory_space<hbm>> -> memref<10240x128xf32, #tpu.memory_space<hbm>>
      tpu.wait_indirect_dma semaphore(%arg14 : memref<!tpu.dma_semaphore, #tpu.memory_space<semaphore_mem>>) src(%dma_wait3A_201 : memref<10240x128xf32, #tpu.memory_space<hbm>>) dst(%arg11 : memref<128x128xf32, #tpu.memory_space<vmem>>)
      %sub3A_202 = arith.constant 1 : i32
      %sub3A_203 = arith.subi %add3A_177, %sub3A_202 : i32
      %dma_wait3A_204 = arith.constant 0 : i32
      %dma_wait3A_205 = tpu.memref_slice %arg4[%add3A, %sub3A_203, %dma_wait3A_204] : memref<32x80x128xi32, #tpu.memory_space<hbm>> -> memref<1x1x128xi32, #tpu.memory_space<hbm>>
      %dma_wait3A_206 = tpu.memref_squeeze %dma_wait3A_205 : memref<1x1x128xi32, #tpu.memory_space<hbm>> -> memref<128xi32, #tpu.memory_space<hbm>>
      %dma_wait3A_207 = arith.constant 0 : i32
      %dma_wait3A_208 = tpu.memref_slice %arg4[%add3A, %sub3A_203, %dma_wait3A_207] : memref<32x80x128xi32, #tpu.memory_space<hbm>> -> memref<1x1x128xi32, #tpu.memory_space<hbm>>
      %dma_wait3A_209 = tpu.memref_squeeze %dma_wait3A_208 : memref<1x1x128xi32, #tpu.memory_space<hbm>> -> memref<128xi32, #tpu.memory_space<hbm>>
      tpu.wait_dma2 semaphore(%arg20 : memref<!tpu.dma_semaphore, #tpu.memory_space<semaphore_mem>>) src(%dma_wait3A_209 : memref<128xi32, #tpu.memory_space<hbm>>) dst(%arg9 : memref<128xi32, #tpu.memory_space<vmem>>)
      %dma_start3A_210 = arith.constant 0 : i32
      %dma_start3A_211 = arith.constant 0 : i32
      %dma_start3A_212 = tpu.memref_slice %arg13[%dma_start3A_210, %dma_start3A_211] : memref<10240x128xf32, #tpu.memory_space<vmem_shared>> -> memref<10240x128xf32, #tpu.memory_space<vmem_shared>>
      tpu.enqueue_indirect_dma source(%arg11 : memref<128x128xf32, #tpu.memory_space<vmem>>) target(%dma_start3A_212 : memref<10240x128xf32, #tpu.memory_space<vmem_shared>>) offsets(%arg9 : memref<128xi32, #tpu.memory_space<vmem>>) semaphore(%arg16 : memref<!tpu.dma_semaphore, #tpu.memory_space<semaphore_mem>>) {add = true}
    }
    %scan3A_43 = arith.constant 20 : i32
    %dma_wait3A = arith.constant 79 : i32
    %dma_wait3A_44 = arith.constant 0 : i32
    %dma_wait3A_45 = tpu.memref_slice %arg6[%dma_wait3A, %dma_wait3A_44] : memref<80x128xi32, #tpu.memory_space<vmem>> -> memref<1x128xi32, #tpu.memory_space<vmem>>
    %dma_wait3A_46 = tpu.memref_squeeze %dma_wait3A_45 : memref<1x128xi32, #tpu.memory_space<vmem>> -> memref<128xi32, #tpu.memory_space<vmem>>
    %dma_wait3A_47 = arith.constant 0 : i32
    %dma_wait3A_48 = arith.constant 0 : i32
    %dma_wait3A_49 = tpu.memref_slice %arg2[%dma_wait3A_47, %dma_wait3A_48] : memref<10240x128xf32, #tpu.memory_space<hbm>> -> memref<10240x128xf32, #tpu.memory_space<hbm>>
    tpu.wait_indirect_dma semaphore(%arg15 : memref<!tpu.dma_semaphore, #tpu.memory_space<semaphore_mem>>) src(%dma_wait3A_49 : memref<10240x128xf32, #tpu.memory_space<hbm>>) dst(%arg12 : memref<128x128xf32, #tpu.memory_space<vmem>>)
    %dma_wait3A_50 = arith.constant 79 : i32
    %dma_wait3A_51 = arith.constant 0 : i32
    %dma_wait3A_52 = tpu.memref_slice %arg4[%add3A, %dma_wait3A_50, %dma_wait3A_51] : memref<32x80x128xi32, #tpu.memory_space<hbm>> -> memref<1x1x128xi32, #tpu.memory_space<hbm>>
    %dma_wait3A_53 = tpu.memref_squeeze %dma_wait3A_52 : memref<1x1x128xi32, #tpu.memory_space<hbm>> -> memref<128xi32, #tpu.memory_space<hbm>>
    %dma_wait3A_54 = arith.constant 0 : i32
    %dma_wait3A_55 = tpu.memref_slice %arg4[%add3A, %dma_wait3A_50, %dma_wait3A_54] : memref<32x80x128xi32, #tpu.memory_space<hbm>> -> memref<1x1x128xi32, #tpu.memory_space<hbm>>
    %dma_wait3A_56 = tpu.memref_squeeze %dma_wait3A_55 : memref<1x1x128xi32, #tpu.memory_space<hbm>> -> memref<128xi32, #tpu.memory_space<hbm>>
    tpu.wait_dma2 semaphore(%arg21 : memref<!tpu.dma_semaphore, #tpu.memory_space<semaphore_mem>>) src(%dma_wait3A_56 : memref<128xi32, #tpu.memory_space<hbm>>) dst(%arg10 : memref<128xi32, #tpu.memory_space<vmem>>)
    %dma_start3A_57 = arith.constant 0 : i32
    %dma_start3A_58 = arith.constant 0 : i32
    %dma_start3A_59 = tpu.memref_slice %arg13[%dma_start3A_57, %dma_start3A_58] : memref<10240x128xf32, #tpu.memory_space<vmem_shared>> -> memref<10240x128xf32, #tpu.memory_space<vmem_shared>>
    tpu.enqueue_indirect_dma source(%arg12 : memref<128x128xf32, #tpu.memory_space<vmem>>) target(%dma_start3A_59 : memref<10240x128xf32, #tpu.memory_space<vmem_shared>>) offsets(%arg10 : memref<128xi32, #tpu.memory_space<vmem>>) semaphore(%arg17 : memref<!tpu.dma_semaphore, #tpu.memory_space<semaphore_mem>>) {add = true}
    %dma_wait3A_60 = arith.constant 0 : i32
    %dma_wait3A_61 = arith.constant 0 : i32
    %dma_wait3A_62 = tpu.memref_slice %arg13[%dma_wait3A_60, %dma_wait3A_61] : memref<10240x128xf32, #tpu.memory_space<vmem_shared>> -> memref<10240x128xf32, #tpu.memory_space<vmem_shared>>
    tpu.wait_indirect_dma semaphore(%arg16 : memref<!tpu.dma_semaphore, #tpu.memory_space<semaphore_mem>>) src(%arg11 : memref<128x128xf32, #tpu.memory_space<vmem>>) dst(%dma_wait3A_62 : memref<10240x128xf32, #tpu.memory_space<vmem_shared>>)
    %dma_wait3A_63 = arith.constant 0 : i32
    %dma_wait3A_64 = arith.constant 0 : i32
    %dma_wait3A_65 = tpu.memref_slice %arg13[%dma_wait3A_63, %dma_wait3A_64] : memref<10240x128xf32, #tpu.memory_space<vmem_shared>> -> memref<10240x128xf32, #tpu.memory_space<vmem_shared>>
    tpu.wait_indirect_dma semaphore(%arg17 : memref<!tpu.dma_semaphore, #tpu.memory_space<semaphore_mem>>) src(%arg12 : memref<128x128xf32, #tpu.memory_space<vmem>>) dst(%dma_wait3A_65 : memref<10240x128xf32, #tpu.memory_space<vmem_shared>>)
    %barrier3A_66 = arith.constant 0 : index
    tpu.barrier barrier_id(%barrier3A_66)
    %mul3A_67 = arith.constant 640 : i32
    %mul3A_68 = arith.muli %arg1, %mul3A_67 : i32
    %mul3A_69 = arith.constant 640 : i32
    %mul3A_70 = arith.muli %arg1, %mul3A_69 : i32
    "tpu.region"() ({
      %run_scoped3A = tpu.sem_alloc : memref<!tpu.dma_semaphore, #tpu.memory_space<semaphore_mem>>
      %dma_start3A_71 = arith.constant 0 : i32
      %dma_start3A_72 = tpu.memref_slice %arg5[%arg0, %mul3A_70, %dma_start3A_71] : memref<2x10240x128xf32, #tpu.memory_space<hbm>> -> memref<1x640x128xf32, #tpu.memory_space<hbm>>
      %dma_start3A_73 = tpu.memref_squeeze %dma_start3A_72 : memref<1x640x128xf32, #tpu.memory_space<hbm>> -> memref<640x128xf32, #tpu.memory_space<hbm>>
      %dma_start3A_74 = arith.constant 0 : i32
      %dma_start3A_75 = tpu.memref_slice %arg13[%mul3A_68, %dma_start3A_74] : memref<10240x128xf32, #tpu.memory_space<vmem_shared>> -> memref<640x128xf32, #tpu.memory_space<vmem_shared>>
      tpu.enqueue_dma source(%dma_start3A_75 : memref<640x128xf32, #tpu.memory_space<vmem_shared>>) target(%dma_start3A_73 : memref<640x128xf32, #tpu.memory_space<hbm>>) target_semaphore(%run_scoped3A : memref<!tpu.dma_semaphore, #tpu.memory_space<semaphore_mem>>)
      %dma_wait3A_76 = arith.constant 0 : i32
      %dma_wait3A_77 = tpu.memref_slice %arg5[%arg0, %mul3A_70, %dma_wait3A_76] : memref<2x10240x128xf32, #tpu.memory_space<hbm>> -> memref<1x640x128xf32, #tpu.memory_space<hbm>>
      %dma_wait3A_78 = tpu.memref_squeeze %dma_wait3A_77 : memref<1x640x128xf32, #tpu.memory_space<hbm>> -> memref<640x128xf32, #tpu.memory_space<hbm>>
      %dma_wait3A_79 = arith.constant 0 : i32
      %dma_wait3A_80 = tpu.memref_slice %arg13[%mul3A_68, %dma_wait3A_79] : memref<10240x128xf32, #tpu.memory_space<vmem_shared>> -> memref<640x128xf32, #tpu.memory_space<vmem_shared>>
      tpu.wait_dma2 semaphore(%run_scoped3A : memref<!tpu.dma_semaphore, #tpu.memory_space<semaphore_mem>>) src(%dma_wait3A_80 : memref<640x128xf32, #tpu.memory_space<vmem_shared>>) dst(%dma_wait3A_78 : memref<640x128xf32, #tpu.memory_space<hbm>>)
      tpu.yield
    }) : () -> ()
    return
  }
}

#map = affine_map<(d0, d1) -> (0, 0)>
#map1 = affine_map<(d0, d1) -> (0, 0, 0)>
module attributes {stable_mosaic.version = 14 : i64} {
  func.func @k(%arg0: i32, %arg1: i32, %arg2: memref<10240x128xf32, #tpu.memory_space<hbm>>, %arg3: memref<32x80x128xi32, #tpu.memory_space<hbm>>, %arg4: memref<32x80x128xi32, #tpu.memory_space<hbm>>, %arg5: memref<2x10240x128xf32, #tpu.memory_space<hbm>>, %arg6: memref<80x128xi32, #tpu.memory_space<vmem>>, %arg7: memref<128xi32, #tpu.memory_space<vmem>>, %arg8: memref<128xi32, #tpu.memory_space<vmem>>, %arg9: memref<128xi32, #tpu.memory_space<vmem>>, %arg10: memref<128xi32, #tpu.memory_space<vmem>>, %arg11: memref<128x128xf32, #tpu.memory_space<vmem>>, %arg12: memref<128x128xf32, #tpu.memory_space<vmem>>, %arg13: memref<10240x128xf32, #tpu.memory_space<vmem_shared>>, %arg14: memref<!tpu.dma_semaphore, #tpu.memory_space<semaphore_mem>>, %arg15: memref<!tpu.dma_semaphore, #tpu.memory_space<semaphore_mem>>, %arg16: memref<!tpu.dma_semaphore, #tpu.memory_space<semaphore_mem>>, %arg17: memref<!tpu.dma_semaphore, #tpu.memory_space<semaphore_mem>>, %arg18: memref<!tpu.dma_semaphore, #tpu.memory_space<semaphore_mem>>, %arg19: memref<!tpu.dma_semaphore, #tpu.memory_space<semaphore_mem>>, %arg20: memref<!tpu.dma_semaphore, #tpu.memory_space<semaphore_mem>>, %arg21: memref<!tpu.dma_semaphore, #tpu.memory_space<semaphore_mem>>) attributes {dimension_semantics = [#tpu.dimension_semantics<core_parallel>, #tpu.dimension_semantics<subcore_parallel>], iteration_bounds = array<i64: 2, 16>, scalar_prefetch = 0 : i64, scratch_operands = 16 : i64, tpu.core_type = #tpu.core_type<sc_vector_subcore>, window_params = [{transform_indices = #map}, {transform_indices = #map1}, {transform_indices = #map1}, {transform_indices = #map1}]} {
    %mul3A = arith.constant 16 : i32
    %mul3A_0 = arith.muli %arg0, %mul3A : i32
    %add3A = arith.addi %mul3A_0, %arg1 : i32
    %broadcast_in_dim3A = arith.constant 0.000000e+00 : f32
    %broadcast_in_dim3A_1 = vector.broadcast %broadcast_in_dim3A : f32 to vector<16xf32>
    %scan3A = arith.constant 0 : i32
    %scan3A_2 = arith.constant 128 : i32
    %scan3A_3 = arith.addi %scan3A, %scan3A_2 : i32
    %scan3A_4 = arith.constant 1 : i32
    scf.for %scan3A_71 = %scan3A to %scan3A_3 step %scan3A_4  : i32 {
      %swap3A = arith.index_cast %scan3A_71 : i32 to index
      %swap3A_72 = arith.constant 0 : index
      %swap3A_73 = tpu.vector_load %arg11[%swap3A, %swap3A_72] {strides = array<i32>} : memref<128x128xf32, #tpu.memory_space<vmem>>, vector<1x16xf32>,
      %swap3A_74 = vector.shape_cast %swap3A_73 : vector<1x16xf32> to vector<16xf32>
      %swap3A_75 = vector.shape_cast %broadcast_in_dim3A_1 : vector<16xf32> to vector<1x16xf32>
      tpu.vector_store %arg11[%swap3A, %swap3A_72], %swap3A_75 {strides = array<i32>} : memref<128x128xf32, #tpu.memory_space<vmem>>, vector<1x16xf32>,
      %swap3A_76 = arith.index_cast %scan3A_71 : i32 to index
      %swap3A_77 = arith.constant 16 : index
      %swap3A_78 = tpu.vector_load %arg11[%swap3A_76, %swap3A_77] {strides = array<i32>} : memref<128x128xf32, #tpu.memory_space<vmem>>, vector<1x16xf32>,
      %swap3A_79 = vector.shape_cast %swap3A_78 : vector<1x16xf32> to vector<16xf32>
      %swap3A_80 = vector.shape_cast %broadcast_in_dim3A_1 : vector<16xf32> to vector<1x16xf32>
      tpu.vector_store %arg11[%swap3A_76, %swap3A_77], %swap3A_80 {strides = array<i32>} : memref<128x128xf32, #tpu.memory_space<vmem>>, vector<1x16xf32>,
      %swap3A_81 = arith.index_cast %scan3A_71 : i32 to index
      %swap3A_82 = arith.constant 32 : index
      %swap3A_83 = tpu.vector_load %arg11[%swap3A_81, %swap3A_82] {strides = array<i32>} : memref<128x128xf32, #tpu.memory_space<vmem>>, vector<1x16xf32>,
      %swap3A_84 = vector.shape_cast %swap3A_83 : vector<1x16xf32> to vector<16xf32>
      %swap3A_85 = vector.shape_cast %broadcast_in_dim3A_1 : vector<16xf32> to vector<1x16xf32>
      tpu.vector_store %arg11[%swap3A_81, %swap3A_82], %swap3A_85 {strides = array<i32>} : memref<128x128xf32, #tpu.memory_space<vmem>>, vector<1x16xf32>,
      %swap3A_86 = arith.index_cast %scan3A_71 : i32 to index
      %swap3A_87 = arith.constant 48 : index
      %swap3A_88 = tpu.vector_load %arg11[%swap3A_86, %swap3A_87] {strides = array<i32>} : memref<128x128xf32, #tpu.memory_space<vmem>>, vector<1x16xf32>,
      %swap3A_89 = vector.shape_cast %swap3A_88 : vector<1x16xf32> to vector<16xf32>
      %swap3A_90 = vector.shape_cast %broadcast_in_dim3A_1 : vector<16xf32> to vector<1x16xf32>
      tpu.vector_store %arg11[%swap3A_86, %swap3A_87], %swap3A_90 {strides = array<i32>} : memref<128x128xf32, #tpu.memory_space<vmem>>, vector<1x16xf32>,
      %swap3A_91 = arith.index_cast %scan3A_71 : i32 to index
      %swap3A_92 = arith.constant 64 : index
      %swap3A_93 = tpu.vector_load %arg11[%swap3A_91, %swap3A_92] {strides = array<i32>} : memref<128x128xf32, #tpu.memory_space<vmem>>, vector<1x16xf32>,
      %swap3A_94 = vector.shape_cast %swap3A_93 : vector<1x16xf32> to vector<16xf32>
      %swap3A_95 = vector.shape_cast %broadcast_in_dim3A_1 : vector<16xf32> to vector<1x16xf32>
      tpu.vector_store %arg11[%swap3A_91, %swap3A_92], %swap3A_95 {strides = array<i32>} : memref<128x128xf32, #tpu.memory_space<vmem>>, vector<1x16xf32>,
      %swap3A_96 = arith.index_cast %scan3A_71 : i32 to index
      %swap3A_97 = arith.constant 80 : index
      %swap3A_98 = tpu.vector_load %arg11[%swap3A_96, %swap3A_97] {strides = array<i32>} : memref<128x128xf32, #tpu.memory_space<vmem>>, vector<1x16xf32>,
      %swap3A_99 = vector.shape_cast %swap3A_98 : vector<1x16xf32> to vector<16xf32>
      %swap3A_100 = vector.shape_cast %broadcast_in_dim3A_1 : vector<16xf32> to vector<1x16xf32>
      tpu.vector_store %arg11[%swap3A_96, %swap3A_97], %swap3A_100 {strides = array<i32>} : memref<128x128xf32, #tpu.memory_space<vmem>>, vector<1x16xf32>,
      %swap3A_101 = arith.index_cast %scan3A_71 : i32 to index
      %swap3A_102 = arith.constant 96 : index
      %swap3A_103 = tpu.vector_load %arg11[%swap3A_101, %swap3A_102] {strides = array<i32>} : memref<128x128xf32, #tpu.memory_space<vmem>>, vector<1x16xf32>,
      %swap3A_104 = vector.shape_cast %swap3A_103 : vector<1x16xf32> to vector<16xf32>
      %swap3A_105 = vector.shape_cast %broadcast_in_dim3A_1 : vector<16xf32> to vector<1x16xf32>
      tpu.vector_store %arg11[%swap3A_101, %swap3A_102], %swap3A_105 {strides = array<i32>} : memref<128x128xf32, #tpu.memory_space<vmem>>, vector<1x16xf32>,
      %swap3A_106 = arith.index_cast %scan3A_71 : i32 to index
      %swap3A_107 = arith.constant 112 : index
      %swap3A_108 = tpu.vector_load %arg11[%swap3A_106, %swap3A_107] {strides = array<i32>} : memref<128x128xf32, #tpu.memory_space<vmem>>, vector<1x16xf32>,
      %swap3A_109 = vector.shape_cast %swap3A_108 : vector<1x16xf32> to vector<16xf32>
      %swap3A_110 = vector.shape_cast %broadcast_in_dim3A_1 : vector<16xf32> to vector<1x16xf32>
      tpu.vector_store %arg11[%swap3A_106, %swap3A_107], %swap3A_110 {strides = array<i32>} : memref<128x128xf32, #tpu.memory_space<vmem>>, vector<1x16xf32>,
    }
    %scan3A_5 = arith.constant 128 : i32
    %mul3A_6 = arith.constant 640 : i32
    %mul3A_7 = arith.muli %arg1, %mul3A_6 : i32
    %add3A_8 = arith.constant 0 : i32
    %add3A_9 = arith.addi %mul3A_7, %add3A_8 : i32
    "tpu.region"() ({
      %run_scoped3A = tpu.sem_alloc : memref<!tpu.dma_semaphore, #tpu.memory_space<semaphore_mem>>
      %dma_start3A_71 = arith.constant 0 : i32
      %dma_start3A_72 = tpu.memref_slice %arg13[%add3A_9, %dma_start3A_71] : memref<10240x128xf32, #tpu.memory_space<vmem_shared>> -> memref<128x128xf32, #tpu.memory_space<vmem_shared>>
      %dma_start3A_73 = arith.constant 0 : i32
      %dma_start3A_74 = tpu.memref_slice %arg13[%add3A_9, %dma_start3A_73] : memref<10240x128xf32, #tpu.memory_space<vmem_shared>> -> memref<128x128xf32, #tpu.memory_space<vmem_shared>>
      tpu.enqueue_dma source(%arg11 : memref<128x128xf32, #tpu.memory_space<vmem>>) target(%dma_start3A_74 : memref<128x128xf32, #tpu.memory_space<vmem_shared>>) target_semaphore(%run_scoped3A : memref<!tpu.dma_semaphore, #tpu.memory_space<semaphore_mem>>)
      %dma_wait3A_75 = arith.constant 0 : i32
      %dma_wait3A_76 = tpu.memref_slice %arg13[%add3A_9, %dma_wait3A_75] : memref<10240x128xf32, #tpu.memory_space<vmem_shared>> -> memref<128x128xf32, #tpu.memory_space<vmem_shared>>
      %dma_wait3A_77 = arith.constant 0 : i32
      %dma_wait3A_78 = tpu.memref_slice %arg13[%add3A_9, %dma_wait3A_77] : memref<10240x128xf32, #tpu.memory_space<vmem_shared>> -> memref<128x128xf32, #tpu.memory_space<vmem_shared>>
      tpu.wait_dma2 semaphore(%run_scoped3A : memref<!tpu.dma_semaphore, #tpu.memory_space<semaphore_mem>>) src(%arg11 : memref<128x128xf32, #tpu.memory_space<vmem>>) dst(%dma_wait3A_78 : memref<128x128xf32, #tpu.memory_space<vmem_shared>>)
      tpu.yield
    }) : () -> ()
    %mul3A_10 = arith.constant 640 : i32
    %mul3A_11 = arith.muli %arg1, %mul3A_10 : i32
    %add3A_12 = arith.constant 128 : i32
    %add3A_13 = arith.addi %mul3A_11, %add3A_12 : i32
    "tpu.region"() ({
      %run_scoped3A = tpu.sem_alloc : memref<!tpu.dma_semaphore, #tpu.memory_space<semaphore_mem>>
      %dma_start3A_71 = arith.constant 0 : i32
      %dma_start3A_72 = tpu.memref_slice %arg13[%add3A_13, %dma_start3A_71] : memref<10240x128xf32, #tpu.memory_space<vmem_shared>> -> memref<128x128xf32, #tpu.memory_space<vmem_shared>>
      %dma_start3A_73 = arith.constant 0 : i32
      %dma_start3A_74 = tpu.memref_slice %arg13[%add3A_13, %dma_start3A_73] : memref<10240x128xf32, #tpu.memory_space<vmem_shared>> -> memref<128x128xf32, #tpu.memory_space<vmem_shared>>
      tpu.enqueue_dma source(%arg11 : memref<128x128xf32, #tpu.memory_space<vmem>>) target(%dma_start3A_74 : memref<128x128xf32, #tpu.memory_space<vmem_shared>>) target_semaphore(%run_scoped3A : memref<!tpu.dma_semaphore, #tpu.memory_space<semaphore_mem>>)
      %dma_wait3A_75 = arith.constant 0 : i32
      %dma_wait3A_76 = tpu.memref_slice %arg13[%add3A_13, %dma_wait3A_75] : memref<10240x128xf32, #tpu.memory_space<vmem_shared>> -> memref<128x128xf32, #tpu.memory_space<vmem_shared>>
      %dma_wait3A_77 = arith.constant 0 : i32
      %dma_wait3A_78 = tpu.memref_slice %arg13[%add3A_13, %dma_wait3A_77] : memref<10240x128xf32, #tpu.memory_space<vmem_shared>> -> memref<128x128xf32, #tpu.memory_space<vmem_shared>>
      tpu.wait_dma2 semaphore(%run_scoped3A : memref<!tpu.dma_semaphore, #tpu.memory_space<semaphore_mem>>) src(%arg11 : memref<128x128xf32, #tpu.memory_space<vmem>>) dst(%dma_wait3A_78 : memref<128x128xf32, #tpu.memory_space<vmem_shared>>)
      tpu.yield
    }) : () -> ()
    %mul3A_14 = arith.constant 640 : i32
    %mul3A_15 = arith.muli %arg1, %mul3A_14 : i32
    %add3A_16 = arith.constant 256 : i32
    %add3A_17 = arith.addi %mul3A_15, %add3A_16 : i32
    "tpu.region"() ({
      %run_scoped3A = tpu.sem_alloc : memref<!tpu.dma_semaphore, #tpu.memory_space<semaphore_mem>>
      %dma_start3A_71 = arith.constant 0 : i32
      %dma_start3A_72 = tpu.memref_slice %arg13[%add3A_17, %dma_start3A_71] : memref<10240x128xf32, #tpu.memory_space<vmem_shared>> -> memref<128x128xf32, #tpu.memory_space<vmem_shared>>
      %dma_start3A_73 = arith.constant 0 : i32
      %dma_start3A_74 = tpu.memref_slice %arg13[%add3A_17, %dma_start3A_73] : memref<10240x128xf32, #tpu.memory_space<vmem_shared>> -> memref<128x128xf32, #tpu.memory_space<vmem_shared>>
      tpu.enqueue_dma source(%arg11 : memref<128x128xf32, #tpu.memory_space<vmem>>) target(%dma_start3A_74 : memref<128x128xf32, #tpu.memory_space<vmem_shared>>) target_semaphore(%run_scoped3A : memref<!tpu.dma_semaphore, #tpu.memory_space<semaphore_mem>>)
      %dma_wait3A_75 = arith.constant 0 : i32
      %dma_wait3A_76 = tpu.memref_slice %arg13[%add3A_17, %dma_wait3A_75] : memref<10240x128xf32, #tpu.memory_space<vmem_shared>> -> memref<128x128xf32, #tpu.memory_space<vmem_shared>>
      %dma_wait3A_77 = arith.constant 0 : i32
      %dma_wait3A_78 = tpu.memref_slice %arg13[%add3A_17, %dma_wait3A_77] : memref<10240x128xf32, #tpu.memory_space<vmem_shared>> -> memref<128x128xf32, #tpu.memory_space<vmem_shared>>
      tpu.wait_dma2 semaphore(%run_scoped3A : memref<!tpu.dma_semaphore, #tpu.memory_space<semaphore_mem>>) src(%arg11 : memref<128x128xf32, #tpu.memory_space<vmem>>) dst(%dma_wait3A_78 : memref<128x128xf32, #tpu.memory_space<vmem_shared>>)
      tpu.yield
    }) : () -> ()
    %mul3A_18 = arith.constant 640 : i32
    %mul3A_19 = arith.muli %arg1, %mul3A_18 : i32
    %add3A_20 = arith.constant 384 : i32
    %add3A_21 = arith.addi %mul3A_19, %add3A_20 : i32
    "tpu.region"() ({
      %run_scoped3A = tpu.sem_alloc : memref<!tpu.dma_semaphore, #tpu.memory_space<semaphore_mem>>
      %dma_start3A_71 = arith.constant 0 : i32
      %dma_start3A_72 = tpu.memref_slice %arg13[%add3A_21, %dma_start3A_71] : memref<10240x128xf32, #tpu.memory_space<vmem_shared>> -> memref<128x128xf32, #tpu.memory_space<vmem_shared>>
      %dma_start3A_73 = arith.constant 0 : i32
      %dma_start3A_74 = tpu.memref_slice %arg13[%add3A_21, %dma_start3A_73] : memref<10240x128xf32, #tpu.memory_space<vmem_shared>> -> memref<128x128xf32, #tpu.memory_space<vmem_shared>>
      tpu.enqueue_dma source(%arg11 : memref<128x128xf32, #tpu.memory_space<vmem>>) target(%dma_start3A_74 : memref<128x128xf32, #tpu.memory_space<vmem_shared>>) target_semaphore(%run_scoped3A : memref<!tpu.dma_semaphore, #tpu.memory_space<semaphore_mem>>)
      %dma_wait3A_75 = arith.constant 0 : i32
      %dma_wait3A_76 = tpu.memref_slice %arg13[%add3A_21, %dma_wait3A_75] : memref<10240x128xf32, #tpu.memory_space<vmem_shared>> -> memref<128x128xf32, #tpu.memory_space<vmem_shared>>
      %dma_wait3A_77 = arith.constant 0 : i32
      %dma_wait3A_78 = tpu.memref_slice %arg13[%add3A_21, %dma_wait3A_77] : memref<10240x128xf32, #tpu.memory_space<vmem_shared>> -> memref<128x128xf32, #tpu.memory_space<vmem_shared>>
      tpu.wait_dma2 semaphore(%run_scoped3A : memref<!tpu.dma_semaphore, #tpu.memory_space<semaphore_mem>>) src(%arg11 : memref<128x128xf32, #tpu.memory_space<vmem>>) dst(%dma_wait3A_78 : memref<128x128xf32, #tpu.memory_space<vmem_shared>>)
      tpu.yield
    }) : () -> ()
    %mul3A_22 = arith.constant 640 : i32
    %mul3A_23 = arith.muli %arg1, %mul3A_22 : i32
    %add3A_24 = arith.constant 512 : i32
    %add3A_25 = arith.addi %mul3A_23, %add3A_24 : i32
    "tpu.region"() ({
      %run_scoped3A = tpu.sem_alloc : memref<!tpu.dma_semaphore, #tpu.memory_space<semaphore_mem>>
      %dma_start3A_71 = arith.constant 0 : i32
      %dma_start3A_72 = tpu.memref_slice %arg13[%add3A_25, %dma_start3A_71] : memref<10240x128xf32, #tpu.memory_space<vmem_shared>> -> memref<128x128xf32, #tpu.memory_space<vmem_shared>>
      %dma_start3A_73 = arith.constant 0 : i32
      %dma_start3A_74 = tpu.memref_slice %arg13[%add3A_25, %dma_start3A_73] : memref<10240x128xf32, #tpu.memory_space<vmem_shared>> -> memref<128x128xf32, #tpu.memory_space<vmem_shared>>
      tpu.enqueue_dma source(%arg11 : memref<128x128xf32, #tpu.memory_space<vmem>>) target(%dma_start3A_74 : memref<128x128xf32, #tpu.memory_space<vmem_shared>>) target_semaphore(%run_scoped3A : memref<!tpu.dma_semaphore, #tpu.memory_space<semaphore_mem>>)
      %dma_wait3A_75 = arith.constant 0 : i32
      %dma_wait3A_76 = tpu.memref_slice %arg13[%add3A_25, %dma_wait3A_75] : memref<10240x128xf32, #tpu.memory_space<vmem_shared>> -> memref<128x128xf32, #tpu.memory_space<vmem_shared>>
      %dma_wait3A_77 = arith.constant 0 : i32
      %dma_wait3A_78 = tpu.memref_slice %arg13[%add3A_25, %dma_wait3A_77] : memref<10240x128xf32, #tpu.memory_space<vmem_shared>> -> memref<128x128xf32, #tpu.memory_space<vmem_shared>>
      tpu.wait_dma2 semaphore(%run_scoped3A : memref<!tpu.dma_semaphore, #tpu.memory_space<semaphore_mem>>) src(%arg11 : memref<128x128xf32, #tpu.memory_space<vmem>>) dst(%dma_wait3A_78 : memref<128x128xf32, #tpu.memory_space<vmem_shared>>)
      tpu.yield
    }) : () -> ()
    %dma_start3A = arith.constant 0 : i32
    %dma_start3A_26 = arith.constant 0 : i32
    %dma_start3A_27 = tpu.memref_slice %arg4[%add3A, %dma_start3A, %dma_start3A_26] : memref<32x80x128xi32, #tpu.memory_space<hbm>> -> memref<1x1x128xi32, #tpu.memory_space<hbm>>
    %dma_start3A_28 = tpu.memref_squeeze %dma_start3A_27 : memref<1x1x128xi32, #tpu.memory_space<hbm>> -> memref<128xi32, #tpu.memory_space<hbm>>
    %dma_start3A_29 = arith.constant 0 : i32
    %dma_start3A_30 = tpu.memref_slice %arg4[%add3A, %dma_start3A, %dma_start3A_29] : memref<32x80x128xi32, #tpu.memory_space<hbm>> -> memref<1x1x128xi32, #tpu.memory_space<hbm>>
    %dma_start3A_31 = tpu.memref_squeeze %dma_start3A_30 : memref<1x1x128xi32, #tpu.memory_space<hbm>> -> memref<128xi32, #tpu.memory_space<hbm>>
    tpu.enqueue_dma source(%dma_start3A_31 : memref<128xi32, #tpu.memory_space<hbm>>) target(%arg7 : memref<128xi32, #tpu.memory_space<vmem>>) target_semaphore(%arg18 : memref<!tpu.dma_semaphore, #tpu.memory_space<semaphore_mem>>)
    %dma_start3A_32 = arith.constant 1 : i32
    %dma_start3A_33 = arith.constant 0 : i32
    %dma_start3A_34 = tpu.memref_slice %arg4[%add3A, %dma_start3A_32, %dma_start3A_33] : memref<32x80x128xi32, #tpu.memory_space<hbm>> -> memref<1x1x128xi32, #tpu.memory_space<hbm>>
    %dma_start3A_35 = tpu.memref_squeeze %dma_start3A_34 : memref<1x1x128xi32, #tpu.memory_space<hbm>> -> memref<128xi32, #tpu.memory_space<hbm>>
    %dma_start3A_36 = arith.constant 0 : i32
    %dma_start3A_37 = tpu.memref_slice %arg4[%add3A, %dma_start3A_32, %dma_start3A_36] : memref<32x80x128xi32, #tpu.memory_space<hbm>> -> memref<1x1x128xi32, #tpu.memory_space<hbm>>
    %dma_start3A_38 = tpu.memref_squeeze %dma_start3A_37 : memref<1x1x128xi32, #tpu.memory_space<hbm>> -> memref<128xi32, #tpu.memory_space<hbm>>
    tpu.enqueue_dma source(%dma_start3A_38 : memref<128xi32, #tpu.memory_space<hbm>>) target(%arg8 : memref<128xi32, #tpu.memory_space<vmem>>) target_semaphore(%arg19 : memref<!tpu.dma_semaphore, #tpu.memory_space<semaphore_mem>>)
    "tpu.region"() ({
      %run_scoped3A = tpu.sem_alloc : memref<!tpu.dma_semaphore, #tpu.memory_space<semaphore_mem>>
      %dma_start3A_71 = arith.constant 0 : i32
      %dma_start3A_72 = arith.constant 0 : i32
      %dma_start3A_73 = tpu.memref_slice %arg3[%add3A, %dma_start3A_71, %dma_start3A_72] : memref<32x80x128xi32, #tpu.memory_space<hbm>> -> memref<1x80x128xi32, #tpu.memory_space<hbm>>
      %dma_start3A_74 = tpu.memref_squeeze %dma_start3A_73 : memref<1x80x128xi32, #tpu.memory_space<hbm>> -> memref<80x128xi32, #tpu.memory_space<hbm>>
      %dma_start3A_75 = arith.constant 0 : i32
      %dma_start3A_76 = arith.constant 0 : i32
      %dma_start3A_77 = tpu.memref_slice %arg3[%add3A, %dma_start3A_75, %dma_start3A_76] : memref<32x80x128xi32, #tpu.memory_space<hbm>> -> memref<1x80x128xi32, #tpu.memory_space<hbm>>
      %dma_start3A_78 = tpu.memref_squeeze %dma_start3A_77 : memref<1x80x128xi32, #tpu.memory_space<hbm>> -> memref<80x128xi32, #tpu.memory_space<hbm>>
      tpu.enqueue_dma source(%dma_start3A_78 : memref<80x128xi32, #tpu.memory_space<hbm>>) target(%arg6 : memref<80x128xi32, #tpu.memory_space<vmem>>) target_semaphore(%run_scoped3A : memref<!tpu.dma_semaphore, #tpu.memory_space<semaphore_mem>>)
      %dma_wait3A_79 = arith.constant 0 : i32
      %dma_wait3A_80 = arith.constant 0 : i32
      %dma_wait3A_81 = tpu.memref_slice %arg3[%add3A, %dma_wait3A_79, %dma_wait3A_80] : memref<32x80x128xi32, #tpu.memory_space<hbm>> -> memref<1x80x128xi32, #tpu.memory_space<hbm>>
      %dma_wait3A_82 = tpu.memref_squeeze %dma_wait3A_81 : memref<1x80x128xi32, #tpu.memory_space<hbm>> -> memref<80x128xi32, #tpu.memory_space<hbm>>
      %dma_wait3A_83 = arith.constant 0 : i32
      %dma_wait3A_84 = arith.constant 0 : i32
      %dma_wait3A_85 = tpu.memref_slice %arg3[%add3A, %dma_wait3A_83, %dma_wait3A_84] : memref<32x80x128xi32, #tpu.memory_space<hbm>> -> memref<1x80x128xi32, #tpu.memory_space<hbm>>
      %dma_wait3A_86 = tpu.memref_squeeze %dma_wait3A_85 : memref<1x80x128xi32, #tpu.memory_space<hbm>> -> memref<80x128xi32, #tpu.memory_space<hbm>>
      tpu.wait_dma2 semaphore(%run_scoped3A : memref<!tpu.dma_semaphore, #tpu.memory_space<semaphore_mem>>) src(%dma_wait3A_86 : memref<80x128xi32, #tpu.memory_space<hbm>>) dst(%arg6 : memref<80x128xi32, #tpu.memory_space<vmem>>)
      tpu.yield
    }) : () -> ()
    %barrier3A = arith.constant 0 : index
    tpu.barrier barrier_id(%barrier3A)
    %scan3A_39 = arith.constant 0 : i32
    %scan3A_40 = arith.constant 20 : i32
    %scan3A_41 = arith.addi %scan3A_39, %scan3A_40 : i32
    %scan3A_42 = arith.constant 1 : i32
    scf.for %scan3A_71 = %scan3A_39 to %scan3A_41 step %scan3A_42  : i32 {
      %mul3A_72 = arith.constant 4 : i32
      %mul3A_73 = arith.muli %mul3A_72, %scan3A_71 : i32
      %add3A_74 = arith.constant 0 : i32
      %add3A_75 = arith.addi %mul3A_73, %add3A_74 : i32
      %gt3A = arith.constant 0 : i32
      %gt3A_76 = arith.cmpi sgt, %scan3A_71, %gt3A : i32
      %convert_element_type3A = arith.extui %gt3A_76 : i1 to i32
      %cond3A = arith.constant 0 : i32
      %cond3A_77 = arith.cmpi ne, %convert_element_type3A, %cond3A : i32
      scf.if %cond3A_77 {
        %dma_wait3A_213 = arith.constant 0 : i32
        %dma_wait3A_214 = arith.constant 0 : i32
        %dma_wait3A_215 = tpu.memref_slice %arg13[%dma_wait3A_213, %dma_wait3A_214] : memref<10240x128xf32, #tpu.memory_space<vmem_shared>> -> memref<10240x128xf32, #tpu.memory_space<vmem_shared>>
        tpu.wait_indirect_dma semaphore(%arg16 : memref<!tpu.dma_semaphore, #tpu.memory_space<semaphore_mem>>) src(%arg11 : memref<128x128xf32, #tpu.memory_space<vmem>>) dst(%dma_wait3A_215 : memref<10240x128xf32, #tpu.memory_space<vmem_shared>>)
      } else {
      }
      %add3A_78 = arith.constant 2 : i32
      %add3A_79 = arith.addi %add3A_75, %add3A_78 : i32
      %lt3A = arith.constant 80 : i32
      %lt3A_80 = arith.cmpi slt, %add3A_79, %lt3A : i32
      %convert_element_type3A_81 = arith.extui %lt3A_80 : i1 to i32
      %cond3A_82 = arith.constant 0 : i32
      %cond3A_83 = arith.cmpi ne, %convert_element_type3A_81, %cond3A_82 : i32
      scf.if %cond3A_83 {
        %add3A_213 = arith.constant 2 : i32
        %add3A_214 = arith.addi %add3A_75, %add3A_213 : i32
        %dma_start3A_215 = arith.constant 0 : i32
        %dma_start3A_216 = tpu.memref_slice %arg4[%add3A, %add3A_214, %dma_start3A_215] : memref<32x80x128xi32, #tpu.memory_space<hbm>> -> memref<1x1x128xi32, #tpu.memory_space<hbm>>
        %dma_start3A_217 = tpu.memref_squeeze %dma_start3A_216 : memref<1x1x128xi32, #tpu.memory_space<hbm>> -> memref<128xi32, #tpu.memory_space<hbm>>
        %dma_start3A_218 = arith.constant 0 : i32
        %dma_start3A_219 = tpu.memref_slice %arg4[%add3A, %add3A_214, %dma_start3A_218] : memref<32x80x128xi32, #tpu.memory_space<hbm>> -> memref<1x1x128xi32, #tpu.memory_space<hbm>>
        %dma_start3A_220 = tpu.memref_squeeze %dma_start3A_219 : memref<1x1x128xi32, #tpu.memory_space<hbm>> -> memref<128xi32, #tpu.memory_space<hbm>>
        tpu.enqueue_dma source(%dma_start3A_220 : memref<128xi32, #tpu.memory_space<hbm>>) target(%arg9 : memref<128xi32, #tpu.memory_space<vmem>>) target_semaphore(%arg20 : memref<!tpu.dma_semaphore, #tpu.memory_space<semaphore_mem>>)
      } else {
      }
      %dma_start3A_84 = arith.constant 0 : i32
      %dma_start3A_85 = tpu.memref_slice %arg6[%add3A_75, %dma_start3A_84] : memref<80x128xi32, #tpu.memory_space<vmem>> -> memref<1x128xi32, #tpu.memory_space<vmem>>
      %dma_start3A_86 = tpu.memref_squeeze %dma_start3A_85 : memref<1x128xi32, #tpu.memory_space<vmem>> -> memref<128xi32, #tpu.memory_space<vmem>>
      %dma_start3A_87 = arith.constant 0 : i32
      %dma_start3A_88 = arith.constant 0 : i32
      %dma_start3A_89 = tpu.memref_slice %arg2[%dma_start3A_87, %dma_start3A_88] : memref<10240x128xf32, #tpu.memory_space<hbm>> -> memref<10240x128xf32, #tpu.memory_space<hbm>>
      tpu.enqueue_indirect_dma source(%dma_start3A_89 : memref<10240x128xf32, #tpu.memory_space<hbm>>) target(%arg11 : memref<128x128xf32, #tpu.memory_space<vmem>>) offsets(%dma_start3A_86 : memref<128xi32, #tpu.memory_space<vmem>>) semaphore(%arg14 : memref<!tpu.dma_semaphore, #tpu.memory_space<semaphore_mem>>)
      %gt3A_90 = arith.constant 0 : i32
      %gt3A_91 = arith.cmpi sgt, %scan3A_71, %gt3A_90 : i32
      %convert_element_type3A_92 = arith.extui %gt3A_91 : i1 to i32
      %cond3A_93 = arith.constant 0 : i32
      %cond3A_94 = arith.cmpi ne, %convert_element_type3A_92, %cond3A_93 : i32
      scf.if %cond3A_94 {
        %sub3A_213 = arith.constant 1 : i32
        %sub3A_214 = arith.subi %add3A_75, %sub3A_213 : i32
        %dma_wait3A_215 = arith.constant 0 : i32
        %dma_wait3A_216 = tpu.memref_slice %arg6[%sub3A_214, %dma_wait3A_215] : memref<80x128xi32, #tpu.memory_space<vmem>> -> memref<1x128xi32, #tpu.memory_space<vmem>>
        %dma_wait3A_217 = tpu.memref_squeeze %dma_wait3A_216 : memref<1x128xi32, #tpu.memory_space<vmem>> -> memref<128xi32, #tpu.memory_space<vmem>>
        %dma_wait3A_218 = arith.constant 0 : i32
        %dma_wait3A_219 = arith.constant 0 : i32
        %dma_wait3A_220 = tpu.memref_slice %arg2[%dma_wait3A_218, %dma_wait3A_219] : memref<10240x128xf32, #tpu.memory_space<hbm>> -> memref<10240x128xf32, #tpu.memory_space<hbm>>
        tpu.wait_indirect_dma semaphore(%arg15 : memref<!tpu.dma_semaphore, #tpu.memory_space<semaphore_mem>>) src(%dma_wait3A_220 : memref<10240x128xf32, #tpu.memory_space<hbm>>) dst(%arg12 : memref<128x128xf32, #tpu.memory_space<vmem>>)
        %sub3A_221 = arith.constant 1 : i32
        %sub3A_222 = arith.subi %add3A_75, %sub3A_221 : i32
        %dma_wait3A_223 = arith.constant 0 : i32
        %dma_wait3A_224 = tpu.memref_slice %arg4[%add3A, %sub3A_222, %dma_wait3A_223] : memref<32x80x128xi32, #tpu.memory_space<hbm>> -> memref<1x1x128xi32, #tpu.memory_space<hbm>>
        %dma_wait3A_225 = tpu.memref_squeeze %dma_wait3A_224 : memref<1x1x128xi32, #tpu.memory_space<hbm>> -> memref<128xi32, #tpu.memory_space<hbm>>
        %dma_wait3A_226 = arith.constant 0 : i32
        %dma_wait3A_227 = tpu.memref_slice %arg4[%add3A, %sub3A_222, %dma_wait3A_226] : memref<32x80x128xi32, #tpu.memory_space<hbm>> -> memref<1x1x128xi32, #tpu.memory_space<hbm>>
        %dma_wait3A_228 = tpu.memref_squeeze %dma_wait3A_227 : memref<1x1x128xi32, #tpu.memory_space<hbm>> -> memref<128xi32, #tpu.memory_space<hbm>>
        tpu.wait_dma2 semaphore(%arg21 : memref<!tpu.dma_semaphore, #tpu.memory_space<semaphore_mem>>) src(%dma_wait3A_228 : memref<128xi32, #tpu.memory_space<hbm>>) dst(%arg10 : memref<128xi32, #tpu.memory_space<vmem>>)
        %dma_start3A_229 = arith.constant 0 : i32
        %dma_start3A_230 = arith.constant 0 : i32
        %dma_start3A_231 = tpu.memref_slice %arg13[%dma_start3A_229, %dma_start3A_230] : memref<10240x128xf32, #tpu.memory_space<vmem_shared>> -> memref<10240x128xf32, #tpu.memory_space<vmem_shared>>
        tpu.enqueue_indirect_dma source(%arg12 : memref<128x128xf32, #tpu.memory_space<vmem>>) target(%dma_start3A_231 : memref<10240x128xf32, #tpu.memory_space<vmem_shared>>) offsets(%arg10 : memref<128xi32, #tpu.memory_space<vmem>>) semaphore(%arg17 : memref<!tpu.dma_semaphore, #tpu.memory_space<semaphore_mem>>) {add = true}
      } else {
      }
      %mul3A_95 = arith.constant 4 : i32
      %mul3A_96 = arith.muli %mul3A_95, %scan3A_71 : i32
      %add3A_97 = arith.constant 1 : i32
      %add3A_98 = arith.addi %mul3A_96, %add3A_97 : i32
      %gt3A_99 = arith.constant 0 : i32
      %gt3A_100 = arith.cmpi sgt, %scan3A_71, %gt3A_99 : i32
      %convert_element_type3A_101 = arith.extui %gt3A_100 : i1 to i32
      %cond3A_102 = arith.constant 0 : i32
      %cond3A_103 = arith.cmpi ne, %convert_element_type3A_101, %cond3A_102 : i32
      scf.if %cond3A_103 {
        %dma_wait3A_213 = arith.constant 0 : i32
        %dma_wait3A_214 = arith.constant 0 : i32
        %dma_wait3A_215 = tpu.memref_slice %arg13[%dma_wait3A_213, %dma_wait3A_214] : memref<10240x128xf32, #tpu.memory_space<vmem_shared>> -> memref<10240x128xf32, #tpu.memory_space<vmem_shared>>
        tpu.wait_indirect_dma semaphore(%arg17 : memref<!tpu.dma_semaphore, #tpu.memory_space<semaphore_mem>>) src(%arg12 : memref<128x128xf32, #tpu.memory_space<vmem>>) dst(%dma_wait3A_215 : memref<10240x128xf32, #tpu.memory_space<vmem_shared>>)
      } else {
      }
      %add3A_104 = arith.constant 2 : i32
      %add3A_105 = arith.addi %add3A_98, %add3A_104 : i32
      %lt3A_106 = arith.constant 80 : i32
      %lt3A_107 = arith.cmpi slt, %add3A_105, %lt3A_106 : i32
      %convert_element_type3A_108 = arith.extui %lt3A_107 : i1 to i32
      %cond3A_109 = arith.constant 0 : i32
      %cond3A_110 = arith.cmpi ne, %convert_element_type3A_108, %cond3A_109 : i32
      scf.if %cond3A_110 {
        %add3A_213 = arith.constant 2 : i32
        %add3A_214 = arith.addi %add3A_98, %add3A_213 : i32
        %dma_start3A_215 = arith.constant 0 : i32
        %dma_start3A_216 = tpu.memref_slice %arg4[%add3A, %add3A_214, %dma_start3A_215] : memref<32x80x128xi32, #tpu.memory_space<hbm>> -> memref<1x1x128xi32, #tpu.memory_space<hbm>>
        %dma_start3A_217 = tpu.memref_squeeze %dma_start3A_216 : memref<1x1x128xi32, #tpu.memory_space<hbm>> -> memref<128xi32, #tpu.memory_space<hbm>>
        %dma_start3A_218 = arith.constant 0 : i32
        %dma_start3A_219 = tpu.memref_slice %arg4[%add3A, %add3A_214, %dma_start3A_218] : memref<32x80x128xi32, #tpu.memory_space<hbm>> -> memref<1x1x128xi32, #tpu.memory_space<hbm>>
        %dma_start3A_220 = tpu.memref_squeeze %dma_start3A_219 : memref<1x1x128xi32, #tpu.memory_space<hbm>> -> memref<128xi32, #tpu.memory_space<hbm>>
        tpu.enqueue_dma source(%dma_start3A_220 : memref<128xi32, #tpu.memory_space<hbm>>) target(%arg10 : memref<128xi32, #tpu.memory_space<vmem>>) target_semaphore(%arg21 : memref<!tpu.dma_semaphore, #tpu.memory_space<semaphore_mem>>)
      } else {
      }
      %dma_start3A_111 = arith.constant 0 : i32
      %dma_start3A_112 = tpu.memref_slice %arg6[%add3A_98, %dma_start3A_111] : memref<80x128xi32, #tpu.memory_space<vmem>> -> memref<1x128xi32, #tpu.memory_space<vmem>>
      %dma_start3A_113 = tpu.memref_squeeze %dma_start3A_112 : memref<1x128xi32, #tpu.memory_space<vmem>> -> memref<128xi32, #tpu.memory_space<vmem>>
      %dma_start3A_114 = arith.constant 0 : i32
      %dma_start3A_115 = arith.constant 0 : i32
      %dma_start3A_116 = tpu.memref_slice %arg2[%dma_start3A_114, %dma_start3A_115] : memref<10240x128xf32, #tpu.memory_space<hbm>> -> memref<10240x128xf32, #tpu.memory_space<hbm>>
      tpu.enqueue_indirect_dma source(%dma_start3A_116 : memref<10240x128xf32, #tpu.memory_space<hbm>>) target(%arg12 : memref<128x128xf32, #tpu.memory_space<vmem>>) offsets(%dma_start3A_113 : memref<128xi32, #tpu.memory_space<vmem>>) semaphore(%arg15 : memref<!tpu.dma_semaphore, #tpu.memory_space<semaphore_mem>>)
      %sub3A = arith.constant 1 : i32
      %sub3A_117 = arith.subi %add3A_98, %sub3A : i32
      %dma_wait3A_118 = arith.constant 0 : i32
      %dma_wait3A_119 = tpu.memref_slice %arg6[%sub3A_117, %dma_wait3A_118] : memref<80x128xi32, #tpu.memory_space<vmem>> -> memref<1x128xi32, #tpu.memory_space<vmem>>
      %dma_wait3A_120 = tpu.memref_squeeze %dma_wait3A_119 : memref<1x128xi32, #tpu.memory_space<vmem>> -> memref<128xi32, #tpu.memory_space<vmem>>
      %dma_wait3A_121 = arith.constant 0 : i32
      %dma_wait3A_122 = arith.constant 0 : i32
      %dma_wait3A_123 = tpu.memref_slice %arg2[%dma_wait3A_121, %dma_wait3A_122] : memref<10240x128xf32, #tpu.memory_space<hbm>> -> memref<10240x128xf32, #tpu.memory_space<hbm>>
      tpu.wait_indirect_dma semaphore(%arg14 : memref<!tpu.dma_semaphore, #tpu.memory_space<semaphore_mem>>) src(%dma_wait3A_123 : memref<10240x128xf32, #tpu.memory_space<hbm>>) dst(%arg11 : memref<128x128xf32, #tpu.memory_space<vmem>>)
      %sub3A_124 = arith.constant 1 : i32
      %sub3A_125 = arith.subi %add3A_98, %sub3A_124 : i32
      %dma_wait3A_126 = arith.constant 0 : i32
      %dma_wait3A_127 = tpu.memref_slice %arg4[%add3A, %sub3A_125, %dma_wait3A_126] : memref<32x80x128xi32, #tpu.memory_space<hbm>> -> memref<1x1x128xi32, #tpu.memory_space<hbm>>
      %dma_wait3A_128 = tpu.memref_squeeze %dma_wait3A_127 : memref<1x1x128xi32, #tpu.memory_space<hbm>> -> memref<128xi32, #tpu.memory_space<hbm>>
      %dma_wait3A_129 = arith.constant 0 : i32
      %dma_wait3A_130 = tpu.memref_slice %arg4[%add3A, %sub3A_125, %dma_wait3A_129] : memref<32x80x128xi32, #tpu.memory_space<hbm>> -> memref<1x1x128xi32, #tpu.memory_space<hbm>>
      %dma_wait3A_131 = tpu.memref_squeeze %dma_wait3A_130 : memref<1x1x128xi32, #tpu.memory_space<hbm>> -> memref<128xi32, #tpu.memory_space<hbm>>
      tpu.wait_dma2 semaphore(%arg18 : memref<!tpu.dma_semaphore, #tpu.memory_space<semaphore_mem>>) src(%dma_wait3A_131 : memref<128xi32, #tpu.memory_space<hbm>>) dst(%arg7 : memref<128xi32, #tpu.memory_space<vmem>>)
      %dma_start3A_132 = arith.constant 0 : i32
      %dma_start3A_133 = arith.constant 0 : i32
      %dma_start3A_134 = tpu.memref_slice %arg13[%dma_start3A_132, %dma_start3A_133] : memref<10240x128xf32, #tpu.memory_space<vmem_shared>> -> memref<10240x128xf32, #tpu.memory_space<vmem_shared>>
      tpu.enqueue_indirect_dma source(%arg11 : memref<128x128xf32, #tpu.memory_space<vmem>>) target(%dma_start3A_134 : memref<10240x128xf32, #tpu.memory_space<vmem_shared>>) offsets(%arg7 : memref<128xi32, #tpu.memory_space<vmem>>) semaphore(%arg16 : memref<!tpu.dma_semaphore, #tpu.memory_space<semaphore_mem>>) {add = true}
      %mul3A_135 = arith.constant 4 : i32
      %mul3A_136 = arith.muli %mul3A_135, %scan3A_71 : i32
      %add3A_137 = arith.constant 2 : i32
      %add3A_138 = arith.addi %mul3A_136, %add3A_137 : i32
      %dma_wait3A_139 = arith.constant 0 : i32
      %dma_wait3A_140 = arith.constant 0 : i32
      %dma_wait3A_141 = tpu.memref_slice %arg13[%dma_wait3A_139, %dma_wait3A_140] : memref<10240x128xf32, #tpu.memory_space<vmem_shared>> -> memref<10240x128xf32, #tpu.memory_space<vmem_shared>>
      tpu.wait_indirect_dma semaphore(%arg16 : memref<!tpu.dma_semaphore, #tpu.memory_space<semaphore_mem>>) src(%arg11 : memref<128x128xf32, #tpu.memory_space<vmem>>) dst(%dma_wait3A_141 : memref<10240x128xf32, #tpu.memory_space<vmem_shared>>)
      %add3A_142 = arith.constant 2 : i32
      %add3A_143 = arith.addi %add3A_138, %add3A_142 : i32
      %lt3A_144 = arith.constant 80 : i32
      %lt3A_145 = arith.cmpi slt, %add3A_143, %lt3A_144 : i32
      %convert_element_type3A_146 = arith.extui %lt3A_145 : i1 to i32
      %cond3A_147 = arith.constant 0 : i32
      %cond3A_148 = arith.cmpi ne, %convert_element_type3A_146, %cond3A_147 : i32
      scf.if %cond3A_148 {
        %add3A_213 = arith.constant 2 : i32
        %add3A_214 = arith.addi %add3A_138, %add3A_213 : i32
        %dma_start3A_215 = arith.constant 0 : i32
        %dma_start3A_216 = tpu.memref_slice %arg4[%add3A, %add3A_214, %dma_start3A_215] : memref<32x80x128xi32, #tpu.memory_space<hbm>> -> memref<1x1x128xi32, #tpu.memory_space<hbm>>
        %dma_start3A_217 = tpu.memref_squeeze %dma_start3A_216 : memref<1x1x128xi32, #tpu.memory_space<hbm>> -> memref<128xi32, #tpu.memory_space<hbm>>
        %dma_start3A_218 = arith.constant 0 : i32
        %dma_start3A_219 = tpu.memref_slice %arg4[%add3A, %add3A_214, %dma_start3A_218] : memref<32x80x128xi32, #tpu.memory_space<hbm>> -> memref<1x1x128xi32, #tpu.memory_space<hbm>>
        %dma_start3A_220 = tpu.memref_squeeze %dma_start3A_219 : memref<1x1x128xi32, #tpu.memory_space<hbm>> -> memref<128xi32, #tpu.memory_space<hbm>>
        tpu.enqueue_dma source(%dma_start3A_220 : memref<128xi32, #tpu.memory_space<hbm>>) target(%arg7 : memref<128xi32, #tpu.memory_space<vmem>>) target_semaphore(%arg18 : memref<!tpu.dma_semaphore, #tpu.memory_space<semaphore_mem>>)
      } else {
      }
      %dma_start3A_149 = arith.constant 0 : i32
      %dma_start3A_150 = tpu.memref_slice %arg6[%add3A_138, %dma_start3A_149] : memref<80x128xi32, #tpu.memory_space<vmem>> -> memref<1x128xi32, #tpu.memory_space<vmem>>
      %dma_start3A_151 = tpu.memref_squeeze %dma_start3A_150 : memref<1x128xi32, #tpu.memory_space<vmem>> -> memref<128xi32, #tpu.memory_space<vmem>>
      %dma_start3A_152 = arith.constant 0 : i32
      %dma_start3A_153 = arith.constant 0 : i32
      %dma_start3A_154 = tpu.memref_slice %arg2[%dma_start3A_152, %dma_start3A_153] : memref<10240x128xf32, #tpu.memory_space<hbm>> -> memref<10240x128xf32, #tpu.memory_space<hbm>>
      tpu.enqueue_indirect_dma source(%dma_start3A_154 : memref<10240x128xf32, #tpu.memory_space<hbm>>) target(%arg11 : memref<128x128xf32, #tpu.memory_space<vmem>>) offsets(%dma_start3A_151 : memref<128xi32, #tpu.memory_space<vmem>>) semaphore(%arg14 : memref<!tpu.dma_semaphore, #tpu.memory_space<semaphore_mem>>)
      %sub3A_155 = arith.constant 1 : i32
      %sub3A_156 = arith.subi %add3A_138, %sub3A_155 : i32
      %dma_wait3A_157 = arith.constant 0 : i32
      %dma_wait3A_158 = tpu.memref_slice %arg6[%sub3A_156, %dma_wait3A_157] : memref<80x128xi32, #tpu.memory_space<vmem>> -> memref<1x128xi32, #tpu.memory_space<vmem>>
      %dma_wait3A_159 = tpu.memref_squeeze %dma_wait3A_158 : memref<1x128xi32, #tpu.memory_space<vmem>> -> memref<128xi32, #tpu.memory_space<vmem>>
      %dma_wait3A_160 = arith.constant 0 : i32
      %dma_wait3A_161 = arith.constant 0 : i32
      %dma_wait3A_162 = tpu.memref_slice %arg2[%dma_wait3A_160, %dma_wait3A_161] : memref<10240x128xf32, #tpu.memory_space<hbm>> -> memref<10240x128xf32, #tpu.memory_space<hbm>>
      tpu.wait_indirect_dma semaphore(%arg15 : memref<!tpu.dma_semaphore, #tpu.memory_space<semaphore_mem>>) src(%dma_wait3A_162 : memref<10240x128xf32, #tpu.memory_space<hbm>>) dst(%arg12 : memref<128x128xf32, #tpu.memory_space<vmem>>)
      %sub3A_163 = arith.constant 1 : i32
      %sub3A_164 = arith.subi %add3A_138, %sub3A_163 : i32
      %dma_wait3A_165 = arith.constant 0 : i32
      %dma_wait3A_166 = tpu.memref_slice %arg4[%add3A, %sub3A_164, %dma_wait3A_165] : memref<32x80x128xi32, #tpu.memory_space<hbm>> -> memref<1x1x128xi32, #tpu.memory_space<hbm>>
      %dma_wait3A_167 = tpu.memref_squeeze %dma_wait3A_166 : memref<1x1x128xi32, #tpu.memory_space<hbm>> -> memref<128xi32, #tpu.memory_space<hbm>>
      %dma_wait3A_168 = arith.constant 0 : i32
      %dma_wait3A_169 = tpu.memref_slice %arg4[%add3A, %sub3A_164, %dma_wait3A_168] : memref<32x80x128xi32, #tpu.memory_space<hbm>> -> memref<1x1x128xi32, #tpu.memory_space<hbm>>
      %dma_wait3A_170 = tpu.memref_squeeze %dma_wait3A_169 : memref<1x1x128xi32, #tpu.memory_space<hbm>> -> memref<128xi32, #tpu.memory_space<hbm>>
      tpu.wait_dma2 semaphore(%arg19 : memref<!tpu.dma_semaphore, #tpu.memory_space<semaphore_mem>>) src(%dma_wait3A_170 : memref<128xi32, #tpu.memory_space<hbm>>) dst(%arg8 : memref<128xi32, #tpu.memory_space<vmem>>)
      %dma_start3A_171 = arith.constant 0 : i32
      %dma_start3A_172 = arith.constant 0 : i32
      %dma_start3A_173 = tpu.memref_slice %arg13[%dma_start3A_171, %dma_start3A_172] : memref<10240x128xf32, #tpu.memory_space<vmem_shared>> -> memref<10240x128xf32, #tpu.memory_space<vmem_shared>>
      tpu.enqueue_indirect_dma source(%arg12 : memref<128x128xf32, #tpu.memory_space<vmem>>) target(%dma_start3A_173 : memref<10240x128xf32, #tpu.memory_space<vmem_shared>>) offsets(%arg8 : memref<128xi32, #tpu.memory_space<vmem>>) semaphore(%arg17 : memref<!tpu.dma_semaphore, #tpu.memory_space<semaphore_mem>>) {add = true}
      %mul3A_174 = arith.constant 4 : i32
      %mul3A_175 = arith.muli %mul3A_174, %scan3A_71 : i32
      %add3A_176 = arith.constant 3 : i32
      %add3A_177 = arith.addi %mul3A_175, %add3A_176 : i32
      %dma_wait3A_178 = arith.constant 0 : i32
      %dma_wait3A_179 = arith.constant 0 : i32
      %dma_wait3A_180 = tpu.memref_slice %arg13[%dma_wait3A_178, %dma_wait3A_179] : memref<10240x128xf32, #tpu.memory_space<vmem_shared>> -> memref<10240x128xf32, #tpu.memory_space<vmem_shared>>
      tpu.wait_indirect_dma semaphore(%arg17 : memref<!tpu.dma_semaphore, #tpu.memory_space<semaphore_mem>>) src(%arg12 : memref<128x128xf32, #tpu.memory_space<vmem>>) dst(%dma_wait3A_180 : memref<10240x128xf32, #tpu.memory_space<vmem_shared>>)
      %add3A_181 = arith.constant 2 : i32
      %add3A_182 = arith.addi %add3A_177, %add3A_181 : i32
      %lt3A_183 = arith.constant 80 : i32
      %lt3A_184 = arith.cmpi slt, %add3A_182, %lt3A_183 : i32
      %convert_element_type3A_185 = arith.extui %lt3A_184 : i1 to i32
      %cond3A_186 = arith.constant 0 : i32
      %cond3A_187 = arith.cmpi ne, %convert_element_type3A_185, %cond3A_186 : i32
      scf.if %cond3A_187 {
        %add3A_213 = arith.constant 2 : i32
        %add3A_214 = arith.addi %add3A_177, %add3A_213 : i32
        %dma_start3A_215 = arith.constant 0 : i32
        %dma_start3A_216 = tpu.memref_slice %arg4[%add3A, %add3A_214, %dma_start3A_215] : memref<32x80x128xi32, #tpu.memory_space<hbm>> -> memref<1x1x128xi32, #tpu.memory_space<hbm>>
        %dma_start3A_217 = tpu.memref_squeeze %dma_start3A_216 : memref<1x1x128xi32, #tpu.memory_space<hbm>> -> memref<128xi32, #tpu.memory_space<hbm>>
        %dma_start3A_218 = arith.constant 0 : i32
        %dma_start3A_219 = tpu.memref_slice %arg4[%add3A, %add3A_214, %dma_start3A_218] : memref<32x80x128xi32, #tpu.memory_space<hbm>> -> memref<1x1x128xi32, #tpu.memory_space<hbm>>
        %dma_start3A_220 = tpu.memref_squeeze %dma_start3A_219 : memref<1x1x128xi32, #tpu.memory_space<hbm>> -> memref<128xi32, #tpu.memory_space<hbm>>
        tpu.enqueue_dma source(%dma_start3A_220 : memref<128xi32, #tpu.memory_space<hbm>>) target(%arg8 : memref<128xi32, #tpu.memory_space<vmem>>) target_semaphore(%arg19 : memref<!tpu.dma_semaphore, #tpu.memory_space<semaphore_mem>>)
      } else {
      }
      %dma_start3A_188 = arith.constant 0 : i32
      %dma_start3A_189 = tpu.memref_slice %arg6[%add3A_177, %dma_start3A_188] : memref<80x128xi32, #tpu.memory_space<vmem>> -> memref<1x128xi32, #tpu.memory_space<vmem>>
      %dma_start3A_190 = tpu.memref_squeeze %dma_start3A_189 : memref<1x128xi32, #tpu.memory_space<vmem>> -> memref<128xi32, #tpu.memory_space<vmem>>
      %dma_start3A_191 = arith.constant 0 : i32
      %dma_start3A_192 = arith.constant 0 : i32
      %dma_start3A_193 = tpu.memref_slice %arg2[%dma_start3A_191, %dma_start3A_192] : memref<10240x128xf32, #tpu.memory_space<hbm>> -> memref<10240x128xf32, #tpu.memory_space<hbm>>
      tpu.enqueue_indirect_dma source(%dma_start3A_193 : memref<10240x128xf32, #tpu.memory_space<hbm>>) target(%arg12 : memref<128x128xf32, #tpu.memory_space<vmem>>) offsets(%dma_start3A_190 : memref<128xi32, #tpu.memory_space<vmem>>) semaphore(%arg15 : memref<!tpu.dma_semaphore, #tpu.memory_space<semaphore_mem>>)
      %sub3A_194 = arith.constant 1 : i32
      %sub3A_195 = arith.subi %add3A_177, %sub3A_194 : i32
      %dma_wait3A_196 = arith.constant 0 : i32
      %dma_wait3A_197 = tpu.memref_slice %arg6[%sub3A_195, %dma_wait3A_196] : memref<80x128xi32, #tpu.memory_space<vmem>> -> memref<1x128xi32, #tpu.memory_space<vmem>>
      %dma_wait3A_198 = tpu.memref_squeeze %dma_wait3A_197 : memref<1x128xi32, #tpu.memory_space<vmem>> -> memref<128xi32, #tpu.memory_space<vmem>>
      %dma_wait3A_199 = arith.constant 0 : i32
      %dma_wait3A_200 = arith.constant 0 : i32
      %dma_wait3A_201 = tpu.memref_slice %arg2[%dma_wait3A_199, %dma_wait3A_200] : memref<10240x128xf32, #tpu.memory_space<hbm>> -> memref<10240x128xf32, #tpu.memory_space<hbm>>
      tpu.wait_indirect_dma semaphore(%arg14 : memref<!tpu.dma_semaphore, #tpu.memory_space<semaphore_mem>>) src(%dma_wait3A_201 : memref<10240x128xf32, #tpu.memory_space<hbm>>) dst(%arg11 : memref<128x128xf32, #tpu.memory_space<vmem>>)
      %sub3A_202 = arith.constant 1 : i32
      %sub3A_203 = arith.subi %add3A_177, %sub3A_202 : i32
      %dma_wait3A_204 = arith.constant 0 : i32
      %dma_wait3A_205 = tpu.memref_slice %arg4[%add3A, %sub3A_203, %dma_wait3A_204] : memref<32x80x128xi32, #tpu.memory_space<hbm>> -> memref<1x1x128xi32, #tpu.memory_space<hbm>>
      %dma_wait3A_206 = tpu.memref_squeeze %dma_wait3A_205 : memref<1x1x128xi32, #tpu.memory_space<hbm>> -> memref<128xi32, #tpu.memory_space<hbm>>
      %dma_wait3A_207 = arith.constant 0 : i32
      %dma_wait3A_208 = tpu.memref_slice %arg4[%add3A, %sub3A_203, %dma_wait3A_207] : memref<32x80x128xi32, #tpu.memory_space<hbm>> -> memref<1x1x128xi32, #tpu.memory_space<hbm>>
      %dma_wait3A_209 = tpu.memref_squeeze %dma_wait3A_208 : memref<1x1x128xi32, #tpu.memory_space<hbm>> -> memref<128xi32, #tpu.memory_space<hbm>>
      tpu.wait_dma2 semaphore(%arg20 : memref<!tpu.dma_semaphore, #tpu.memory_space<semaphore_mem>>) src(%dma_wait3A_209 : memref<128xi32, #tpu.memory_space<hbm>>) dst(%arg9 : memref<128xi32, #tpu.memory_space<vmem>>)
      %dma_start3A_210 = arith.constant 0 : i32
      %dma_start3A_211 = arith.constant 0 : i32
      %dma_start3A_212 = tpu.memref_slice %arg13[%dma_start3A_210, %dma_start3A_211] : memref<10240x128xf32, #tpu.memory_space<vmem_shared>> -> memref<10240x128xf32, #tpu.memory_space<vmem_shared>>
      tpu.enqueue_indirect_dma source(%arg11 : memref<128x128xf32, #tpu.memory_space<vmem>>) target(%dma_start3A_212 : memref<10240x128xf32, #tpu.memory_space<vmem_shared>>) offsets(%arg9 : memref<128xi32, #tpu.memory_space<vmem>>) semaphore(%arg16 : memref<!tpu.dma_semaphore, #tpu.memory_space<semaphore_mem>>) {add = true}
    }
    %scan3A_43 = arith.constant 20 : i32
    %dma_wait3A = arith.constant 79 : i32
    %dma_wait3A_44 = arith.constant 0 : i32
    %dma_wait3A_45 = tpu.memref_slice %arg6[%dma_wait3A, %dma_wait3A_44] : memref<80x128xi32, #tpu.memory_space<vmem>> -> memref<1x128xi32, #tpu.memory_space<vmem>>
    %dma_wait3A_46 = tpu.memref_squeeze %dma_wait3A_45 : memref<1x128xi32, #tpu.memory_space<vmem>> -> memref<128xi32, #tpu.memory_space<vmem>>
    %dma_wait3A_47 = arith.constant 0 : i32
    %dma_wait3A_48 = arith.constant 0 : i32
    %dma_wait3A_49 = tpu.memref_slice %arg2[%dma_wait3A_47, %dma_wait3A_48] : memref<10240x128xf32, #tpu.memory_space<hbm>> -> memref<10240x128xf32, #tpu.memory_space<hbm>>
    tpu.wait_indirect_dma semaphore(%arg15 : memref<!tpu.dma_semaphore, #tpu.memory_space<semaphore_mem>>) src(%dma_wait3A_49 : memref<10240x128xf32, #tpu.memory_space<hbm>>) dst(%arg12 : memref<128x128xf32, #tpu.memory_space<vmem>>)
    %dma_wait3A_50 = arith.constant 79 : i32
    %dma_wait3A_51 = arith.constant 0 : i32
    %dma_wait3A_52 = tpu.memref_slice %arg4[%add3A, %dma_wait3A_50, %dma_wait3A_51] : memref<32x80x128xi32, #tpu.memory_space<hbm>> -> memref<1x1x128xi32, #tpu.memory_space<hbm>>
    %dma_wait3A_53 = tpu.memref_squeeze %dma_wait3A_52 : memref<1x1x128xi32, #tpu.memory_space<hbm>> -> memref<128xi32, #tpu.memory_space<hbm>>
    %dma_wait3A_54 = arith.constant 0 : i32
    %dma_wait3A_55 = tpu.memref_slice %arg4[%add3A, %dma_wait3A_50, %dma_wait3A_54] : memref<32x80x128xi32, #tpu.memory_space<hbm>> -> memref<1x1x128xi32, #tpu.memory_space<hbm>>
    %dma_wait3A_56 = tpu.memref_squeeze %dma_wait3A_55 : memref<1x1x128xi32, #tpu.memory_space<hbm>> -> memref<128xi32, #tpu.memory_space<hbm>>
    tpu.wait_dma2 semaphore(%arg21 : memref<!tpu.dma_semaphore, #tpu.memory_space<semaphore_mem>>) src(%dma_wait3A_56 : memref<128xi32, #tpu.memory_space<hbm>>) dst(%arg10 : memref<128xi32, #tpu.memory_space<vmem>>)
    %dma_start3A_57 = arith.constant 0 : i32
    %dma_start3A_58 = arith.constant 0 : i32
    %dma_start3A_59 = tpu.memref_slice %arg13[%dma_start3A_57, %dma_start3A_58] : memref<10240x128xf32, #tpu.memory_space<vmem_shared>> -> memref<10240x128xf32, #tpu.memory_space<vmem_shared>>
    tpu.enqueue_indirect_dma source(%arg12 : memref<128x128xf32, #tpu.memory_space<vmem>>) target(%dma_start3A_59 : memref<10240x128xf32, #tpu.memory_space<vmem_shared>>) offsets(%arg10 : memref<128xi32, #tpu.memory_space<vmem>>) semaphore(%arg17 : memref<!tpu.dma_semaphore, #tpu.memory_space<semaphore_mem>>) {add = true}
    %dma_wait3A_60 = arith.constant 0 : i32
    %dma_wait3A_61 = arith.constant 0 : i32
    %dma_wait3A_62 = tpu.memref_slice %arg13[%dma_wait3A_60, %dma_wait3A_61] : memref<10240x128xf32, #tpu.memory_space<vmem_shared>> -> memref<10240x128xf32, #tpu.memory_space<vmem_shared>>
    tpu.wait_indirect_dma semaphore(%arg16 : memref<!tpu.dma_semaphore, #tpu.memory_space<semaphore_mem>>) src(%arg11 : memref<128x128xf32, #tpu.memory_space<vmem>>) dst(%dma_wait3A_62 : memref<10240x128xf32, #tpu.memory_space<vmem_shared>>)
    %dma_wait3A_63 = arith.constant 0 : i32
    %dma_wait3A_64 = arith.constant 0 : i32
    %dma_wait3A_65 = tpu.memref_slice %arg13[%dma_wait3A_63, %dma_wait3A_64] : memref<10240x128xf32, #tpu.memory_space<vmem_shared>> -> memref<10240x128xf32, #tpu.memory_space<vmem_shared>>
    tpu.wait_indirect_dma semaphore(%arg17 : memref<!tpu.dma_semaphore, #tpu.memory_space<semaphore_mem>>) src(%arg12 : memref<128x128xf32, #tpu.memory_space<vmem>>) dst(%dma_wait3A_65 : memref<10240x128xf32, #tpu.memory_space<vmem_shared>>)
    %barrier3A_66 = arith.constant 0 : index
    tpu.barrier barrier_id(%barrier3A_66)
    %mul3A_67 = arith.constant 640 : i32
    %mul3A_68 = arith.muli %arg1, %mul3A_67 : i32
    %mul3A_69 = arith.constant 640 : i32
    %mul3A_70 = arith.muli %arg1, %mul3A_69 : i32
    "tpu.region"() ({
      %run_scoped3A = tpu.sem_alloc : memref<!tpu.dma_semaphore, #tpu.memory_space<semaphore_mem>>
      %dma_start3A_71 = arith.constant 0 : i32
      %dma_start3A_72 = tpu.memref_slice %arg5[%arg0, %mul3A_70, %dma_start3A_71] : memref<2x10240x128xf32, #tpu.memory_space<hbm>> -> memref<1x640x128xf32, #tpu.memory_space<hbm>>
      %dma_start3A_73 = tpu.memref_squeeze %dma_start3A_72 : memref<1x640x128xf32, #tpu.memory_space<hbm>> -> memref<640x128xf32, #tpu.memory_space<hbm>>
      %dma_start3A_74 = arith.constant 0 : i32
      %dma_start3A_75 = tpu.memref_slice %arg13[%mul3A_68, %dma_start3A_74] : memref<10240x128xf32, #tpu.memory_space<vmem_shared>> -> memref<640x128xf32, #tpu.memory_space<vmem_shared>>
      tpu.enqueue_dma source(%dma_start3A_75 : memref<640x128xf32, #tpu.memory_space<vmem_shared>>) target(%dma_start3A_73 : memref<640x128xf32, #tpu.memory_space<hbm>>) target_semaphore(%run_scoped3A : memref<!tpu.dma_semaphore, #tpu.memory_space<semaphore_mem>>)
      %dma_wait3A_76 = arith.constant 0 : i32
      %dma_wait3A_77 = tpu.memref_slice %arg5[%arg0, %mul3A_70, %dma_wait3A_76] : memref<2x10240x128xf32, #tpu.memory_space<hbm>> -> memref<1x640x128xf32, #tpu.memory_space<hbm>>
      %dma_wait3A_78 = tpu.memref_squeeze %dma_wait3A_77 : memref<1x640x128xf32, #tpu.memory_space<hbm>> -> memref<640x128xf32, #tpu.memory_space<hbm>>
      %dma_wait3A_79 = arith.constant 0 : i32
      %dma_wait3A_80 = tpu.memref_slice %arg13[%mul3A_68, %dma_wait3A_79] : memref<10240x128xf32, #tpu.memory_space<vmem_shared>> -> memref<640x128xf32, #tpu.memory_space<vmem_shared>>
      tpu.wait_dma2 semaphore(%run_scoped3A : memref<!tpu.dma_semaphore, #tpu.memory_space<semaphore_mem>>) src(%dma_wait3A_80 : memref<640x128xf32, #tpu.memory_space<vmem_shared>>) dst(%dma_wait3A_78 : memref<640x128xf32, #tpu.memory_space<hbm>>)
      tpu.yield
    }) : () -> ()
    return
  }
}

module attributes {stable_mosaic.version = 14 : i64} {
  func.func @body(%arg0: i32, %arg1: memref<1024x128xf32, #tpu.memory_space<vmem>>, %arg2: memref<128x128xf32, #tpu.memory_space<vmem>>, %arg3: memref<1024x1xf32, #tpu.memory_space<vmem>>, %arg4: memref<1024x1xf32, #tpu.memory_space<vmem>>, %arg5: memref<1024x128xf32, #tpu.memory_space<vmem>>, %arg6: memref<1024x128xf32, #tpu.memory_space<vmem>>) attributes {dimension_semantics = [#tpu.dimension_semantics<arbitrary>], iteration_bounds = array<i64: 10>, scalar_prefetch = 0 : i64, scratch_operands = 0 : i64, tpu.core_type = #tpu.core_type<tc>, window_params = [{transform_indices = @transform_0, window_bounds = array<i64: 1024, 128>}, {pipeline_mode = #tpu.pipeline_mode<synchronous>, transform_indices = @transform_1, window_bounds = array<i64: 128, 128>}, {transform_indices = @transform_2, window_bounds = array<i64: 1024, 1>}, {transform_indices = @transform_3, window_bounds = array<i64: 1024, 1>}, {transform_indices = @transform_4, window_bounds = array<i64: 1024, 128>}, {transform_indices = @transform_5, window_bounds = array<i64: 1024, 128>}]} {
    %get3A = arith.constant 0 : index
    %get3A_0 = arith.constant 0 : index
    %get3A_1 = vector.load %arg3[%get3A, %get3A_0] : memref<1024x1xf32, #tpu.memory_space<vmem>>, vector<1024x1xf32>
    %get3A_2 = arith.constant 0 : index
    %get3A_3 = arith.constant 0 : index
    %get3A_4 = vector.load %arg4[%get3A_2, %get3A_3] : memref<1024x1xf32, #tpu.memory_space<vmem>>, vector<1024x1xf32>
    %add3A = arith.addf %get3A_1, %get3A_4 : vector<1024x1xf32>
    %add3A_5 = arith.constant 1.000000e+00 : f32
    %add3A_6 = vector.broadcast %add3A_5 : f32 to vector<1024x1xf32>
    %add3A_7 = arith.addf %add3A, %add3A_6 : vector<1024x1xf32>
    %rsqrt3A = math.rsqrt %add3A_7 : vector<1024x1xf32>
    %div3A = arith.constant 1.000000e+00 : f32
    %div3A_8 = vector.broadcast %div3A : f32 to vector<1024x1xf32>
    %div3A_9 = arith.divf %div3A_8, %add3A_7 : vector<1024x1xf32>
    %get3A_10 = arith.constant 0 : index
    %get3A_11 = arith.constant 0 : index
    %get3A_12 = vector.load %arg1[%get3A_10, %get3A_11] : memref<1024x128xf32, #tpu.memory_space<vmem>>, vector<1024x128xf32>
    %get3A_13 = arith.constant 0 : index
    %get3A_14 = arith.constant 0 : index
    %get3A_15 = vector.load %arg2[%get3A_13, %get3A_14] : memref<128x128xf32, #tpu.memory_space<vmem>>, vector<128x128xf32>
    %dot_general3A = arith.constant dense<0.000000e+00> : vector<1024x128xf32>
    %dot_general3A_16 = tpu.matmul %get3A_12, %get3A_15, %dot_general3A {dimension_numbers = #tpu.dot_dimension_numbers<[1], [0], [0], [1], [0, 0, 1, 1], [], []>, transpose_lhs_hint = false} : vector<1024x128xf32>, vector<128x128xf32>, vector<1024x128xf32> -> vector<1024x128xf32>
    %mul3A = vector.broadcast %rsqrt3A : vector<1024x1xf32> to vector<1024x128xf32>
    %mul3A_17 = arith.mulf %dot_general3A_16, %mul3A : vector<1024x128xf32>
    %swap3A = arith.constant 0 : index
    %swap3A_18 = arith.constant 0 : index
    %swap3A_19 = vector.load %arg5[%swap3A, %swap3A_18] : memref<1024x128xf32, #tpu.memory_space<vmem>>, vector<1024x128xf32>
    tpu.vector_store %arg5[%swap3A, %swap3A_18], %mul3A_17 {strides = array<i32>} : memref<1024x128xf32, #tpu.memory_space<vmem>>, vector<1024x128xf32>,
    %mul3A_20 = vector.broadcast %div3A_9 : vector<1024x1xf32> to vector<1024x128xf32>
    %mul3A_21 = arith.mulf %dot_general3A_16, %mul3A_20 : vector<1024x128xf32>
    %swap3A_22 = arith.constant 0 : index
    %swap3A_23 = arith.constant 0 : index
    %swap3A_24 = vector.load %arg6[%swap3A_22, %swap3A_23] : memref<1024x128xf32, #tpu.memory_space<vmem>>, vector<1024x128xf32>
    tpu.vector_store %arg6[%swap3A_22, %swap3A_23], %mul3A_21 {strides = array<i32>} : memref<1024x128xf32, #tpu.memory_space<vmem>>, vector<1024x128xf32>,
    return
  }
  func.func @transform_0(%arg0: i32) -> (i32, i32) {
    %c0_i32 = arith.constant 0 : i32
    %c0_i32_0 = arith.constant 0 : i32
    return %arg0, %c0_i32 : i32, i32
  }
  func.func @transform_1(%arg0: i32) -> (i32, i32) {
    %c0_i32 = arith.constant 0 : i32
    %c0_i32_0 = arith.constant 0 : i32
    %c0_i32_1 = arith.constant 0 : i32
    return %c0_i32, %c0_i32_0 : i32, i32
  }
  func.func @transform_2(%arg0: i32) -> (i32, i32) {
    %c0_i32 = arith.constant 0 : i32
    %c0_i32_0 = arith.constant 0 : i32
    return %arg0, %c0_i32 : i32, i32
  }
  func.func @transform_3(%arg0: i32) -> (i32, i32) {
    %c0_i32 = arith.constant 0 : i32
    %c0_i32_0 = arith.constant 0 : i32
    return %arg0, %c0_i32 : i32, i32
  }
  func.func @transform_4(%arg0: i32) -> (i32, i32) {
    %c0_i32 = arith.constant 0 : i32
    %c0_i32_0 = arith.constant 0 : i32
    return %arg0, %c0_i32 : i32, i32
  }
  func.func @transform_5(%arg0: i32) -> (i32, i32) {
    %c0_i32 = arith.constant 0 : i32
    %c0_i32_0 = arith.constant 0 : i32
    return %arg0, %c0_i32 : i32, i32
  }
}

module attributes {stable_mosaic.version = 14 : i64} {
  func.func @body(%arg0: i32, %arg1: memref<2x1024x128xf32, #tpu.memory_space<vmem>>, %arg2: memref<1024x128xf32, #tpu.memory_space<vmem>>, %arg3: memref<1x128xf32, #tpu.memory_space<vmem>>, %arg4: memref<128x128xf32, #tpu.memory_space<vmem>>, %arg5: memref<1024x1xf32, #tpu.memory_space<vmem>>, %arg6: memref<1024x1xf32, #tpu.memory_space<vmem>>, %arg7: memref<1024x128xf32, #tpu.memory_space<vmem>>, %arg8: memref<1024x128xf32, #tpu.memory_space<vmem>>) attributes {dimension_semantics = [#tpu.dimension_semantics<arbitrary>], iteration_bounds = array<i64: 10>, scalar_prefetch = 0 : i64, scratch_operands = 0 : i64, tpu.core_type = #tpu.core_type<tc>, window_params = [{transform_indices = @transform_0, window_bounds = array<i64: 2, 1024, 128>}, {transform_indices = @transform_1, window_bounds = array<i64: 1024, 128>}, {pipeline_mode = #tpu.pipeline_mode<synchronous>, transform_indices = @transform_2, window_bounds = array<i64: 1, 128>}, {pipeline_mode = #tpu.pipeline_mode<synchronous>, transform_indices = @transform_3, window_bounds = array<i64: 128, 128>}, {transform_indices = @transform_4, window_bounds = array<i64: 1024, 1>}, {transform_indices = @transform_5, window_bounds = array<i64: 1024, 1>}, {transform_indices = @transform_6, window_bounds = array<i64: 1024, 128>}, {transform_indices = @transform_7, window_bounds = array<i64: 1024, 128>}]} {
    %get3A = arith.constant 0 : index
    %get3A_0 = arith.constant 0 : index
    %get3A_1 = vector.load %arg5[%get3A, %get3A_0] : memref<1024x1xf32, #tpu.memory_space<vmem>>, vector<1024x1xf32>
    %get3A_2 = arith.constant 0 : index
    %get3A_3 = arith.constant 0 : index
    %get3A_4 = vector.load %arg6[%get3A_2, %get3A_3] : memref<1024x1xf32, #tpu.memory_space<vmem>>, vector<1024x1xf32>
    %add3A = arith.addf %get3A_1, %get3A_4 : vector<1024x1xf32>
    %add3A_5 = arith.constant 1.000000e+00 : f32
    %add3A_6 = vector.broadcast %add3A_5 : f32 to vector<1024x1xf32>
    %add3A_7 = arith.addf %add3A, %add3A_6 : vector<1024x1xf32>
    %rsqrt3A = math.rsqrt %add3A_7 : vector<1024x1xf32>
    %div3A = arith.constant 1.000000e+00 : f32
    %div3A_8 = vector.broadcast %div3A : f32 to vector<1024x1xf32>
    %div3A_9 = arith.divf %div3A_8, %add3A_7 : vector<1024x1xf32>
    %get3A_10 = arith.constant 0 : index
    %get3A_11 = arith.constant 0 : index
    %get3A_12 = arith.constant 0 : index
    %get3A_13 = vector.load %arg1[%get3A_10, %get3A_11, %get3A_12] : memref<2x1024x128xf32, #tpu.memory_space<vmem>>, vector<1x1024x128xf32>
    %get3A_14 = vector.shape_cast %get3A_13 : vector<1x1024x128xf32> to vector<1024x128xf32>
    %get3A_15 = arith.constant 1 : index
    %get3A_16 = arith.constant 0 : index
    %get3A_17 = arith.constant 0 : index
    %get3A_18 = vector.load %arg1[%get3A_15, %get3A_16, %get3A_17] : memref<2x1024x128xf32, #tpu.memory_space<vmem>>, vector<1x1024x128xf32>
    %get3A_19 = vector.shape_cast %get3A_18 : vector<1x1024x128xf32> to vector<1024x128xf32>
    %add3A_20 = arith.addf %get3A_14, %get3A_19 : vector<1024x128xf32>
    %mul3A = vector.broadcast %rsqrt3A : vector<1024x1xf32> to vector<1024x128xf32>
    %mul3A_21 = arith.mulf %add3A_20, %mul3A : vector<1024x128xf32>
    %get3A_22 = arith.constant 0 : index
    %get3A_23 = arith.constant 0 : index
    %get3A_24 = vector.load %arg2[%get3A_22, %get3A_23] : memref<1024x128xf32, #tpu.memory_space<vmem>>, vector<1024x128xf32>
    %add3A_25 = arith.addf %mul3A_21, %get3A_24 : vector<1024x128xf32>
    %get3A_26 = arith.constant 0 : index
    %get3A_27 = arith.constant 0 : index
    %get3A_28 = vector.load %arg3[%get3A_26, %get3A_27] : memref<1x128xf32, #tpu.memory_space<vmem>>, vector<1x128xf32>
    %add3A_29 = vector.broadcast %get3A_28 : vector<1x128xf32> to vector<1024x128xf32>
    %add3A_30 = arith.addf %add3A_25, %add3A_29 : vector<1024x128xf32>
    %get3A_31 = arith.constant 0 : index
    %get3A_32 = arith.constant 0 : index
    %get3A_33 = vector.load %arg4[%get3A_31, %get3A_32] : memref<128x128xf32, #tpu.memory_space<vmem>>, vector<128x128xf32>
    %dot_general3A = arith.constant dense<0.000000e+00> : vector<1024x128xf32>
    %dot_general3A_34 = tpu.matmul %add3A_30, %get3A_33, %dot_general3A {dimension_numbers = #tpu.dot_dimension_numbers<[1], [0], [0], [1], [0, 0, 1, 1], [], []>, transpose_lhs_hint = false} : vector<1024x128xf32>, vector<128x128xf32>, vector<1024x128xf32> -> vector<1024x128xf32>
    %mul3A_35 = vector.broadcast %rsqrt3A : vector<1024x1xf32> to vector<1024x128xf32>
    %mul3A_36 = arith.mulf %dot_general3A_34, %mul3A_35 : vector<1024x128xf32>
    %swap3A = arith.constant 0 : index
    %swap3A_37 = arith.constant 0 : index
    %swap3A_38 = vector.load %arg7[%swap3A, %swap3A_37] : memref<1024x128xf32, #tpu.memory_space<vmem>>, vector<1024x128xf32>
    tpu.vector_store %arg7[%swap3A, %swap3A_37], %mul3A_36 {strides = array<i32>} : memref<1024x128xf32, #tpu.memory_space<vmem>>, vector<1024x128xf32>,
    %mul3A_39 = vector.broadcast %div3A_9 : vector<1024x1xf32> to vector<1024x128xf32>
    %mul3A_40 = arith.mulf %dot_general3A_34, %mul3A_39 : vector<1024x128xf32>
    %swap3A_41 = arith.constant 0 : index
    %swap3A_42 = arith.constant 0 : index
    %swap3A_43 = vector.load %arg8[%swap3A_41, %swap3A_42] : memref<1024x128xf32, #tpu.memory_space<vmem>>, vector<1024x128xf32>
    tpu.vector_store %arg8[%swap3A_41, %swap3A_42], %mul3A_40 {strides = array<i32>} : memref<1024x128xf32, #tpu.memory_space<vmem>>, vector<1024x128xf32>,
    return
  }
  func.func @transform_0(%arg0: i32) -> (i32, i32, i32) {
    %c0_i32 = arith.constant 0 : i32
    %c0_i32_0 = arith.constant 0 : i32
    %c0_i32_1 = arith.constant 0 : i32
    return %c0_i32, %arg0, %c0_i32_0 : i32, i32, i32
  }
  func.func @transform_1(%arg0: i32) -> (i32, i32) {
    %c0_i32 = arith.constant 0 : i32
    %c0_i32_0 = arith.constant 0 : i32
    return %arg0, %c0_i32 : i32, i32
  }
  func.func @transform_2(%arg0: i32) -> (i32, i32) {
    %c0_i32 = arith.constant 0 : i32
    %c0_i32_0 = arith.constant 0 : i32
    %c0_i32_1 = arith.constant 0 : i32
    return %c0_i32, %c0_i32_0 : i32, i32
  }
  func.func @transform_3(%arg0: i32) -> (i32, i32) {
    %c0_i32 = arith.constant 0 : i32
    %c0_i32_0 = arith.constant 0 : i32
    %c0_i32_1 = arith.constant 0 : i32
    return %c0_i32, %c0_i32_0 : i32, i32
  }
  func.func @transform_4(%arg0: i32) -> (i32, i32) {
    %c0_i32 = arith.constant 0 : i32
    %c0_i32_0 = arith.constant 0 : i32
    return %arg0, %c0_i32 : i32, i32
  }
  func.func @transform_5(%arg0: i32) -> (i32, i32) {
    %c0_i32 = arith.constant 0 : i32
    %c0_i32_0 = arith.constant 0 : i32
    return %arg0, %c0_i32 : i32, i32
  }
  func.func @transform_6(%arg0: i32) -> (i32, i32) {
    %c0_i32 = arith.constant 0 : i32
    %c0_i32_0 = arith.constant 0 : i32
    return %arg0, %c0_i32 : i32, i32
  }
  func.func @transform_7(%arg0: i32) -> (i32, i32) {
    %c0_i32 = arith.constant 0 : i32
    %c0_i32_0 = arith.constant 0 : i32
    return %arg0, %c0_i32 : i32, i32
  }
}

module attributes {stable_mosaic.version = 14 : i64} {
  func.func @body(%arg0: i32, %arg1: memref<2x1024x128xf32, #tpu.memory_space<vmem>>, %arg2: memref<1024x128xf32, #tpu.memory_space<vmem>>, %arg3: memref<1x128xf32, #tpu.memory_space<vmem>>, %arg4: memref<1024x1xf32, #tpu.memory_space<vmem>>, %arg5: memref<1024x1xf32, #tpu.memory_space<vmem>>, %arg6: memref<1024x128xf32, #tpu.memory_space<vmem>>) attributes {dimension_semantics = [#tpu.dimension_semantics<arbitrary>], iteration_bounds = array<i64: 10>, scalar_prefetch = 0 : i64, scratch_operands = 0 : i64, tpu.core_type = #tpu.core_type<tc>, window_params = [{transform_indices = @transform_0, window_bounds = array<i64: 2, 1024, 128>}, {transform_indices = @transform_1, window_bounds = array<i64: 1024, 128>}, {pipeline_mode = #tpu.pipeline_mode<synchronous>, transform_indices = @transform_2, window_bounds = array<i64: 1, 128>}, {transform_indices = @transform_3, window_bounds = array<i64: 1024, 1>}, {transform_indices = @transform_4, window_bounds = array<i64: 1024, 1>}, {transform_indices = @transform_5, window_bounds = array<i64: 1024, 128>}]} {
    %get3A = arith.constant 0 : index
    %get3A_0 = arith.constant 0 : index
    %get3A_1 = vector.load %arg4[%get3A, %get3A_0] : memref<1024x1xf32, #tpu.memory_space<vmem>>, vector<1024x1xf32>
    %get3A_2 = arith.constant 0 : index
    %get3A_3 = arith.constant 0 : index
    %get3A_4 = vector.load %arg5[%get3A_2, %get3A_3] : memref<1024x1xf32, #tpu.memory_space<vmem>>, vector<1024x1xf32>
    %add3A = arith.addf %get3A_1, %get3A_4 : vector<1024x1xf32>
    %add3A_5 = arith.constant 1.000000e+00 : f32
    %add3A_6 = vector.broadcast %add3A_5 : f32 to vector<1024x1xf32>
    %add3A_7 = arith.addf %add3A, %add3A_6 : vector<1024x1xf32>
    %rsqrt3A = math.rsqrt %add3A_7 : vector<1024x1xf32>
    %get3A_8 = arith.constant 0 : index
    %get3A_9 = arith.constant 0 : index
    %get3A_10 = arith.constant 0 : index
    %get3A_11 = vector.load %arg1[%get3A_8, %get3A_9, %get3A_10] : memref<2x1024x128xf32, #tpu.memory_space<vmem>>, vector<1x1024x128xf32>
    %get3A_12 = vector.shape_cast %get3A_11 : vector<1x1024x128xf32> to vector<1024x128xf32>
    %get3A_13 = arith.constant 1 : index
    %get3A_14 = arith.constant 0 : index
    %get3A_15 = arith.constant 0 : index
    %get3A_16 = vector.load %arg1[%get3A_13, %get3A_14, %get3A_15] : memref<2x1024x128xf32, #tpu.memory_space<vmem>>, vector<1x1024x128xf32>
    %get3A_17 = vector.shape_cast %get3A_16 : vector<1x1024x128xf32> to vector<1024x128xf32>
    %add3A_18 = arith.addf %get3A_12, %get3A_17 : vector<1024x128xf32>
    %mul3A = vector.broadcast %rsqrt3A : vector<1024x1xf32> to vector<1024x128xf32>
    %mul3A_19 = arith.mulf %add3A_18, %mul3A : vector<1024x128xf32>
    %get3A_20 = arith.constant 0 : index
    %get3A_21 = arith.constant 0 : index
    %get3A_22 = vector.load %arg2[%get3A_20, %get3A_21] : memref<1024x128xf32, #tpu.memory_space<vmem>>, vector<1024x128xf32>
    %add3A_23 = arith.addf %mul3A_19, %get3A_22 : vector<1024x128xf32>
    %get3A_24 = arith.constant 0 : index
    %get3A_25 = arith.constant 0 : index
    %get3A_26 = vector.load %arg3[%get3A_24, %get3A_25] : memref<1x128xf32, #tpu.memory_space<vmem>>, vector<1x128xf32>
    %add3A_27 = vector.broadcast %get3A_26 : vector<1x128xf32> to vector<1024x128xf32>
    %add3A_28 = arith.addf %add3A_23, %add3A_27 : vector<1024x128xf32>
    %swap3A = arith.constant 0 : index
    %swap3A_29 = arith.constant 0 : index
    %swap3A_30 = vector.load %arg6[%swap3A, %swap3A_29] : memref<1024x128xf32, #tpu.memory_space<vmem>>, vector<1024x128xf32>
    tpu.vector_store %arg6[%swap3A, %swap3A_29], %add3A_28 {strides = array<i32>} : memref<1024x128xf32, #tpu.memory_space<vmem>>, vector<1024x128xf32>,
    return
  }
  func.func @transform_0(%arg0: i32) -> (i32, i32, i32) {
    %c0_i32 = arith.constant 0 : i32
    %c0_i32_0 = arith.constant 0 : i32
    %c0_i32_1 = arith.constant 0 : i32
    return %c0_i32, %arg0, %c0_i32_0 : i32, i32, i32
  }
  func.func @transform_1(%arg0: i32) -> (i32, i32) {
    %c0_i32 = arith.constant 0 : i32
    %c0_i32_0 = arith.constant 0 : i32
    return %arg0, %c0_i32 : i32, i32
  }
  func.func @transform_2(%arg0: i32) -> (i32, i32) {
    %c0_i32 = arith.constant 0 : i32
    %c0_i32_0 = arith.constant 0 : i32
    %c0_i32_1 = arith.constant 0 : i32
    return %c0_i32, %c0_i32_0 : i32, i32
  }
  func.func @transform_3(%arg0: i32) -> (i32, i32) {
    %c0_i32 = arith.constant 0 : i32
    %c0_i32_0 = arith.constant 0 : i32
    return %arg0, %c0_i32 : i32, i32
  }
  func.func @transform_4(%arg0: i32) -> (i32, i32) {
    %c0_i32 = arith.constant 0 : i32
    %c0_i32_0 = arith.constant 0 : i32
    return %arg0, %c0_i32 : i32, i32
  }
  func.func @transform_5(%arg0: i32) -> (i32, i32) {
    %c0_i32 = arith.constant 0 : i32
    %c0_i32_0 = arith.constant 0 : i32
    return %arg0, %c0_i32 : i32, i32
  }
}

</mosaic_0001>

<sc_bundles>
// kernel: kernel.11.cloned.1.call-start
scs
__scs_entry_jumppad:
0x0: {  	(pc) =	sbr.rel $0x88, $3  }
0x1: {  	(tag) =	ssettag $0x0;
	lr =	simm.s32 $0x1  }
0x2: {  	[smem:$0x3F9B] =	sst lr;
	_ =	strace $0xD0000000  }
0x3: {  	_ = 	snop  }
0x4: {  	_ = 	snop  }
0x5: {  	_ = 	snop  }
0x6: {  	_ = 	snop  }
0x7: {  	_ = 	snop  }
__scs_overlays_trampoline_lowered:
0x8: {  	[smem:$0x3FAA] =	sst s0  }
0x9: {  	[smem:$0x3FAB] =	sst s1  }
0xa: {  	[smem:$0x3FAC] =	sst s2  }
0xb: {  	[smem:$0x3FAD] =	sst s3  }
0xc: {  	[smem:$0x3FAE] =	sst s4  }
0xd: {  	[smem:$0x3FAF] =	sst s5  }
0xe: {  	[smem:$0x3FB0] =	sst s6  }
0xf: {  	[smem:$0x3FB1] =	sst s7  }
0x10: {  	[smem:$0x3FB2] =	sst s8  }
0x11: {  	[smem:$0x3FB3] =	sst s9;
	s0 =	simm.s32 @!p0 $0x0  }
0x12: {  	s1 =	sld [smem:$0x3F99];
	s0 =	simm.s32 @p0 $0x1  }
0x13: {  	[smem:$0x3FB4] =	sst s0;
	s0 =	simm.s32 @!p1 $0x0  }
0x14: {  	s2 =	sld [smem:$0x3F98];
	s0 =	simm.s32 @p1 $0x1  }
0x15: {  	[smem:$0x3FB5] =	sst s0;
	s0 =	simm.s32 @!p2 $0x0  }
0x16: {  	s3 =	sld [smem:$0x3FDB];
	s0 =	simm.s32 @p2 $0x1  }
0x17: {  	s4 =	simm.s32 $0x1BF5;
	[smem:$0x3FB7] =	sst s0  }
0x18: {  	s0 =	sld [smem:$0x3F9A];
	_ =	swait.ge [sflag:s4], $0x0  }
0x19: {  	s7 =	sld [smem:$0x3F9B]  }
0x1a: {  	s8 =	sadd.s32 $0xFFFFE003, lr  }
0x1b: {  	s9 =	sadd.s32 $0xFFFFFEF7, lr;
	s5 =	simm.s32 $0xFFFFFFFF;
	p2 =	slt.u32 s8, $0xFFFFF086  }
0x1c: {  	p1 =	slt.u32 s9, $0xF7A;
	s5 =	simm.s32 @!p2 $0x0  }
0x1d: {  	s5 =	simm.s32 @p1 $0x1;
	p0 =	seq.s32 s7, s2  }
0x1e: {  	s7 =	smul.u32 @!p0 $0xF7A, s2;
	p2 =	seq.s32 @!p0 s5, $0x0  }
0x1f: {  	s9 =	smul.u32 $0xF7A, s1;
	s8 =	simm.s32 @!p0 $0x1BF5;
	p2 =	por !p2, p0  }
0x20: {  	[sflag:s8] =	ssyncset.s32 @!p0 $0xFFFFF086;
	s6 =	sadd.s32 @!p0 s3, s7;
	s7 =	simm.s32 @!p0 $0x108  }
0x21: {  	s3 =	sadd.s32 s3, s9;
	s6 =	sadd.s32 @!p0 $0x88, s6;
	s7 =	simm.s32 @p2 $0x1082  }
0x22: {  	[simem:s7], [sflag:s8] =	dma.local @!p0 [hbm:s6], $0xF7A  }
0x23: {  	s9 =	sor.u32 $0xD0000000, s2;
	s6 =	simm.s32 $0x108;
	_ =	swait.ge @!p0 [sflag:s8], $0x0  }
0x24: {  	s3 =	sadd.s32 $0x88, s3;
	s6 =	simm.s32 @!p1 $0x1082;
	[sflag:s4] =	ssyncset.s32 $0xFFFFF086  }
0x25: {  	[simem:s6], [sflag:s4] =	dma.local [hbm:s3], $0xF7A  }
0x26: {  	[smem:$0x3F9B] =	sst s1;
	(tag) =	ssettag s2;
	_ =	strace s9  }
0x27: {  	s1 =	sld [smem:$0x3FAB]  }
0x28: {  	s2 =	sld [smem:$0x3FAC]  }
0x29: {  	s4 =	sld [smem:$0x3FAE]  }
0x2a: {  	p0 =	seq.s32 s5, $0x0;
	s5 =	sld [smem:$0x3FAF]  }
0x2b: {  	s6 =	sld [smem:$0x3FB0]  }
0x2c: {  	s7 =	sld [smem:$0x3FB1]  }
0x2d: {  	s3 =	simm.s32 $0x108;
	s8 =	sld [smem:$0x3FB2]  }
0x2e: {  	s3 =	simm.s32 @!p0 $0x1082;
	s9 =	sld [smem:$0x3FB3]  }
0x2f: {  	lr =	sadd.s32 s0, s3;
	s0 =	sld [smem:$0x3FAA]  }
0x30: {  	s3 =	sld [smem:$0x3FAD]  }
0x31: {  	[smem:$0x3FB6] =	sst s10  }
0x32: {  	s10 =	sld [smem:$0x3FB4];
	_ =	sdelay $0x3  }
0x33: {  	p0 =	seq.s32 s10, $0x1;
	s10 =	sld [smem:$0x3FB6];
	_ =	sdelay $0x3  }
0x34: {  	[smem:$0x3FB6] =	sst s10  }
0x35: {  	s10 =	sld [smem:$0x3FB5];
	_ =	sdelay $0x3  }
0x36: {  	p1 =	seq.s32 s10, $0x1;
	s10 =	sld [smem:$0x3FB6];
	_ =	sdelay $0x3  }
0x37: {  	[smem:$0x3FB6] =	sst s10  }
0x38: {  	s10 =	sld [smem:$0x3FB7]  }
0x39: {  	_ = 	snop;
	(pc) =	sbr.ind lr, $3  }
0x3a: {  	_ = 	snop  }
0x3b: {  	_ = 	snop  }
0x3c: {  	p2 =	seq.s32 s10, $0x1;
	s10 =	sld [smem:$0x3FB6]  }
0x3d: {  	_ =	shalt  }
0x3e: {  	_ =	shalt  }
0x3f: {  	_ =	shalt  }
0x40: {  	_ =	shalt  }
0x41: {  	_ =	shalt  }
0x42: {  	_ =	shalt  }
0x43: {  	_ =	shalt  }
0x44: {  	_ =	shalt  }
0x45: {  	_ =	shalt  }
0x46: {  	_ =	shalt  }
0x47: {  	_ =	shalt  }
0x48: {  	_ =	shalt  }
0x49: {  	_ =	shalt  }
0x4a: {  	_ =	shalt  }
0x4b: {  	_ =	shalt  }
0x4c: {  	_ =	shalt  }
0x4d: {  	_ =	shalt  }
0x4e: {  	_ =	shalt  }
0x4f: {  	_ =	shalt  }
0x50: {  	_ =	shalt  }
0x51: {  	_ =	shalt  }
0x52: {  	_ =	shalt  }
0x53: {  	_ =	shalt  }
0x54: {  	_ =	shalt  }
0x55: {  	_ =	shalt  }
0x56: {  	_ =	shalt  }
0x57: {  	_ =	shalt  }
0x58: {  	_ =	shalt  }
0x59: {  	_ =	shalt  }
0x5a: {  	_ =	shalt  }
0x5b: {  	_ =	shalt  }
0x5c: {  	_ =	shalt  }
0x5d: {  	_ =	shalt  }
0x5e: {  	_ =	shalt  }
0x5f: {  	_ =	shalt  }
0x60: {  	_ =	shalt  }
0x61: {  	_ =	shalt  }
0x62: {  	_ =	shalt  }
0x63: {  	_ =	shalt  }
0x64: {  	_ =	shalt  }
0x65: {  	_ =	shalt  }
0x66: {  	_ =	shalt  }
0x67: {  	_ =	shalt  }
0x68: {  	_ =	shalt  }
0x69: {  	_ =	shalt  }
0x6a: {  	_ =	shalt  }
0x6b: {  	_ =	shalt  }
0x6c: {  	_ =	shalt  }
0x6d: {  	_ =	shalt  }
0x6e: {  	_ =	shalt  }
0x6f: {  	_ =	shalt  }
0x70: {  	_ =	shalt  }
0x71: {  	_ =	shalt  }
0x72: {  	_ =	shalt  }
0x73: {  	_ =	shalt  }
0x74: {  	_ =	shalt  }
0x75: {  	_ =	shalt  }
0x76: {  	_ =	shalt  }
0x77: {  	_ =	shalt  }
0x78: {  	_ =	shalt  }
0x79: {  	_ =	shalt  }
0x7a: {  	_ =	shalt  }
0x7b: {  	_ =	shalt  }
0x7c: {  	_ =	shalt  }
0x7d: {  	_ =	shalt  }
0x7e: {  	_ =	shalt  }
0x7f: {  	_ =	shalt  }
0x80: {  	_ =	shalt  }
0x81: {  	_ =	shalt  }
0x82: {  	_ =	shalt  }
0x83: {  	_ =	shalt  }
0x84: {  	_ =	shalt  }
0x85: {  	_ =	shalt  }
0x86: {  	_ =	shalt  }
0x87: {  	_ =	shalt  }
.Lfunc_end0:
.L_simem_size_0:
called_computation.1_lowered:
.L_overlay_start_0:
0x88: {  	s2 =	sld [smem:$0x3FD9]  }
0x89: {  	s3 =	sld [smem:$0x3FFE];
	_ =	sdelay $0x1  }
0x8a: {  	s1 =	srdreg.scid  }
0x8b: {  	s0 =	sand.u32 $0x1, s1  }
0x8c: {  	s17 =	sshll.u32 s0, $0xA;
	s2 =	sadd.s32 s3, s2  }
0x8d: {  	s2 =	sadd.s32 s2, s17  }
0x8e: {  	[smem:$0x3FC2] =	sst s2  }
0x8f: {  	_ = 	snop  }
0x90: {  	s2 =	sld [smem:$0x3FD0];
	(tm) =	ssettm $0x1  }
0x91: {  	s18 =	sld [smem:$0x3FFB];
	_ =	sdelay $0x3  }
0x92: {  	_ =	strace s18  }
0x93: {  	s3 =	sld [smem:$0x3FFC];
	_ =	sdelay $0x3  }
0x94: {  	_ =	strace s3  }
0x95: {  	s3 =	sld [smem:$0x3FFD];
	_ =	sdelay $0x3  }
0x96: {  	_ =	strace s3  }
0x97: {  	_ =	strace $0x8FFFFFFF  }
0x98: {  	s19 =	sld [smem:$0x3FDB];
	_ =	sdelay $0x1  }
0x99: {  	s4 =	simm.s32 $_scs_section_size  }
0x9a: {  	s5 =	simm.s32 $_size__tile_overlayer_lowered;
	s6 =	simm.s32 $_tile_overlayer_lowered  }
0x9b: {  	s22 =	simm.s32 $0x1BFF;
	s21 =	sshll.u32 s6, $0x1;
	s3 =	sadd.s32 s4, s19  }
0x9c: {  	s7 =	simm.s32 $0x0;
	s20 =	sshll.u32 s5, $0x1;
	s5 =	sadd.s32 s21, s3  }
0x9d: {  	[timem:s7], [sflag:s22] =	dma.local [hbm:s5], s20  }
0x9e: {  	_ =	swait.ge [sflag:s22], s20  }
0x9f: {  	s4 =	ssub.s32 $0x0, s20;
	[sflag:s22] =	ssyncset.done $0x0  }
0xa0: {  	[sflag:s22] =	ssyncadd.s32 s4;
	_ =	sdelay $0x1  }
0xa1: {  	s23 =	simm.s32 $0x1B8B  }
0xa2: {  	_ =	swait.ge [sflag:s23], $0x1  }
0xa3: {  	[sflag:s23] =	ssyncset.done $0x0  }
0xa4: {  	s25 =	simm.s32 $0x1B8E;
	s24 =	sld [smem:$0x3FFE];
	[sflag:s23] =	ssyncadd.s32 $0xFFFFFFFF  }
0xa5: {  	s26 =	simm.s32 $execute0_lowered;
	[smem:$0x3FD2] =	sst s25  }
0xa6: {  	s5 =	sshll.u32 s26, $0x1;
	_ =	strace $0x80000049;
	[dreg:$0x1] =	wrdreg $0xFFFFFFFF  }
0xa7: {  	s28 =	simm.s32 $_size_execute0_lowered;
	s3 =	sadd.s32 s3, s5;
	[dreg:$0x0] =	wrdreg $0x0  }
0xa8: {  	s5 =	sshll.u32 s28, $0x1;
	[dreg:$0x2] =	wrdreg s3  }
0xa9: {  	[dreg:$0x3] =	wrdreg s5  }
0xaa: {  	[dreg:$0x4] =	wrdreg $0xC0  }
0xab: {  	_ =	task [dreg:s7], $0x5FFFF  }
0xac: {  	[dreg:$0x1] =	wrdreg $0xFFFFFFFF  }
0xad: {  	[dreg:$0x0] =	wrdreg $0x60  }
0xae: {  	[dreg:$0x2] =	wrdreg s24  }
0xaf: {  	[dreg:$0x3] =	wrdreg s2  }
0xb0: {  	[dreg:$0x4] =	wrdreg $0xAA000  }
0xb1: {  	[dreg:$0x5] =	wrdreg $0x9  }
0xb2: {  	_ =	task.clear_ibuf [dreg:s7], $0x6FFFF;
	_ =	strace $0x90000049  }
0xb3: {  	s29 =	simm.s32 $0x9;
	_ =	strace $0x8000004B  }
0xb4: {  	_ =	swait.ge [sflag:s29], $0x1  }
0xb5: {  	[sflag:s29] =	ssyncadd.s32 $0xFFFFFFFF  }
0xb6: {  	_ =	strace $0x9000004B  }
0xb7: {  	_ =	sfence  }
0xb8: {  	s30 =	sld [smem:$0x0];
	_ =	sdelay $0x2  }
0xb9: {  	s31 =	sshll.u32 s1, $0xD;
	s1 =	sshrl.u32 s1, $0x2  }
0xba: {  	s3 =	sand.u32 $0x4000, s31;
	s1 =	sadd.s32 s1, s30  }
0xbb: {  	s0 =	sor.u32 s3, s0;
	s1 =	sshll.u32 s1, $0x11  }
0xbc: {  	s0 =	sor.u32 s1, s0  }
0xbd: {  	s0 =	sadd.s32 $0x8F2B, s0  }
0xbe: {  	[sflag:s0] =	ssyncadd.remote.s32 $0x1  }
0xbf: {  	_ =	sfence.sel $0xFFFF  }
0xc0: {  	[dreg:$0x0] =	wrdreg $0xFFFFFFFF;
	(pc) =	sbr.abs _section_cstart, $3  }
0xc1: {  	[dreg:$0x1] =	wrdreg $0xFFFFFFFF  }
0xc2: {  	_ =	task.clear_ibuf [dreg:s7], $0x2FFFF;
	_ =	strace $0x9FFFFFFF  }
0xc3: {  	(tm) =	ssettm $0x7FFFFFFF  }
tec
execute0_lowered:
.L_overlay_start_1:
0x0: {  	(tag) =	ssettag $0x1  }
0x1: {  	s0 =	srdreg.scid;
	s1 =	rddreg [dreg:$0x0]  }
0x2: {  	s6 =	stileid.u32;
	s2 =	rddreg [dreg:$0x1]  }
0x3: {  	s5 =	simm.s32 $0x0;
	s17 =	simm.s32 $0x2A00;
	s18 =	simm.s32 $0x9  }
0x4: {  	s28 =	simm.s32 $0x3;
	s29 =	simm.s32 $0x2;
	s30 =	simm.s32 $0x6  }
0x5: {  	s31 =	simm.s32 $0x4;
	s0 =	sand.u32 $0x1, s0;
	s8 =	smul.u32 $0x14000, s6  }
0x6: {  	[smem:$0x7FF] =	sst s5;
	s10 =	smul.u32 $0x50000, s6;
	s3 =	sshll.u32 s0, $0x4  }
0x7: {  	s7 =	smul.u32 $0x140000, s0;
	s0 =	ssub.s32 $0x2, s0;
	s4 =	sor.u32 s6, s3  }
0x8: {  	s3 =	rddreg [dreg:$0x2];
	_ =	strace $0x8000004A;
	s19 =	sshrl.u32 s10, $0x2  }
0x9: {  	s6 =	sadd.s32 $0x35200, s1;
	s7 =	sadd.s32 s8, s7;
	s8 =	sadd.s32 s19, s3  }
0xa: {  	s20 =	sshrl.u32 s0, $0x1;
	s21 =	sadd.s32 $0x4000, s8;
	[dreg:$0x4] =	wrdreg s8  }
0xb: {  	s4 =	smul.u32 $0x2800, s4;
	s22 =	sadd.s32 $0x8000, s8;
	[dreg:$0x5] =	wrdreg s21  }
0xc: {  	s0 =	ssub.s32 s0, s20;
	s23 =	sadd.s32 $0xC000, s8;
	[dreg:$0x6] =	wrdreg s22  }
0xd: {  	s19 =	simm.s32 $0x2800;
	s24 =	sadd.s32 $0x10000, s8;
	[dreg:$0x7] =	wrdreg s23  }
0xe: {  	s20 =	simm.s32 $0x2880;
	s0 =	smax.u32 s0, $0x1;
	[dreg:$0x8] =	wrdreg s24  }
0xf: {  	s7 =	sshrl.u32 s7, $0x3;
	s9 =	sshrl.u32 s4, $0x3;
	[dreg:$0xd] =	wrdreg s0  }
0x10: {  	s21 =	simm.s32 $0x2900;
	s11 =	sadd.s32 s9, s1;
	s25 =	sadd.s32 s2, s9  }
0x11: {  	s1 =	sadd.s32 s7, s1;
	[dreg:$0x9] =	wrdreg s25;
	s7 =	sadd.s32 $0x10, s25  }
0x12: {  	s22 =	simm.s32 $0x80;
	s26 =	sadd.s32 $0x3200, s11;
	[dreg:$0xa] =	wrdreg s7  }
0x13: {  	s23 =	simm.s32 $0x2980;
	s1 =	sadd.s32 $0x5D200, s1;
	[dreg:$0xb] =	wrdreg s26  }
0x14: {  	s24 =	simm.s32 $0x6A00;
	s25 =	simm.s32 $0x1;
	[dreg:$0xc] =	wrdreg s1  }
0x15: {  	v0 =	vimm.f32 $0.0e+00;
	s26 =	simm.s32 $0x5;
	s1 =	simm.s32 $0x7;
	s7 =	simm.s32 $0x0  }
.LBB2_1:
0x16: {  	s9 =	simm.s32 $0x0;
	s10 =	simm.s32 $0x200  }
.LBB2_2:
0x17: {  	p0 =	sne.s32 s10, $0xFE00;
	[tilespmem:s9+$0x2A70] =	vst v0  }
0x18: {  	[tilespmem:s9+$0x2A00] =	vst v0  }
0x19: {  	[tilespmem:s9+$0x2A10] =	vst v0  }
.Ltmp0:
0x1a: {  	[tilespmem:s9+$0x2A20] =	vst v0;
	(pc) =	sbr.rel @p0 .LBB2_2-.Ltmp0, $4  }
0x1b: {  	[tilespmem:s9+$0x2A30] =	vst v0  }
0x1c: {  	[tilespmem:s9+$0x2A40] =	vst v0  }
0x1d: {  	[tilespmem:s9+$0x2A50] =	vst v0  }
0x1e: {  	[tilespmem:s9+$0x2A60] =	vst v0;
	s9 =	sshra.s32 s10, $0x2;
	s10 =	sadd.s32 $0x200, s10  }
0x1f: {  	[tilespmem:s9+$0x2A70] =	vst v0  }
0x20: {  	[tilespmem:s9+$0x2A00] =	vst v0  }
0x21: {  	[tilespmem:s9+$0x2A10] =	vst v0  }
0x22: {  	[tilespmem:s9+$0x2A20] =	vst v0  }
0x23: {  	[tilespmem:s9+$0x2A30] =	vst v0  }
0x24: {  	[tilespmem:s9+$0x2A40] =	vst v0  }
0x25: {  	[tilespmem:s9+$0x2A50] =	vst v0  }
0x26: {  	[dreg:$0xe] =	wrdreg s7;
	[tilespmem:s9+$0x2A60] =	vst v0  }
0x27: {  	[spmem:s8] =	stream.linear.scatter [tilespmem:s17], [sflag:$0x9], $0x4000, $0x38;
	[tilespmem:$0x1EA00] =	vst v63  }
0x28: {  	_ =	swait.ge [sflag:s18], $0x4000  }
0x29: {  	[sflag:s18] =	ssyncset.done $0x0  }
0x2a: {  	s0 =	rddreg [dreg:$0x5];
	[sflag:s18] =	ssyncadd.s32 $0xFFFFC000  }
0x2b: {  	[spmem:s0] =	stream.linear.scatter [tilespmem:s17], [sflag:$0x9], $0x4000, $0x38;
	[tilespmem:$0x1EA00] =	vst v63  }
0x2c: {  	_ =	swait.ge [sflag:s18], $0x4000  }
0x2d: {  	[sflag:s18] =	ssyncset.done $0x0  }
0x2e: {  	s14 =	rddreg [dreg:$0x6];
	[sflag:s18] =	ssyncadd.s32 $0xFFFFC000  }
0x2f: {  	[spmem:s14] =	stream.linear.scatter [tilespmem:s17], [sflag:$0x9], $0x4000, $0x38;
	[tilespmem:$0x1EA00] =	vst v63  }
0x30: {  	_ =	swait.ge [sflag:s18], $0x4000  }
0x31: {  	[sflag:s18] =	ssyncset.done $0x0  }
0x32: {  	s15 =	rddreg [dreg:$0x7];
	[sflag:s18] =	ssyncadd.s32 $0xFFFFC000  }
0x33: {  	[spmem:s15] =	stream.linear.scatter [tilespmem:s17], [sflag:$0x9], $0x4000, $0x38;
	[tilespmem:$0x1EA00] =	vst v63  }
0x34: {  	_ =	swait.ge [sflag:s18], $0x4000  }
0x35: {  	[sflag:s18] =	ssyncset.done $0x0  }
0x36: {  	s16 =	rddreg [dreg:$0x8];
	[sflag:s18] =	ssyncadd.s32 $0xFFFFC000  }
0x37: {  	[spmem:s16] =	stream.linear.scatter [tilespmem:s17], [sflag:$0x9], $0x4000, $0x38;
	[tilespmem:$0x1EA00] =	vst v63  }
0x38: {  	_ =	swait.ge [sflag:s18], $0x4000  }
0x39: {  	[sflag:s18] =	ssyncset.done $0x0  }
0x3a: {  	s7 =	simm.s32 $0x0;
	s8 =	rddreg [dreg:$0x9];
	[sflag:s18] =	ssyncadd.s32 $0xFFFFC000  }
0x3b: {  	[tilespmem:s19], [sflag:$0x5] =	stream.linear.gather [hbm4b:s8+s7], $0x80, $0x38;
	[tilespmem:$0x1EA00] =	vst v63  }
0x3c: {  	s10 =	rddreg [dreg:$0xa]  }
0x3d: {  	[tilespmem:s20], [sflag:$0x6] =	stream.linear.gather [hbm4b:s10+s7], $0x80, $0x38;
	[tilespmem:$0x1EA00] =	vst v63  }
0x3e: {  	s11 =	rddreg [dreg:$0xb]  }
0x3f: {  	[tilespmem:s7], [sflag:$0x9] =	stream.linear.gather [hbm4b:s11+s7], $0x2800, $0x38;
	[tilespmem:$0x1EA00] =	vst v63  }
0x40: {  	p0 =	por $0x1, $0x1;
	_ =	swait.ge [sflag:s18], $0x2800  }
0x41: {  	s13 =	simm.s32 @!p0 $0x3;
	s10 =	simm.s32 $0x0;
	[sflag:s18] =	ssyncset.done $0x0  }
0x42: {  	s10 =	sand.u32 $0x3C00, s10;
	s11 =	simm.s32 $0x100;
	[sflag:s18] =	ssyncadd.s32 $0xFFFFD800  }
0x43: {  	s10 =	sadd.s32 s4, s10;
	s11 =	sand.u32 $0x300, s11;
	[bflag:$0x0] =	sbarrier.arrive $0xFFFF  }
0x44: {  	s11 =	sor.u32 s10, s11;
	_ =	swait.ge @!p0 [sflag:s13], $0x4000  }
0x45: {  	s11 =	sshrl.u32 s11, $0x3;
	[sflag:s13] =	ssyncset.done @!p0 $0x0  }
0x46: {  	s11 =	sadd.s32 s2, s11;
	[sflag:s13] =	ssyncadd.s32 @!p0 $0xFFFFC000  }
0x47: {  	[tilespmem:s21], [sflag:$0x7] =	stream.linear.gather [hbm4b:s11+s5], $0x80, $0x38;
	[tilespmem:$0x1EA00] =	vst v63  }
0x48: {  	s11 =	simm.s32 @!p0 $0x2  }
0x49: {  	[tilespmem:s17], [sflag:$0x1] =	stream.indirect.gather [hbm4b:s6+s22], $0x80, s7, s22, $0xb8;
	[tilespmem:$0x1EA00] =	vst v63  }
0x4a: {  	_ =	swait.ge @!p0 [sflag:s11], $0x4000  }
0x4b: {  	[sflag:s11] =	ssyncset.done @!p0 $0x0  }
0x4c: {  	s9 =	simm.s32 @!p0 $0x8;
	[sflag:s11] =	ssyncadd.s32 @!p0 $0xFFFFC000  }
0x4d: {  	_ =	swait.ge @!p0 [sflag:s9], $0x80  }
0x4e: {  	s12 =	simm.s32 $0x180;
	s14 =	simm.s32 @!p0 $0x80;
	[sflag:s9] =	ssyncset.done @!p0 $0x0  }
0x4f: {  	s13 =	simm.s32 @!p0 $0x6A00;
	[sflag:s9] =	ssyncadd.s32 @!p0 $0xFFFFFF80;
	s9 =	simm.s32 @!p0 $0x2980  }
0x50: {  	[spmem:s3] =	stream.indirect.scatter.add.f32 @!p0 [tilespmem:s13], [sflag:$0x4], $0x80, s9, s14, $0xb8;
	[tilespmem:$0x1EA00] =	vst v63  }
0x51: {  	s11 =	simm.s32 @!p0 $0x4;
	s13 =	sand.u32 $0x380, s12  }
0x52: {  	s9 =	sor.u32 s10, s13;
	_ =	swait.ge @!p0 [sflag:s11], $0x4000  }
0x53: {  	s9 =	sshrl.u32 s9, $0x3;
	[sflag:s11] =	ssyncset.done @!p0 $0x0  }
0x54: {  	[sflag:s11] =	ssyncadd.s32 @!p0 $0xFFFFC000;
	s9 =	sadd.s32 s2, s9  }
0x55: {  	[tilespmem:s23], [sflag:$0x8] =	stream.linear.gather [hbm4b:s9+s5], $0x80, $0x38;
	[tilespmem:$0x1EA00] =	vst v63  }
0x56: {  	s14 =	simm.s32 $0x80  }
0x57: {  	[tilespmem:s24], [sflag:$0x2] =	stream.indirect.gather [hbm4b:s6+s22], $0x80, s14, s22, $0xb8;
	[tilespmem:$0x1EA00] =	vst v63  }
0x58: {  	_ =	swait.ge [sflag:s25], $0x4000  }
0x59: {  	[sflag:s25] =	ssyncset.done $0x0  }
0x5a: {  	p0 =	por $0x0, $0x0;
	[sflag:s25] =	ssyncadd.s32 $0xFFFFC000  }
0x5b: {  	s9 =	simm.s32 @!p0 $0x200;
	_ =	swait.ge [sflag:s26], $0x80  }
0x5c: {  	s10 =	sand.u32 @!p0 $0x7C00, s9;
	[sflag:s26] =	ssyncset.done $0x0  }
0x5d: {  	s9 =	sand.u32 @!p0 $0x200, s9;
	s10 =	sadd.s32 @!p0 s4, s10;
	[sflag:s26] =	ssyncadd.s32 $0xFFFFFF80  }
0x5e: {  	[spmem:s3] =	stream.indirect.scatter.add.f32 [tilespmem:s17], [sflag:$0x3], $0x80, s19, s22, $0xb8;
	[tilespmem:$0x1EA00] =	vst v63  }
0x5f: {  	s9 =	sor.u32 @!p0 s9, s10;
	_ =	swait.ge [sflag:s28], $0x4000  }
0x60: {  	s11 =	simm.s32 @!p0 $0x2800;
	s9 =	sshrl.u32 @!p0 s9, $0x3;
	[sflag:s28] =	ssyncset.done $0x0  }
0x61: {  	s10 =	simm.s32 @!p0 $0x0;
	s9 =	sadd.s32 @!p0 s2, s9;
	[sflag:s28] =	ssyncadd.s32 $0xFFFFC000  }
0x62: {  	[tilespmem:s11], [sflag:$0x5] =	stream.linear.gather @!p0 [hbm4b:s9+s10], $0x80, $0x38;
	[tilespmem:$0x1EA00] =	vst v63  }
0x63: {  	s15 =	simm.s32 $0x100  }
0x64: {  	[tilespmem:s17], [sflag:$0x1] =	stream.indirect.gather [hbm4b:s6+s22], $0x80, s15, s22, $0xb8;
	[tilespmem:$0x1EA00] =	vst v63  }
0x65: {  	_ =	swait.ge [sflag:s29], $0x4000  }
0x66: {  	[sflag:s29] =	ssyncset.done $0x0  }
0x67: {  	[sflag:s29] =	ssyncadd.s32 $0xFFFFC000  }
0x68: {  	s9 =	simm.s32 $0x280;
	_ =	swait.ge [sflag:s30], $0x80  }
0x69: {  	s16 =	simm.s32 $0x180;
	s11 =	sand.u32 @!p0 $0x7C00, s9;
	[sflag:s30] =	ssyncset.done $0x0  }
0x6a: {  	s9 =	sand.u32 @!p0 $0x280, s9;
	s11 =	sadd.s32 @!p0 s4, s11;
	[sflag:s30] =	ssyncadd.s32 $0xFFFFFF80  }
0x6b: {  	[spmem:s3] =	stream.indirect.scatter.add.f32 [tilespmem:s24], [sflag:$0x4], $0x80, s20, s22, $0xb8;
	[tilespmem:$0x1EA00] =	vst v63  }
0x6c: {  	s14 =	simm.s32 $0x200;
	s9 =	sor.u32 @!p0 s9, s11;
	_ =	swait.ge [sflag:s31], $0x4000  }
0x6d: {  	s15 =	simm.s32 $0x380;
	s9 =	sshrl.u32 @!p0 s9, $0x3;
	[sflag:s31] =	ssyncset.done $0x0  }
0x6e: {  	s11 =	simm.s32 @!p0 $0x2880;
	s9 =	sadd.s32 @!p0 s2, s9;
	[sflag:s31] =	ssyncadd.s32 $0xFFFFC000  }
0x6f: {  	[tilespmem:s11], [sflag:$0x6] =	stream.linear.gather @!p0 [hbm4b:s9+s10], $0x80, $0x38;
	[tilespmem:$0x1EA00] =	vst v63  }
0x70: {  	s10 =	simm.s32 $0x480;
	s11 =	simm.s32 $0x680;
	s9 =	simm.s32 $0x200  }
0x71: {  	[tilespmem:s24], [sflag:$0x2] =	stream.indirect.gather [hbm4b:s6+s22], $0x80, s16, s22, $0xb8;
	[tilespmem:$0x1EA00] =	vst v63  }
.LBB2_4:
0x72: {  	s16 =	sand.u32 $0x3C00, s14;
	s12 =	sadd.s32 $0xFFFFFE80, s10  }
0x73: {  	_ =	swait.ge [sflag:s25], $0x4000;
	s14 =	smov.u32 s11;
	s13 =	smov.u32 s9  }
0x74: {  	s16 =	sadd.s32 s4, s16;
	s12 =	sand.u32 $0x300, s12;
	[sflag:s25] =	ssyncset.done $0x0  }
0x75: {  	s15 =	sand.u32 $0x380, s15;
	s12 =	sor.u32 s16, s12;
	[sflag:s25] =	ssyncadd.s32 $0xFFFFC000  }
0x76: {  	s15 =	sor.u32 s16, s15;
	s12 =	sshrl.u32 s12, $0x3;
	_ =	swait.ge [sflag:s1], $0x80  }
0x77: {  	s11 =	sadd.s32 $0x200, s11;
	s15 =	sshrl.u32 s15, $0x3;
	[sflag:s1] =	ssyncset.done $0x0  }
0x78: {  	p1 =	seq.s32 s10, $0x280;
	p0 =	sne.s32 s11, $0x2A80;
	[sflag:s1] =	ssyncadd.s32 $0xFFFFFF80  }
0x79: {  	[spmem:s3] =	stream.indirect.scatter.add.f32 [tilespmem:s17], [sflag:$0x3], $0x80, s21, s22, $0xb8;
	[tilespmem:$0x1EA00] =	vst v63  }
0x7a: {  	s16 =	simm.s32 @!p1 $0x3;
	s12 =	sadd.s32 s2, s12  }
0x7b: {  	_ =	swait.ge @!p1 [sflag:s16], $0x4000  }
0x7c: {  	[sflag:s16] =	ssyncset.done @!p1 $0x0  }
0x7d: {  	[sflag:s16] =	ssyncadd.s32 @!p1 $0xFFFFC000  }
0x7e: {  	[tilespmem:s21], [sflag:$0x7] =	stream.linear.gather [hbm4b:s12+s5], $0x80, $0x38;
	[tilespmem:$0x1EA00] =	vst v63  }
0x7f: {  	s12 =	simm.s32 @!p1 $0x2  }
0x80: {  	[tilespmem:s17], [sflag:$0x1] =	stream.indirect.gather [hbm4b:s6+s22], $0x80, s9, s22, $0xb8;
	[tilespmem:$0x1EA00] =	vst v63  }
0x81: {  	s16 =	simm.s32 @!p1 $0x8;
	_ =	swait.ge @!p1 [sflag:s12], $0x4000  }
0x82: {  	s0 =	simm.s32 @!p1 $0x6A00;
	s7 =	simm.s32 @!p1 $0x4;
	[sflag:s12] =	ssyncset.done @!p1 $0x0  }
0x83: {  	s8 =	simm.s32 @!p1 $0x2980;
	[sflag:s12] =	ssyncadd.s32 @!p1 $0xFFFFC000;
	s12 =	simm.s32 @!p1 $0x80  }
0x84: {  	_ =	swait.ge @!p1 [sflag:s16], $0x80  }
0x85: {  	[sflag:s16] =	ssyncset.done @!p1 $0x0  }
0x86: {  	[sflag:s16] =	ssyncadd.s32 @!p1 $0xFFFFFF80  }
0x87: {  	[spmem:s3] =	stream.indirect.scatter.add.f32 @!p1 [tilespmem:s0], [sflag:$0x4], $0x80, s8, s12, $0xb8;
	[tilespmem:$0x1EA00] =	vst v63  }
0x88: {  	_ =	swait.ge @!p1 [sflag:s7], $0x4000  }
0x89: {  	[sflag:s7] =	ssyncset.done @!p1 $0x0  }
0x8a: {  	s0 =	sadd.s32 s2, s15;
	[sflag:s7] =	ssyncadd.s32 @!p1 $0xFFFFC000  }
0x8b: {  	[tilespmem:s23], [sflag:$0x8] =	stream.linear.gather [hbm4b:s0+s5], $0x80, $0x38;
	[tilespmem:$0x1EA00] =	vst v63  }
0x8c: {  	s0 =	sadd.s32 $0x80, s9  }
0x8d: {  	[tilespmem:s24], [sflag:$0x2] =	stream.indirect.gather [hbm4b:s6+s22], $0x80, s0, s22, $0xb8;
	[tilespmem:$0x1EA00] =	vst v63  }
0x8e: {  	p1 =	seq.s32 s10, $0x2880;
	_ =	swait.ge [sflag:s25], $0x4000  }
0x8f: {  	s7 =	sand.u32 @!p1 $0x7C00, s10;
	s0 =	sadd.s32 @!p1 $0xFFFFFF80, s10;
	[sflag:s25] =	ssyncset.done $0x0  }
0x90: {  	s7 =	sadd.s32 @!p1 s4, s7;
	s8 =	sand.u32 @!p1 $0x7C00, s0;
	[sflag:s25] =	ssyncadd.s32 $0xFFFFC000  }
0x91: {  	s0 =	sand.u32 @!p1 $0x200, s0;
	s8 =	sadd.s32 @!p1 s4, s8;
	_ =	swait.ge [sflag:s26], $0x80  }
0x92: {  	s0 =	sor.u32 @!p1 s0, s8;
	s8 =	sand.u32 @!p1 $0x280, s10;
	[sflag:s26] =	ssyncset.done $0x0  }
0x93: {  	s10 =	smov.u32 s14;
	s0 =	sshrl.u32 @!p1 s0, $0x3;
	[sflag:s26] =	ssyncadd.s32 $0xFFFFFF80  }
0x94: {  	[spmem:s3] =	stream.indirect.scatter.add.f32 [tilespmem:s17], [sflag:$0x3], $0x80, s19, s22, $0xb8;
	[tilespmem:$0x1EA00] =	vst v63  }
0x95: {  	s12 =	simm.s32 @!p1 $0x0;
	s0 =	sadd.s32 @!p1 s2, s0;
	_ =	swait.ge [sflag:s28], $0x4000  }
0x96: {  	s7 =	sor.u32 @!p1 s8, s7;
	[sflag:s28] =	ssyncset.done $0x0  }
0x97: {  	s8 =	simm.s32 @!p1 $0x2800;
	s7 =	sshrl.u32 @!p1 s7, $0x3;
	[sflag:s28] =	ssyncadd.s32 $0xFFFFC000  }
0x98: {  	[tilespmem:s8], [sflag:$0x5] =	stream.linear.gather @!p1 [hbm4b:s0+s12], $0x80, $0x38;
	[tilespmem:$0x1EA00] =	vst v63  }
0x99: {  	s7 =	sadd.s32 @!p1 s2, s7;
	s0 =	sadd.s32 $0x100, s9  }
0x9a: {  	[tilespmem:s17], [sflag:$0x1] =	stream.indirect.gather [hbm4b:s6+s22], $0x80, s0, s22, $0xb8;
	[tilespmem:$0x1EA00] =	vst v63  }
0x9b: {  	_ =	swait.ge [sflag:s29], $0x4000  }
0x9c: {  	[sflag:s29] =	ssyncset.done $0x0  }
0x9d: {  	[sflag:s29] =	ssyncadd.s32 $0xFFFFC000  }
0x9e: {  	_ =	swait.ge [sflag:s30], $0x80  }
0x9f: {  	[sflag:s30] =	ssyncset.done $0x0  }
0xa0: {  	[sflag:s30] =	ssyncadd.s32 $0xFFFFFF80  }
0xa1: {  	[spmem:s3] =	stream.indirect.scatter.add.f32 [tilespmem:s24], [sflag:$0x4], $0x80, s20, s22, $0xb8;
	[tilespmem:$0x1EA00] =	vst v63  }
0xa2: {  	_ =	swait.ge [sflag:s31], $0x4000  }
.Ltmp1:
0xa3: {  	s0 =	simm.s32 @!p1 $0x2880;
	[sflag:s31] =	ssyncset.done $0x0;
	(pc) =	sbr.rel @p0 .LBB2_4-.Ltmp1, $4  }
0xa4: {  	s9 =	sadd.s32 $0x200, s9;
	[sflag:s31] =	ssyncadd.s32 $0xFFFFC000  }
0xa5: {  	[tilespmem:s0], [sflag:$0x6] =	stream.linear.gather @!p1 [hbm4b:s7+s12], $0x80, $0x38;
	[tilespmem:$0x1EA00] =	vst v63  }
0xa6: {  	s14 =	sadd.s32 $0xFFFFFD80, s10;
	s15 =	sadd.s32 $0xFFFFFF00, s10;
	s0 =	sadd.s32 $0x180, s13  }
0xa7: {  	[tilespmem:s24], [sflag:$0x2] =	stream.indirect.gather [hbm4b:s6+s22], $0x80, s0, s22, $0xb8;
	[tilespmem:$0x1EA00] =	vst v63  }
0xa8: {  	_ =	swait.ge [sflag:s25], $0x4000  }
0xa9: {  	[sflag:s25] =	ssyncset.done $0x0  }
0xaa: {  	[sflag:s25] =	ssyncadd.s32 $0xFFFFC000  }
0xab: {  	s0 =	sand.u32 $0x3C00, s14;
	s7 =	sadd.s32 $0xFFFFFE80, s10;
	_ =	swait.ge [sflag:s1], $0x80  }
0xac: {  	p0 =	seq.s32 s10, $0x280;
	s0 =	sadd.s32 s4, s0;
	[sflag:s1] =	ssyncset.done $0x0  }
0xad: {  	s7 =	sand.u32 $0x300, s7;
	s8 =	simm.s32 @!p0 $0x3;
	[sflag:s1] =	ssyncadd.s32 $0xFFFFFF80  }
0xae: {  	[spmem:s3] =	stream.indirect.scatter.add.f32 [tilespmem:s17], [sflag:$0x3], $0x80, s21, s22, $0xb8;
	[tilespmem:$0x1EA00] =	vst v63  }
0xaf: {  	s7 =	sor.u32 s0, s7;
	_ =	swait.ge @!p0 [sflag:s8], $0x4000  }
0xb0: {  	s7 =	sshrl.u32 s7, $0x3;
	[sflag:s8] =	ssyncset.done @!p0 $0x0  }
0xb1: {  	s7 =	sadd.s32 s2, s7;
	[sflag:s8] =	ssyncadd.s32 @!p0 $0xFFFFC000  }
0xb2: {  	[tilespmem:s21], [sflag:$0x7] =	stream.linear.gather [hbm4b:s7+s5], $0x80, $0x38;
	[tilespmem:$0x1EA00] =	vst v63  }
0xb3: {  	s7 =	simm.s32 @!p0 $0x2  }
0xb4: {  	[tilespmem:s17], [sflag:$0x1] =	stream.indirect.gather [hbm4b:s6+s22], $0x80, s9, s22, $0xb8;
	[tilespmem:$0x1EA00] =	vst v63  }
0xb5: {  	_ =	swait.ge @!p0 [sflag:s7], $0x4000  }
0xb6: {  	[sflag:s7] =	ssyncset.done @!p0 $0x0  }
0xb7: {  	s8 =	simm.s32 @!p0 $0x8;
	[sflag:s7] =	ssyncadd.s32 @!p0 $0xFFFFC000  }
0xb8: {  	_ =	swait.ge @!p0 [sflag:s8], $0x80  }
0xb9: {  	s11 =	simm.s32 @!p0 $0x80;
	[sflag:s8] =	ssyncset.done @!p0 $0x0  }
0xba: {  	s7 =	simm.s32 @!p0 $0x6A00;
	[sflag:s8] =	ssyncadd.s32 @!p0 $0xFFFFFF80;
	s8 =	simm.s32 @!p0 $0x2980  }
0xbb: {  	[spmem:s3] =	stream.indirect.scatter.add.f32 @!p0 [tilespmem:s7], [sflag:$0x4], $0x80, s8, s11, $0xb8;
	[tilespmem:$0x1EA00] =	vst v63  }
0xbc: {  	s16 =	sand.u32 $0x380, s15;
	s8 =	simm.s32 @!p0 $0x4  }
0xbd: {  	s0 =	sor.u32 s0, s16;
	_ =	swait.ge @!p0 [sflag:s8], $0x4000  }
0xbe: {  	s0 =	sshrl.u32 s0, $0x3;
	[sflag:s8] =	ssyncset.done @!p0 $0x0  }
0xbf: {  	s0 =	sadd.s32 s2, s0;
	[sflag:s8] =	ssyncadd.s32 @!p0 $0xFFFFC000  }
0xc0: {  	[tilespmem:s23], [sflag:$0x8] =	stream.linear.gather [hbm4b:s0+s5], $0x80, $0x38;
	[tilespmem:$0x1EA00] =	vst v63  }
0xc1: {  	s7 =	sadd.s32 $0x80, s9  }
0xc2: {  	[tilespmem:s24], [sflag:$0x2] =	stream.indirect.gather [hbm4b:s6+s22], $0x80, s7, s22, $0xb8;
	[tilespmem:$0x1EA00] =	vst v63  }
0xc3: {  	_ =	swait.ge [sflag:s25], $0x4000  }
0xc4: {  	[sflag:s25] =	ssyncset.done $0x0  }
0xc5: {  	p0 =	seq.s32 s10, $0x2880;
	[sflag:s25] =	ssyncadd.s32 $0xFFFFC000  }
0xc6: {  	s0 =	sadd.s32 @!p0 $0xFFFFFF80, s10;
	_ =	swait.ge [sflag:s26], $0x80  }
0xc7: {  	s7 =	sand.u32 @!p0 $0x7C00, s0;
	[sflag:s26] =	ssyncset.done $0x0  }
0xc8: {  	s0 =	sand.u32 @!p0 $0x200, s0;
	s7 =	sadd.s32 @!p0 s4, s7;
	[sflag:s26] =	ssyncadd.s32 $0xFFFFFF80  }
0xc9: {  	[spmem:s3] =	stream.indirect.scatter.add.f32 [tilespmem:s17], [sflag:$0x3], $0x80, s19, s22, $0xb8;
	[tilespmem:$0x1EA00] =	vst v63  }
0xca: {  	s0 =	sor.u32 @!p0 s0, s7;
	_ =	swait.ge [sflag:s28], $0x4000  }
0xcb: {  	s8 =	simm.s32 @!p0 $0x2800;
	s0 =	sshrl.u32 @!p0 s0, $0x3;
	[sflag:s28] =	ssyncset.done $0x0  }
0xcc: {  	s7 =	simm.s32 @!p0 $0x0;
	s0 =	sadd.s32 @!p0 s2, s0;
	[sflag:s28] =	ssyncadd.s32 $0xFFFFC000  }
0xcd: {  	[tilespmem:s8], [sflag:$0x5] =	stream.linear.gather @!p0 [hbm4b:s0+s7], $0x80, $0x38;
	[tilespmem:$0x1EA00] =	vst v63  }
0xce: {  	s8 =	sadd.s32 $0x100, s9  }
0xcf: {  	[tilespmem:s17], [sflag:$0x1] =	stream.indirect.gather [hbm4b:s6+s22], $0x80, s8, s22, $0xb8;
	[tilespmem:$0x1EA00] =	vst v63  }
0xd0: {  	_ =	swait.ge [sflag:s29], $0x4000  }
0xd1: {  	[sflag:s29] =	ssyncset.done $0x0  }
0xd2: {  	[sflag:s29] =	ssyncadd.s32 $0xFFFFC000  }
0xd3: {  	_ =	swait.ge [sflag:s30], $0x80  }
0xd4: {  	s0 =	sand.u32 @!p0 $0x7C00, s10;
	[sflag:s30] =	ssyncset.done $0x0  }
0xd5: {  	s0 =	sadd.s32 @!p0 s4, s0;
	s8 =	sand.u32 @!p0 $0x280, s10;
	[sflag:s30] =	ssyncadd.s32 $0xFFFFFF80  }
0xd6: {  	[spmem:s3] =	stream.indirect.scatter.add.f32 [tilespmem:s24], [sflag:$0x4], $0x80, s20, s22, $0xb8;
	[tilespmem:$0x1EA00] =	vst v63  }
0xd7: {  	s0 =	sor.u32 @!p0 s8, s0;
	_ =	swait.ge [sflag:s31], $0x4000  }
0xd8: {  	s0 =	sshrl.u32 @!p0 s0, $0x3;
	[sflag:s31] =	ssyncset.done $0x0  }
0xd9: {  	s8 =	simm.s32 @!p0 $0x2880;
	s0 =	sadd.s32 @!p0 s2, s0;
	[sflag:s31] =	ssyncadd.s32 $0xFFFFC000  }
0xda: {  	[tilespmem:s8], [sflag:$0x6] =	stream.linear.gather @!p0 [hbm4b:s0+s7], $0x80, $0x38;
	[tilespmem:$0x1EA00] =	vst v63  }
0xdb: {  	s10 =	sadd.s32 $0x180, s9  }
0xdc: {  	[tilespmem:s24], [sflag:$0x2] =	stream.indirect.gather [hbm4b:s6+s22], $0x80, s10, s22, $0xb8;
	[tilespmem:$0x1EA00] =	vst v63  }
0xdd: {  	_ =	swait.ge [sflag:s25], $0x4000  }
0xde: {  	[sflag:s25] =	ssyncset.done $0x0  }
0xdf: {  	[sflag:s25] =	ssyncadd.s32 $0xFFFFC000  }
0xe0: {  	_ =	swait.ge [sflag:s1], $0x80  }
0xe1: {  	[sflag:s1] =	ssyncset.done $0x0  }
0xe2: {  	[sflag:s1] =	ssyncadd.s32 $0xFFFFFF80  }
0xe3: {  	[spmem:s3] =	stream.indirect.scatter.add.f32 [tilespmem:s17], [sflag:$0x3], $0x80, s21, s22, $0xb8;
	[tilespmem:$0x1EA00] =	vst v63  }
0xe4: {  	_ =	swait.ge [sflag:s29], $0x4000  }
0xe5: {  	[sflag:s29] =	ssyncset.done $0x0  }
0xe6: {  	s11 =	simm.s32 $0x8;
	[sflag:s29] =	ssyncadd.s32 $0xFFFFC000  }
0xe7: {  	_ =	swait.ge [sflag:s11], $0x80  }
0xe8: {  	[sflag:s11] =	ssyncset.done $0x0  }
0xe9: {  	[sflag:s11] =	ssyncadd.s32 $0xFFFFFF80  }
0xea: {  	[spmem:s3] =	stream.indirect.scatter.add.f32 [tilespmem:s24], [sflag:$0x4], $0x80, s23, s22, $0xb8;
	[tilespmem:$0x1EA00] =	vst v63  }
0xeb: {  	_ =	swait.ge [sflag:s28], $0x4000  }
0xec: {  	[sflag:s28] =	ssyncset.done $0x0  }
0xed: {  	[sflag:s28] =	ssyncadd.s32 $0xFFFFC000  }
0xee: {  	_ =	swait.ge [sflag:s31], $0x4000  }
0xef: {  	[sflag:s31] =	ssyncset.done $0x0  }
0xf0: {  	[sflag:s31] =	ssyncadd.s32 $0xFFFFC000  }
0xf1: {  	s12 =	stileid.u32;
	[bflag:$0x0] =	sbarrier.arrive $0xFFFF  }
0xf2: {  	s0 =	sshll.u32 s12, $0x6;
	s8 =	rddreg [dreg:$0x4]  }
0xf3: {  	s0 =	sor.u32 $0x1C09, s0;
	s14 =	rddreg [dreg:$0xc];
	s13 =	sshrl.u32 s8, $0x3  }
0xf4: {  	[hbm:s14], [sflag:s0] =	dma.local [spmem:s13], $0x2800  }
0xf5: {  	_ =	swait.ge [sflag:s18], $0x2800  }
0xf6: {  	s15 =	rddreg [dreg:$0xe]  }
0xf7: {  	s16 =	rddreg [dreg:$0xd];
	s7 =	sadd.s32 $0x1, s15  }
0xf8: {  	p0 =	sne.s32 s7, s16  }
.Ltmp2:
0xf9: {  	_ = 	snop;
	(pc) =	sbr.rel @p0 .LBB2_1-.Ltmp2, $3  }
0xfa: {  	_ =	sdelay $0x1  }
0xfb: {  	[sflag:s18] =	ssyncset.done $0x0  }
0xfc: {  	[sflag:s18] =	ssyncadd.s32 $0xFFFFD800  }
0xfd: {  	_ =	sfence.sel $0x180000  }
0xfe: {  	[bflag:$0x0] =	sbarrier.arrive $0xFFFF  }
0xff: {  	_ =	strace $0x9000004A  }
0x100: {  	s0 =	stileid.u32;
	[bflag:$0x2] =	sbarrier.arrive $0xFFFF  }
0x101: {  	p0 =	sne.s32 s0, $0x0;
	s0 =	rddreg [dreg:$0x3]  }
0x102: {  	s0 =	sadd.s32 @!p0 $0x100000, s0  }
0x103: {  	[sflag:s0] =	ssyncadd.tile.s32 @!p0 $0x1;
	_ =	shalt  }
.Lfunc_end2:
_tile_overlayer_lowered:
.L_overlay_start_2:
0x104: {  	(tag) =	ssettag $0x2  }
0x105: {  	s0 =	rddreg [dreg:$0x0];
	s2 =	stileid.u32  }
0x106: {  	s1 =	rddreg [dreg:$0x1];
	p0 =	sne.s32 s2, $0x0  }
0x107: {  	s3 =	rddreg [dreg:$0x2];
	[bflag:$0x3] =	sbarrier.arrive $0xFFFF;
	s2 =	simm.s32 @!p0 $0x1C09  }
0x108: {  	[timem:s3], [sflag:s2] =	dma.local @!p0 [hbm:s0], s1  }
0x109: {  	s0 =	simm.s32 @!p0 $0x9  }
0x10a: {  	_ =	swait.ge @!p0 [sflag:s0], s1  }
0x10b: {  	s1 =	ssub.s32 @!p0 $0x0, s1;
	[sflag:s0] =	ssyncset.done @!p0 $0x0  }
0x10c: {  	[sflag:s0] =	ssyncadd.s32 @!p0 s1  }
0x10d: {  	[bflag:$0x3] =	sbarrier.arrive $0xFFFF  }
0x10e: {  	_ =	shalt  }

// kernel: kernel.14.cloned.1.call-start
scs
__scs_entry_jumppad:
0x0: {  	(pc) =	sbr.rel $0x88, $3  }
0x1: {  	(tag) =	ssettag $0x0;
	lr =	simm.s32 $0x1  }
0x2: {  	[smem:$0x3F9B] =	sst lr;
	_ =	strace $0xD0000000  }
0x3: {  	_ = 	snop  }
0x4: {  	_ = 	snop  }
0x5: {  	_ = 	snop  }
0x6: {  	_ = 	snop  }
0x7: {  	_ = 	snop  }
__scs_overlays_trampoline_lowered:
0x8: {  	[smem:$0x3FAA] =	sst s0  }
0x9: {  	[smem:$0x3FAB] =	sst s1  }
0xa: {  	[smem:$0x3FAC] =	sst s2  }
0xb: {  	[smem:$0x3FAD] =	sst s3  }
0xc: {  	[smem:$0x3FAE] =	sst s4  }
0xd: {  	[smem:$0x3FAF] =	sst s5  }
0xe: {  	[smem:$0x3FB0] =	sst s6  }
0xf: {  	[smem:$0x3FB1] =	sst s7  }
0x10: {  	[smem:$0x3FB2] =	sst s8  }
0x11: {  	[smem:$0x3FB3] =	sst s9;
	s0 =	simm.s32 @!p0 $0x0  }
0x12: {  	s1 =	sld [smem:$0x3F99];
	s0 =	simm.s32 @p0 $0x1  }
0x13: {  	[smem:$0x3FB4] =	sst s0;
	s0 =	simm.s32 @!p1 $0x0  }
0x14: {  	s2 =	sld [smem:$0x3F98];
	s0 =	simm.s32 @p1 $0x1  }
0x15: {  	[smem:$0x3FB5] =	sst s0;
	s0 =	simm.s32 @!p2 $0x0  }
0x16: {  	s3 =	sld [smem:$0x3FDB];
	s0 =	simm.s32 @p2 $0x1  }
0x17: {  	s4 =	simm.s32 $0x1BF5;
	[smem:$0x3FB7] =	sst s0  }
0x18: {  	s0 =	sld [smem:$0x3F9A];
	_ =	swait.ge [sflag:s4], $0x0  }
0x19: {  	s7 =	sld [smem:$0x3F9B]  }
0x1a: {  	s8 =	sadd.s32 $0xFFFFE003, lr  }
0x1b: {  	s9 =	sadd.s32 $0xFFFFFEF7, lr;
	s5 =	simm.s32 $0xFFFFFFFF;
	p2 =	slt.u32 s8, $0xFFFFF086  }
0x1c: {  	p1 =	slt.u32 s9, $0xF7A;
	s5 =	simm.s32 @!p2 $0x0  }
0x1d: {  	s5 =	simm.s32 @p1 $0x1;
	p0 =	seq.s32 s7, s2  }
0x1e: {  	s7 =	smul.u32 @!p0 $0xF7A, s2;
	p2 =	seq.s32 @!p0 s5, $0x0  }
0x1f: {  	s9 =	smul.u32 $0xF7A, s1;
	s8 =	simm.s32 @!p0 $0x1BF5;
	p2 =	por !p2, p0  }
0x20: {  	[sflag:s8] =	ssyncset.s32 @!p0 $0xFFFFF086;
	s6 =	sadd.s32 @!p0 s3, s7;
	s7 =	simm.s32 @!p0 $0x108  }
0x21: {  	s3 =	sadd.s32 s3, s9;
	s6 =	sadd.s32 @!p0 $0x88, s6;
	s7 =	simm.s32 @p2 $0x1082  }
0x22: {  	[simem:s7], [sflag:s8] =	dma.local @!p0 [hbm:s6], $0xF7A  }
0x23: {  	s9 =	sor.u32 $0xD0000000, s2;
	s6 =	simm.s32 $0x108;
	_ =	swait.ge @!p0 [sflag:s8], $0x0  }
0x24: {  	s3 =	sadd.s32 $0x88, s3;
	s6 =	simm.s32 @!p1 $0x1082;
	[sflag:s4] =	ssyncset.s32 $0xFFFFF086  }
0x25: {  	[simem:s6], [sflag:s4] =	dma.local [hbm:s3], $0xF7A  }
0x26: {  	[smem:$0x3F9B] =	sst s1;
	(tag) =	ssettag s2;
	_ =	strace s9  }
0x27: {  	s1 =	sld [smem:$0x3FAB]  }
0x28: {  	s2 =	sld [smem:$0x3FAC]  }
0x29: {  	s4 =	sld [smem:$0x3FAE]  }
0x2a: {  	p0 =	seq.s32 s5, $0x0;
	s5 =	sld [smem:$0x3FAF]  }
0x2b: {  	s6 =	sld [smem:$0x3FB0]  }
0x2c: {  	s7 =	sld [smem:$0x3FB1]  }
0x2d: {  	s3 =	simm.s32 $0x108;
	s8 =	sld [smem:$0x3FB2]  }
0x2e: {  	s3 =	simm.s32 @!p0 $0x1082;
	s9 =	sld [smem:$0x3FB3]  }
0x2f: {  	lr =	sadd.s32 s0, s3;
	s0 =	sld [smem:$0x3FAA]  }
0x30: {  	s3 =	sld [smem:$0x3FAD]  }
0x31: {  	[smem:$0x3FB6] =	sst s10  }
0x32: {  	s10 =	sld [smem:$0x3FB4];
	_ =	sdelay $0x3  }
0x33: {  	p0 =	seq.s32 s10, $0x1;
	s10 =	sld [smem:$0x3FB6];
	_ =	sdelay $0x3  }
0x34: {  	[smem:$0x3FB6] =	sst s10  }
0x35: {  	s10 =	sld [smem:$0x3FB5];
	_ =	sdelay $0x3  }
0x36: {  	p1 =	seq.s32 s10, $0x1;
	s10 =	sld [smem:$0x3FB6];
	_ =	sdelay $0x3  }
0x37: {  	[smem:$0x3FB6] =	sst s10  }
0x38: {  	s10 =	sld [smem:$0x3FB7]  }
0x39: {  	_ = 	snop;
	(pc) =	sbr.ind lr, $3  }
0x3a: {  	_ = 	snop  }
0x3b: {  	_ = 	snop  }
0x3c: {  	p2 =	seq.s32 s10, $0x1;
	s10 =	sld [smem:$0x3FB6]  }
0x3d: {  	_ =	shalt  }
0x3e: {  	_ =	shalt  }
0x3f: {  	_ =	shalt  }
0x40: {  	_ =	shalt  }
0x41: {  	_ =	shalt  }
0x42: {  	_ =	shalt  }
0x43: {  	_ =	shalt  }
0x44: {  	_ =	shalt  }
0x45: {  	_ =	shalt  }
0x46: {  	_ =	shalt  }
0x47: {  	_ =	shalt  }
0x48: {  	_ =	shalt  }
0x49: {  	_ =	shalt  }
0x4a: {  	_ =	shalt  }
0x4b: {  	_ =	shalt  }
0x4c: {  	_ =	shalt  }
0x4d: {  	_ =	shalt  }
0x4e: {  	_ =	shalt  }
0x4f: {  	_ =	shalt  }
0x50: {  	_ =	shalt  }
0x51: {  	_ =	shalt  }
0x52: {  	_ =	shalt  }
0x53: {  	_ =	shalt  }
0x54: {  	_ =	shalt  }
0x55: {  	_ =	shalt  }
0x56: {  	_ =	shalt  }
0x57: {  	_ =	shalt  }
0x58: {  	_ =	shalt  }
0x59: {  	_ =	shalt  }
0x5a: {  	_ =	shalt  }
0x5b: {  	_ =	shalt  }
0x5c: {  	_ =	shalt  }
0x5d: {  	_ =	shalt  }
0x5e: {  	_ =	shalt  }
0x5f: {  	_ =	shalt  }
0x60: {  	_ =	shalt  }
0x61: {  	_ =	shalt  }
0x62: {  	_ =	shalt  }
0x63: {  	_ =	shalt  }
0x64: {  	_ =	shalt  }
0x65: {  	_ =	shalt  }
0x66: {  	_ =	shalt  }
0x67: {  	_ =	shalt  }
0x68: {  	_ =	shalt  }
0x69: {  	_ =	shalt  }
0x6a: {  	_ =	shalt  }
0x6b: {  	_ =	shalt  }
0x6c: {  	_ =	shalt  }
0x6d: {  	_ =	shalt  }
0x6e: {  	_ =	shalt  }
0x6f: {  	_ =	shalt  }
0x70: {  	_ =	shalt  }
0x71: {  	_ =	shalt  }
0x72: {  	_ =	shalt  }
0x73: {  	_ =	shalt  }
0x74: {  	_ =	shalt  }
0x75: {  	_ =	shalt  }
0x76: {  	_ =	shalt  }
0x77: {  	_ =	shalt  }
0x78: {  	_ =	shalt  }
0x79: {  	_ =	shalt  }
0x7a: {  	_ =	shalt  }
0x7b: {  	_ =	shalt  }
0x7c: {  	_ =	shalt  }
0x7d: {  	_ =	shalt  }
0x7e: {  	_ =	shalt  }
0x7f: {  	_ =	shalt  }
0x80: {  	_ =	shalt  }
0x81: {  	_ =	shalt  }
0x82: {  	_ =	shalt  }
0x83: {  	_ =	shalt  }
0x84: {  	_ =	shalt  }
0x85: {  	_ =	shalt  }
0x86: {  	_ =	shalt  }
0x87: {  	_ =	shalt  }
.Lfunc_end0:
.L_simem_size_0:
called_computation.2_lowered:
.L_overlay_start_0:
0x88: {  	s2 =	sld [smem:$0x3FD9]  }
0x89: {  	s3 =	sld [smem:$0x3FFE];
	_ =	sdelay $0x1  }
0x8a: {  	s1 =	srdreg.scid  }
0x8b: {  	s0 =	sand.u32 $0x1, s1  }
0x8c: {  	s17 =	sshll.u32 s0, $0xA;
	s2 =	sadd.s32 s3, s2  }
0x8d: {  	s2 =	sadd.s32 s2, s17  }
0x8e: {  	[smem:$0x3FC2] =	sst s2  }
0x8f: {  	_ = 	snop  }
0x90: {  	s2 =	sld [smem:$0x3FD0];
	(tm) =	ssettm $0x1  }
0x91: {  	s18 =	sld [smem:$0x3FFB];
	_ =	sdelay $0x3  }
0x92: {  	_ =	strace s18  }
0x93: {  	s3 =	sld [smem:$0x3FFC];
	_ =	sdelay $0x3  }
0x94: {  	_ =	strace s3  }
0x95: {  	s3 =	sld [smem:$0x3FFD];
	_ =	sdelay $0x3  }
0x96: {  	_ =	strace s3  }
0x97: {  	_ =	strace $0x8FFFFFFF  }
0x98: {  	s19 =	sld [smem:$0x3FDB];
	_ =	sdelay $0x1  }
0x99: {  	s4 =	simm.s32 $_scs_section_size  }
0x9a: {  	s5 =	simm.s32 $_size__tile_overlayer_lowered;
	s6 =	simm.s32 $_tile_overlayer_lowered  }
0x9b: {  	s22 =	simm.s32 $0x1BFF;
	s21 =	sshll.u32 s6, $0x1;
	s3 =	sadd.s32 s4, s19  }
0x9c: {  	s7 =	simm.s32 $0x0;
	s20 =	sshll.u32 s5, $0x1;
	s5 =	sadd.s32 s21, s3  }
0x9d: {  	[timem:s7], [sflag:s22] =	dma.local [hbm:s5], s20  }
0x9e: {  	_ =	swait.ge [sflag:s22], s20  }
0x9f: {  	s4 =	ssub.s32 $0x0, s20;
	[sflag:s22] =	ssyncset.done $0x0  }
0xa0: {  	[sflag:s22] =	ssyncadd.s32 s4;
	_ =	sdelay $0x1  }
0xa1: {  	s23 =	simm.s32 $0x1B8B  }
0xa2: {  	_ =	swait.ge [sflag:s23], $0x1  }
0xa3: {  	[sflag:s23] =	ssyncset.done $0x0  }
0xa4: {  	s25 =	simm.s32 $0x1B8E;
	s24 =	sld [smem:$0x3FFE];
	[sflag:s23] =	ssyncadd.s32 $0xFFFFFFFF  }
0xa5: {  	s26 =	simm.s32 $execute0_lowered;
	[smem:$0x3FD2] =	sst s25  }
0xa6: {  	s5 =	sshll.u32 s26, $0x1;
	_ =	strace $0x8000004C;
	[dreg:$0x1] =	wrdreg $0xFFFFFFFF  }
0xa7: {  	s28 =	simm.s32 $_size_execute0_lowered;
	s3 =	sadd.s32 s3, s5;
	[dreg:$0x0] =	wrdreg $0x0  }
0xa8: {  	s5 =	sshll.u32 s28, $0x1;
	[dreg:$0x2] =	wrdreg s3  }
0xa9: {  	[dreg:$0x3] =	wrdreg s5  }
0xaa: {  	[dreg:$0x4] =	wrdreg $0xC0  }
0xab: {  	_ =	task [dreg:s7], $0x5FFFF  }
0xac: {  	[dreg:$0x1] =	wrdreg $0xFFFFFFFF  }
0xad: {  	[dreg:$0x0] =	wrdreg $0x60  }
0xae: {  	[dreg:$0x2] =	wrdreg s24  }
0xaf: {  	[dreg:$0x3] =	wrdreg s2  }
0xb0: {  	[dreg:$0x4] =	wrdreg $0xAA000  }
0xb1: {  	[dreg:$0x5] =	wrdreg $0x9  }
0xb2: {  	_ =	task.clear_ibuf [dreg:s7], $0x6FFFF;
	_ =	strace $0x9000004C  }
0xb3: {  	s29 =	simm.s32 $0x9;
	_ =	strace $0x8000004E  }
0xb4: {  	_ =	swait.ge [sflag:s29], $0x1  }
0xb5: {  	[sflag:s29] =	ssyncadd.s32 $0xFFFFFFFF  }
0xb6: {  	_ =	strace $0x9000004E  }
0xb7: {  	_ =	sfence  }
0xb8: {  	s30 =	sld [smem:$0x0];
	_ =	sdelay $0x2  }
0xb9: {  	s31 =	sshll.u32 s1, $0xD;
	s1 =	sshrl.u32 s1, $0x2  }
0xba: {  	s3 =	sand.u32 $0x4000, s31;
	s1 =	sadd.s32 s1, s30  }
0xbb: {  	s0 =	sor.u32 s3, s0;
	s1 =	sshll.u32 s1, $0x11  }
0xbc: {  	s0 =	sor.u32 s1, s0  }
0xbd: {  	s0 =	sadd.s32 $0x8F2B, s0  }
0xbe: {  	[sflag:s0] =	ssyncadd.remote.s32 $0x1  }
0xbf: {  	_ =	sfence.sel $0xFFFF  }
0xc0: {  	[dreg:$0x0] =	wrdreg $0xFFFFFFFF;
	(pc) =	sbr.abs _section_cstart, $3  }
0xc1: {  	[dreg:$0x1] =	wrdreg $0xFFFFFFFF  }
0xc2: {  	_ =	task.clear_ibuf [dreg:s7], $0x2FFFF;
	_ =	strace $0x9FFFFFFF  }
0xc3: {  	(tm) =	ssettm $0x7FFFFFFF  }
tec
execute0_lowered:
.L_overlay_start_1:
0x0: {  	(tag) =	ssettag $0x1  }
0x1: {  	s0 =	srdreg.scid;
	s1 =	rddreg [dreg:$0x0]  }
0x2: {  	s6 =	stileid.u32;
	s2 =	rddreg [dreg:$0x1]  }
0x3: {  	s5 =	simm.s32 $0x0;
	s17 =	simm.s32 $0x2A00;
	s18 =	simm.s32 $0x9  }
0x4: {  	s28 =	simm.s32 $0x3;
	s29 =	simm.s32 $0x2;
	s30 =	simm.s32 $0x6  }
0x5: {  	s31 =	simm.s32 $0x4;
	s0 =	sand.u32 $0x1, s0;
	s8 =	smul.u32 $0x14000, s6  }
0x6: {  	[smem:$0x7FF] =	sst s5;
	s10 =	smul.u32 $0x50000, s6;
	s3 =	sshll.u32 s0, $0x4  }
0x7: {  	s7 =	smul.u32 $0x140000, s0;
	s0 =	ssub.s32 $0x2, s0;
	s4 =	sor.u32 s6, s3  }
0x8: {  	s3 =	rddreg [dreg:$0x2];
	_ =	strace $0x8000004D;
	s19 =	sshrl.u32 s10, $0x2  }
0x9: {  	s6 =	sadd.s32 $0x35200, s1;
	s7 =	sadd.s32 s8, s7;
	s8 =	sadd.s32 s19, s3  }
0xa: {  	s20 =	sshrl.u32 s0, $0x1;
	s21 =	sadd.s32 $0x4000, s8;
	[dreg:$0x4] =	wrdreg s8  }
0xb: {  	s4 =	smul.u32 $0x2800, s4;
	s22 =	sadd.s32 $0x8000, s8;
	[dreg:$0x5] =	wrdreg s21  }
0xc: {  	s0 =	ssub.s32 s0, s20;
	s23 =	sadd.s32 $0xC000, s8;
	[dreg:$0x6] =	wrdreg s22  }
0xd: {  	s19 =	simm.s32 $0x2800;
	s24 =	sadd.s32 $0x10000, s8;
	[dreg:$0x7] =	wrdreg s23  }
0xe: {  	s20 =	simm.s32 $0x2880;
	s0 =	smax.u32 s0, $0x1;
	[dreg:$0x8] =	wrdreg s24  }
0xf: {  	s7 =	sshrl.u32 s7, $0x3;
	s9 =	sshrl.u32 s4, $0x3;
	[dreg:$0xd] =	wrdreg s0  }
0x10: {  	s21 =	simm.s32 $0x2900;
	s11 =	sadd.s32 s9, s1;
	s25 =	sadd.s32 s2, s9  }
0x11: {  	s1 =	sadd.s32 s7, s1;
	[dreg:$0x9] =	wrdreg s25;
	s7 =	sadd.s32 $0x10, s25  }
0x12: {  	s22 =	simm.s32 $0x80;
	s26 =	sadd.s32 $0x3200, s11;
	[dreg:$0xa] =	wrdreg s7  }
0x13: {  	s23 =	simm.s32 $0x2980;
	s1 =	sadd.s32 $0x5D200, s1;
	[dreg:$0xb] =	wrdreg s26  }
0x14: {  	s24 =	simm.s32 $0x6A00;
	s25 =	simm.s32 $0x1;
	[dreg:$0xc] =	wrdreg s1  }
0x15: {  	v0 =	vimm.f32 $0.0e+00;
	s26 =	simm.s32 $0x5;
	s1 =	simm.s32 $0x7;
	s7 =	simm.s32 $0x0  }
.LBB2_1:
0x16: {  	s9 =	simm.s32 $0x0;
	s10 =	simm.s32 $0x200  }
.LBB2_2:
0x17: {  	p0 =	sne.s32 s10, $0xFE00;
	[tilespmem:s9+$0x2A70] =	vst v0  }
0x18: {  	[tilespmem:s9+$0x2A00] =	vst v0  }
0x19: {  	[tilespmem:s9+$0x2A10] =	vst v0  }
.Ltmp0:
0x1a: {  	[tilespmem:s9+$0x2A20] =	vst v0;
	(pc) =	sbr.rel @p0 .LBB2_2-.Ltmp0, $4  }
0x1b: {  	[tilespmem:s9+$0x2A30] =	vst v0  }
0x1c: {  	[tilespmem:s9+$0x2A40] =	vst v0  }
0x1d: {  	[tilespmem:s9+$0x2A50] =	vst v0  }
0x1e: {  	[tilespmem:s9+$0x2A60] =	vst v0;
	s9 =	sshra.s32 s10, $0x2;
	s10 =	sadd.s32 $0x200, s10  }
0x1f: {  	[tilespmem:s9+$0x2A70] =	vst v0  }
0x20: {  	[tilespmem:s9+$0x2A00] =	vst v0  }
0x21: {  	[tilespmem:s9+$0x2A10] =	vst v0  }
0x22: {  	[tilespmem:s9+$0x2A20] =	vst v0  }
0x23: {  	[tilespmem:s9+$0x2A30] =	vst v0  }
0x24: {  	[tilespmem:s9+$0x2A40] =	vst v0  }
0x25: {  	[tilespmem:s9+$0x2A50] =	vst v0  }
0x26: {  	[dreg:$0xe] =	wrdreg s7;
	[tilespmem:s9+$0x2A60] =	vst v0  }
0x27: {  	[spmem:s8] =	stream.linear.scatter [tilespmem:s17], [sflag:$0x9], $0x4000, $0x38;
	[tilespmem:$0x1EA00] =	vst v63  }
0x28: {  	_ =	swait.ge [sflag:s18], $0x4000  }
0x29: {  	[sflag:s18] =	ssyncset.done $0x0  }
0x2a: {  	s0 =	rddreg [dreg:$0x5];
	[sflag:s18] =	ssyncadd.s32 $0xFFFFC000  }
0x2b: {  	[spmem:s0] =	stream.linear.scatter [tilespmem:s17], [sflag:$0x9], $0x4000, $0x38;
	[tilespmem:$0x1EA00] =	vst v63  }
0x2c: {  	_ =	swait.ge [sflag:s18], $0x4000  }
0x2d: {  	[sflag:s18] =	ssyncset.done $0x0  }
0x2e: {  	s14 =	rddreg [dreg:$0x6];
	[sflag:s18] =	ssyncadd.s32 $0xFFFFC000  }
0x2f: {  	[spmem:s14] =	stream.linear.scatter [tilespmem:s17], [sflag:$0x9], $0x4000, $0x38;
	[tilespmem:$0x1EA00] =	vst v63  }
0x30: {  	_ =	swait.ge [sflag:s18], $0x4000  }
0x31: {  	[sflag:s18] =	ssyncset.done $0x0  }
0x32: {  	s15 =	rddreg [dreg:$0x7];
	[sflag:s18] =	ssyncadd.s32 $0xFFFFC000  }
0x33: {  	[spmem:s15] =	stream.linear.scatter [tilespmem:s17], [sflag:$0x9], $0x4000, $0x38;
	[tilespmem:$0x1EA00] =	vst v63  }
0x34: {  	_ =	swait.ge [sflag:s18], $0x4000  }
0x35: {  	[sflag:s18] =	ssyncset.done $0x0  }
0x36: {  	s16 =	rddreg [dreg:$0x8];
	[sflag:s18] =	ssyncadd.s32 $0xFFFFC000  }
0x37: {  	[spmem:s16] =	stream.linear.scatter [tilespmem:s17], [sflag:$0x9], $0x4000, $0x38;
	[tilespmem:$0x1EA00] =	vst v63  }
0x38: {  	_ =	swait.ge [sflag:s18], $0x4000  }
0x39: {  	[sflag:s18] =	ssyncset.done $0x0  }
0x3a: {  	s7 =	simm.s32 $0x0;
	s8 =	rddreg [dreg:$0x9];
	[sflag:s18] =	ssyncadd.s32 $0xFFFFC000  }
0x3b: {  	[tilespmem:s19], [sflag:$0x5] =	stream.linear.gather [hbm4b:s8+s7], $0x80, $0x38;
	[tilespmem:$0x1EA00] =	vst v63  }
0x3c: {  	s10 =	rddreg [dreg:$0xa]  }
0x3d: {  	[tilespmem:s20], [sflag:$0x6] =	stream.linear.gather [hbm4b:s10+s7], $0x80, $0x38;
	[tilespmem:$0x1EA00] =	vst v63  }
0x3e: {  	s11 =	rddreg [dreg:$0xb]  }
0x3f: {  	[tilespmem:s7], [sflag:$0x9] =	stream.linear.gather [hbm4b:s11+s7], $0x2800, $0x38;
	[tilespmem:$0x1EA00] =	vst v63  }
0x40: {  	p0 =	por $0x1, $0x1;
	_ =	swait.ge [sflag:s18], $0x2800  }
0x41: {  	s13 =	simm.s32 @!p0 $0x3;
	s10 =	simm.s32 $0x0;
	[sflag:s18] =	ssyncset.done $0x0  }
0x42: {  	s10 =	sand.u32 $0x3C00, s10;
	s11 =	simm.s32 $0x100;
	[sflag:s18] =	ssyncadd.s32 $0xFFFFD800  }
0x43: {  	s10 =	sadd.s32 s4, s10;
	s11 =	sand.u32 $0x300, s11;
	[bflag:$0x0] =	sbarrier.arrive $0xFFFF  }
0x44: {  	s11 =	sor.u32 s10, s11;
	_ =	swait.ge @!p0 [sflag:s13], $0x4000  }
0x45: {  	s11 =	sshrl.u32 s11, $0x3;
	[sflag:s13] =	ssyncset.done @!p0 $0x0  }
0x46: {  	s11 =	sadd.s32 s2, s11;
	[sflag:s13] =	ssyncadd.s32 @!p0 $0xFFFFC000  }
0x47: {  	[tilespmem:s21], [sflag:$0x7] =	stream.linear.gather [hbm4b:s11+s5], $0x80, $0x38;
	[tilespmem:$0x1EA00] =	vst v63  }
0x48: {  	s11 =	simm.s32 @!p0 $0x2  }
0x49: {  	[tilespmem:s17], [sflag:$0x1] =	stream.indirect.gather [hbm4b:s6+s22], $0x80, s7, s22, $0xb8;
	[tilespmem:$0x1EA00] =	vst v63  }
0x4a: {  	_ =	swait.ge @!p0 [sflag:s11], $0x4000  }
0x4b: {  	[sflag:s11] =	ssyncset.done @!p0 $0x0  }
0x4c: {  	s9 =	simm.s32 @!p0 $0x8;
	[sflag:s11] =	ssyncadd.s32 @!p0 $0xFFFFC000  }
0x4d: {  	_ =	swait.ge @!p0 [sflag:s9], $0x80  }
0x4e: {  	s12 =	simm.s32 $0x180;
	s14 =	simm.s32 @!p0 $0x80;
	[sflag:s9] =	ssyncset.done @!p0 $0x0  }
0x4f: {  	s13 =	simm.s32 @!p0 $0x6A00;
	[sflag:s9] =	ssyncadd.s32 @!p0 $0xFFFFFF80;
	s9 =	simm.s32 @!p0 $0x2980  }
0x50: {  	[spmem:s3] =	stream.indirect.scatter.add.f32 @!p0 [tilespmem:s13], [sflag:$0x4], $0x80, s9, s14, $0xb8;
	[tilespmem:$0x1EA00] =	vst v63  }
0x51: {  	s11 =	simm.s32 @!p0 $0x4;
	s13 =	sand.u32 $0x380, s12  }
0x52: {  	s9 =	sor.u32 s10, s13;
	_ =	swait.ge @!p0 [sflag:s11], $0x4000  }
0x53: {  	s9 =	sshrl.u32 s9, $0x3;
	[sflag:s11] =	ssyncset.done @!p0 $0x0  }
0x54: {  	[sflag:s11] =	ssyncadd.s32 @!p0 $0xFFFFC000;
	s9 =	sadd.s32 s2, s9  }
0x55: {  	[tilespmem:s23], [sflag:$0x8] =	stream.linear.gather [hbm4b:s9+s5], $0x80, $0x38;
	[tilespmem:$0x1EA00] =	vst v63  }
0x56: {  	s14 =	simm.s32 $0x80  }
0x57: {  	[tilespmem:s24], [sflag:$0x2] =	stream.indirect.gather [hbm4b:s6+s22], $0x80, s14, s22, $0xb8;
	[tilespmem:$0x1EA00] =	vst v63  }
0x58: {  	_ =	swait.ge [sflag:s25], $0x4000  }
0x59: {  	[sflag:s25] =	ssyncset.done $0x0  }
0x5a: {  	p0 =	por $0x0, $0x0;
	[sflag:s25] =	ssyncadd.s32 $0xFFFFC000  }
0x5b: {  	s9 =	simm.s32 @!p0 $0x200;
	_ =	swait.ge [sflag:s26], $0x80  }
0x5c: {  	s10 =	sand.u32 @!p0 $0x7C00, s9;
	[sflag:s26] =	ssyncset.done $0x0  }
0x5d: {  	s9 =	sand.u32 @!p0 $0x200, s9;
	s10 =	sadd.s32 @!p0 s4, s10;
	[sflag:s26] =	ssyncadd.s32 $0xFFFFFF80  }
0x5e: {  	[spmem:s3] =	stream.indirect.scatter.add.f32 [tilespmem:s17], [sflag:$0x3], $0x80, s19, s22, $0xb8;
	[tilespmem:$0x1EA00] =	vst v63  }
0x5f: {  	s9 =	sor.u32 @!p0 s9, s10;
	_ =	swait.ge [sflag:s28], $0x4000  }
0x60: {  	s11 =	simm.s32 @!p0 $0x2800;
	s9 =	sshrl.u32 @!p0 s9, $0x3;
	[sflag:s28] =	ssyncset.done $0x0  }
0x61: {  	s10 =	simm.s32 @!p0 $0x0;
	s9 =	sadd.s32 @!p0 s2, s9;
	[sflag:s28] =	ssyncadd.s32 $0xFFFFC000  }
0x62: {  	[tilespmem:s11], [sflag:$0x5] =	stream.linear.gather @!p0 [hbm4b:s9+s10], $0x80, $0x38;
	[tilespmem:$0x1EA00] =	vst v63  }
0x63: {  	s15 =	simm.s32 $0x100  }
0x64: {  	[tilespmem:s17], [sflag:$0x1] =	stream.indirect.gather [hbm4b:s6+s22], $0x80, s15, s22, $0xb8;
	[tilespmem:$0x1EA00] =	vst v63  }
0x65: {  	_ =	swait.ge [sflag:s29], $0x4000  }
0x66: {  	[sflag:s29] =	ssyncset.done $0x0  }
0x67: {  	[sflag:s29] =	ssyncadd.s32 $0xFFFFC000  }
0x68: {  	s9 =	simm.s32 $0x280;
	_ =	swait.ge [sflag:s30], $0x80  }
0x69: {  	s16 =	simm.s32 $0x180;
	s11 =	sand.u32 @!p0 $0x7C00, s9;
	[sflag:s30] =	ssyncset.done $0x0  }
0x6a: {  	s9 =	sand.u32 @!p0 $0x280, s9;
	s11 =	sadd.s32 @!p0 s4, s11;
	[sflag:s30] =	ssyncadd.s32 $0xFFFFFF80  }
0x6b: {  	[spmem:s3] =	stream.indirect.scatter.add.f32 [tilespmem:s24], [sflag:$0x4], $0x80, s20, s22, $0xb8;
	[tilespmem:$0x1EA00] =	vst v63  }
0x6c: {  	s14 =	simm.s32 $0x200;
	s9 =	sor.u32 @!p0 s9, s11;
	_ =	swait.ge [sflag:s31], $0x4000  }
0x6d: {  	s15 =	simm.s32 $0x380;
	s9 =	sshrl.u32 @!p0 s9, $0x3;
	[sflag:s31] =	ssyncset.done $0x0  }
0x6e: {  	s11 =	simm.s32 @!p0 $0x2880;
	s9 =	sadd.s32 @!p0 s2, s9;
	[sflag:s31] =	ssyncadd.s32 $0xFFFFC000  }
0x6f: {  	[tilespmem:s11], [sflag:$0x6] =	stream.linear.gather @!p0 [hbm4b:s9+s10], $0x80, $0x38;
	[tilespmem:$0x1EA00] =	vst v63  }
0x70: {  	s10 =	simm.s32 $0x480;
	s11 =	simm.s32 $0x680;
	s9 =	simm.s32 $0x200  }
0x71: {  	[tilespmem:s24], [sflag:$0x2] =	stream.indirect.gather [hbm4b:s6+s22], $0x80, s16, s22, $0xb8;
	[tilespmem:$0x1EA00] =	vst v63  }
.LBB2_4:
0x72: {  	s16 =	sand.u32 $0x3C00, s14;
	s12 =	sadd.s32 $0xFFFFFE80, s10  }
0x73: {  	_ =	swait.ge [sflag:s25], $0x4000;
	s14 =	smov.u32 s11;
	s13 =	smov.u32 s9  }
0x74: {  	s16 =	sadd.s32 s4, s16;
	s12 =	sand.u32 $0x300, s12;
	[sflag:s25] =	ssyncset.done $0x0  }
0x75: {  	s15 =	sand.u32 $0x380, s15;
	s12 =	sor.u32 s16, s12;
	[sflag:s25] =	ssyncadd.s32 $0xFFFFC000  }
0x76: {  	s15 =	sor.u32 s16, s15;
	s12 =	sshrl.u32 s12, $0x3;
	_ =	swait.ge [sflag:s1], $0x80  }
0x77: {  	s11 =	sadd.s32 $0x200, s11;
	s15 =	sshrl.u32 s15, $0x3;
	[sflag:s1] =	ssyncset.done $0x0  }
0x78: {  	p1 =	seq.s32 s10, $0x280;
	p0 =	sne.s32 s11, $0x2A80;
	[sflag:s1] =	ssyncadd.s32 $0xFFFFFF80  }
0x79: {  	[spmem:s3] =	stream.indirect.scatter.add.f32 [tilespmem:s17], [sflag:$0x3], $0x80, s21, s22, $0xb8;
	[tilespmem:$0x1EA00] =	vst v63  }
0x7a: {  	s16 =	simm.s32 @!p1 $0x3;
	s12 =	sadd.s32 s2, s12  }
0x7b: {  	_ =	swait.ge @!p1 [sflag:s16], $0x4000  }
0x7c: {  	[sflag:s16] =	ssyncset.done @!p1 $0x0  }
0x7d: {  	[sflag:s16] =	ssyncadd.s32 @!p1 $0xFFFFC000  }
0x7e: {  	[tilespmem:s21], [sflag:$0x7] =	stream.linear.gather [hbm4b:s12+s5], $0x80, $0x38;
	[tilespmem:$0x1EA00] =	vst v63  }
0x7f: {  	s12 =	simm.s32 @!p1 $0x2  }
0x80: {  	[tilespmem:s17], [sflag:$0x1] =	stream.indirect.gather [hbm4b:s6+s22], $0x80, s9, s22, $0xb8;
	[tilespmem:$0x1EA00] =	vst v63  }
0x81: {  	s16 =	simm.s32 @!p1 $0x8;
	_ =	swait.ge @!p1 [sflag:s12], $0x4000  }
0x82: {  	s0 =	simm.s32 @!p1 $0x6A00;
	s7 =	simm.s32 @!p1 $0x4;
	[sflag:s12] =	ssyncset.done @!p1 $0x0  }
0x83: {  	s8 =	simm.s32 @!p1 $0x2980;
	[sflag:s12] =	ssyncadd.s32 @!p1 $0xFFFFC000;
	s12 =	simm.s32 @!p1 $0x80  }
0x84: {  	_ =	swait.ge @!p1 [sflag:s16], $0x80  }
0x85: {  	[sflag:s16] =	ssyncset.done @!p1 $0x0  }
0x86: {  	[sflag:s16] =	ssyncadd.s32 @!p1 $0xFFFFFF80  }
0x87: {  	[spmem:s3] =	stream.indirect.scatter.add.f32 @!p1 [tilespmem:s0], [sflag:$0x4], $0x80, s8, s12, $0xb8;
	[tilespmem:$0x1EA00] =	vst v63  }
0x88: {  	_ =	swait.ge @!p1 [sflag:s7], $0x4000  }
0x89: {  	[sflag:s7] =	ssyncset.done @!p1 $0x0  }
0x8a: {  	s0 =	sadd.s32 s2, s15;
	[sflag:s7] =	ssyncadd.s32 @!p1 $0xFFFFC000  }
0x8b: {  	[tilespmem:s23], [sflag:$0x8] =	stream.linear.gather [hbm4b:s0+s5], $0x80, $0x38;
	[tilespmem:$0x1EA00] =	vst v63  }
0x8c: {  	s0 =	sadd.s32 $0x80, s9  }
0x8d: {  	[tilespmem:s24], [sflag:$0x2] =	stream.indirect.gather [hbm4b:s6+s22], $0x80, s0, s22, $0xb8;
	[tilespmem:$0x1EA00] =	vst v63  }
0x8e: {  	p1 =	seq.s32 s10, $0x2880;
	_ =	swait.ge [sflag:s25], $0x4000  }
0x8f: {  	s7 =	sand.u32 @!p1 $0x7C00, s10;
	s0 =	sadd.s32 @!p1 $0xFFFFFF80, s10;
	[sflag:s25] =	ssyncset.done $0x0  }
0x90: {  	s7 =	sadd.s32 @!p1 s4, s7;
	s8 =	sand.u32 @!p1 $0x7C00, s0;
	[sflag:s25] =	ssyncadd.s32 $0xFFFFC000  }
0x91: {  	s0 =	sand.u32 @!p1 $0x200, s0;
	s8 =	sadd.s32 @!p1 s4, s8;
	_ =	swait.ge [sflag:s26], $0x80  }
0x92: {  	s0 =	sor.u32 @!p1 s0, s8;
	s8 =	sand.u32 @!p1 $0x280, s10;
	[sflag:s26] =	ssyncset.done $0x0  }
0x93: {  	s10 =	smov.u32 s14;
	s0 =	sshrl.u32 @!p1 s0, $0x3;
	[sflag:s26] =	ssyncadd.s32 $0xFFFFFF80  }
0x94: {  	[spmem:s3] =	stream.indirect.scatter.add.f32 [tilespmem:s17], [sflag:$0x3], $0x80, s19, s22, $0xb8;
	[tilespmem:$0x1EA00] =	vst v63  }
0x95: {  	s12 =	simm.s32 @!p1 $0x0;
	s0 =	sadd.s32 @!p1 s2, s0;
	_ =	swait.ge [sflag:s28], $0x4000  }
0x96: {  	s7 =	sor.u32 @!p1 s8, s7;
	[sflag:s28] =	ssyncset.done $0x0  }
0x97: {  	s8 =	simm.s32 @!p1 $0x2800;
	s7 =	sshrl.u32 @!p1 s7, $0x3;
	[sflag:s28] =	ssyncadd.s32 $0xFFFFC000  }
0x98: {  	[tilespmem:s8], [sflag:$0x5] =	stream.linear.gather @!p1 [hbm4b:s0+s12], $0x80, $0x38;
	[tilespmem:$0x1EA00] =	vst v63  }
0x99: {  	s7 =	sadd.s32 @!p1 s2, s7;
	s0 =	sadd.s32 $0x100, s9  }
0x9a: {  	[tilespmem:s17], [sflag:$0x1] =	stream.indirect.gather [hbm4b:s6+s22], $0x80, s0, s22, $0xb8;
	[tilespmem:$0x1EA00] =	vst v63  }
0x9b: {  	_ =	swait.ge [sflag:s29], $0x4000  }
0x9c: {  	[sflag:s29] =	ssyncset.done $0x0  }
0x9d: {  	[sflag:s29] =	ssyncadd.s32 $0xFFFFC000  }
0x9e: {  	_ =	swait.ge [sflag:s30], $0x80  }
0x9f: {  	[sflag:s30] =	ssyncset.done $0x0  }
0xa0: {  	[sflag:s30] =	ssyncadd.s32 $0xFFFFFF80  }
0xa1: {  	[spmem:s3] =	stream.indirect.scatter.add.f32 [tilespmem:s24], [sflag:$0x4], $0x80, s20, s22, $0xb8;
	[tilespmem:$0x1EA00] =	vst v63  }
0xa2: {  	_ =	swait.ge [sflag:s31], $0x4000  }
.Ltmp1:
0xa3: {  	s0 =	simm.s32 @!p1 $0x2880;
	[sflag:s31] =	ssyncset.done $0x0;
	(pc) =	sbr.rel @p0 .LBB2_4-.Ltmp1, $4  }
0xa4: {  	s9 =	sadd.s32 $0x200, s9;
	[sflag:s31] =	ssyncadd.s32 $0xFFFFC000  }
0xa5: {  	[tilespmem:s0], [sflag:$0x6] =	stream.linear.gather @!p1 [hbm4b:s7+s12], $0x80, $0x38;
	[tilespmem:$0x1EA00] =	vst v63  }
0xa6: {  	s14 =	sadd.s32 $0xFFFFFD80, s10;
	s15 =	sadd.s32 $0xFFFFFF00, s10;
	s0 =	sadd.s32 $0x180, s13  }
0xa7: {  	[tilespmem:s24], [sflag:$0x2] =	stream.indirect.gather [hbm4b:s6+s22], $0x80, s0, s22, $0xb8;
	[tilespmem:$0x1EA00] =	vst v63  }
0xa8: {  	_ =	swait.ge [sflag:s25], $0x4000  }
0xa9: {  	[sflag:s25] =	ssyncset.done $0x0  }
0xaa: {  	[sflag:s25] =	ssyncadd.s32 $0xFFFFC000  }
0xab: {  	s0 =	sand.u32 $0x3C00, s14;
	s7 =	sadd.s32 $0xFFFFFE80, s10;
	_ =	swait.ge [sflag:s1], $0x80  }
0xac: {  	p0 =	seq.s32 s10, $0x280;
	s0 =	sadd.s32 s4, s0;
	[sflag:s1] =	ssyncset.done $0x0  }
0xad: {  	s7 =	sand.u32 $0x300, s7;
	s8 =	simm.s32 @!p0 $0x3;
	[sflag:s1] =	ssyncadd.s32 $0xFFFFFF80  }
0xae: {  	[spmem:s3] =	stream.indirect.scatter.add.f32 [tilespmem:s17], [sflag:$0x3], $0x80, s21, s22, $0xb8;
	[tilespmem:$0x1EA00] =	vst v63  }
0xaf: {  	s7 =	sor.u32 s0, s7;
	_ =	swait.ge @!p0 [sflag:s8], $0x4000  }
0xb0: {  	s7 =	sshrl.u32 s7, $0x3;
	[sflag:s8] =	ssyncset.done @!p0 $0x0  }
0xb1: {  	s7 =	sadd.s32 s2, s7;
	[sflag:s8] =	ssyncadd.s32 @!p0 $0xFFFFC000  }
0xb2: {  	[tilespmem:s21], [sflag:$0x7] =	stream.linear.gather [hbm4b:s7+s5], $0x80, $0x38;
	[tilespmem:$0x1EA00] =	vst v63  }
0xb3: {  	s7 =	simm.s32 @!p0 $0x2  }
0xb4: {  	[tilespmem:s17], [sflag:$0x1] =	stream.indirect.gather [hbm4b:s6+s22], $0x80, s9, s22, $0xb8;
	[tilespmem:$0x1EA00] =	vst v63  }
0xb5: {  	_ =	swait.ge @!p0 [sflag:s7], $0x4000  }
0xb6: {  	[sflag:s7] =	ssyncset.done @!p0 $0x0  }
0xb7: {  	s8 =	simm.s32 @!p0 $0x8;
	[sflag:s7] =	ssyncadd.s32 @!p0 $0xFFFFC000  }
0xb8: {  	_ =	swait.ge @!p0 [sflag:s8], $0x80  }
0xb9: {  	s11 =	simm.s32 @!p0 $0x80;
	[sflag:s8] =	ssyncset.done @!p0 $0x0  }
0xba: {  	s7 =	simm.s32 @!p0 $0x6A00;
	[sflag:s8] =	ssyncadd.s32 @!p0 $0xFFFFFF80;
	s8 =	simm.s32 @!p0 $0x2980  }
0xbb: {  	[spmem:s3] =	stream.indirect.scatter.add.f32 @!p0 [tilespmem:s7], [sflag:$0x4], $0x80, s8, s11, $0xb8;
	[tilespmem:$0x1EA00] =	vst v63  }
0xbc: {  	s16 =	sand.u32 $0x380, s15;
	s8 =	simm.s32 @!p0 $0x4  }
0xbd: {  	s0 =	sor.u32 s0, s16;
	_ =	swait.ge @!p0 [sflag:s8], $0x4000  }
0xbe: {  	s0 =	sshrl.u32 s0, $0x3;
	[sflag:s8] =	ssyncset.done @!p0 $0x0  }
0xbf: {  	s0 =	sadd.s32 s2, s0;
	[sflag:s8] =	ssyncadd.s32 @!p0 $0xFFFFC000  }
0xc0: {  	[tilespmem:s23], [sflag:$0x8] =	stream.linear.gather [hbm4b:s0+s5], $0x80, $0x38;
	[tilespmem:$0x1EA00] =	vst v63  }
0xc1: {  	s7 =	sadd.s32 $0x80, s9  }
0xc2: {  	[tilespmem:s24], [sflag:$0x2] =	stream.indirect.gather [hbm4b:s6+s22], $0x80, s7, s22, $0xb8;
	[tilespmem:$0x1EA00] =	vst v63  }
0xc3: {  	_ =	swait.ge [sflag:s25], $0x4000  }
0xc4: {  	[sflag:s25] =	ssyncset.done $0x0  }
0xc5: {  	p0 =	seq.s32 s10, $0x2880;
	[sflag:s25] =	ssyncadd.s32 $0xFFFFC000  }
0xc6: {  	s0 =	sadd.s32 @!p0 $0xFFFFFF80, s10;
	_ =	swait.ge [sflag:s26], $0x80  }
0xc7: {  	s7 =	sand.u32 @!p0 $0x7C00, s0;
	[sflag:s26] =	ssyncset.done $0x0  }
0xc8: {  	s0 =	sand.u32 @!p0 $0x200, s0;
	s7 =	sadd.s32 @!p0 s4, s7;
	[sflag:s26] =	ssyncadd.s32 $0xFFFFFF80  }
0xc9: {  	[spmem:s3] =	stream.indirect.scatter.add.f32 [tilespmem:s17], [sflag:$0x3], $0x80, s19, s22, $0xb8;
	[tilespmem:$0x1EA00] =	vst v63  }
0xca: {  	s0 =	sor.u32 @!p0 s0, s7;
	_ =	swait.ge [sflag:s28], $0x4000  }
0xcb: {  	s8 =	simm.s32 @!p0 $0x2800;
	s0 =	sshrl.u32 @!p0 s0, $0x3;
	[sflag:s28] =	ssyncset.done $0x0  }
0xcc: {  	s7 =	simm.s32 @!p0 $0x0;
	s0 =	sadd.s32 @!p0 s2, s0;
	[sflag:s28] =	ssyncadd.s32 $0xFFFFC000  }
0xcd: {  	[tilespmem:s8], [sflag:$0x5] =	stream.linear.gather @!p0 [hbm4b:s0+s7], $0x80, $0x38;
	[tilespmem:$0x1EA00] =	vst v63  }
0xce: {  	s8 =	sadd.s32 $0x100, s9  }
0xcf: {  	[tilespmem:s17], [sflag:$0x1] =	stream.indirect.gather [hbm4b:s6+s22], $0x80, s8, s22, $0xb8;
	[tilespmem:$0x1EA00] =	vst v63  }
0xd0: {  	_ =	swait.ge [sflag:s29], $0x4000  }
0xd1: {  	[sflag:s29] =	ssyncset.done $0x0  }
0xd2: {  	[sflag:s29] =	ssyncadd.s32 $0xFFFFC000  }
0xd3: {  	_ =	swait.ge [sflag:s30], $0x80  }
0xd4: {  	s0 =	sand.u32 @!p0 $0x7C00, s10;
	[sflag:s30] =	ssyncset.done $0x0  }
0xd5: {  	s0 =	sadd.s32 @!p0 s4, s0;
	s8 =	sand.u32 @!p0 $0x280, s10;
	[sflag:s30] =	ssyncadd.s32 $0xFFFFFF80  }
0xd6: {  	[spmem:s3] =	stream.indirect.scatter.add.f32 [tilespmem:s24], [sflag:$0x4], $0x80, s20, s22, $0xb8;
	[tilespmem:$0x1EA00] =	vst v63  }
0xd7: {  	s0 =	sor.u32 @!p0 s8, s0;
	_ =	swait.ge [sflag:s31], $0x4000  }
0xd8: {  	s0 =	sshrl.u32 @!p0 s0, $0x3;
	[sflag:s31] =	ssyncset.done $0x0  }
0xd9: {  	s8 =	simm.s32 @!p0 $0x2880;
	s0 =	sadd.s32 @!p0 s2, s0;
	[sflag:s31] =	ssyncadd.s32 $0xFFFFC000  }
0xda: {  	[tilespmem:s8], [sflag:$0x6] =	stream.linear.gather @!p0 [hbm4b:s0+s7], $0x80, $0x38;
	[tilespmem:$0x1EA00] =	vst v63  }
0xdb: {  	s10 =	sadd.s32 $0x180, s9  }
0xdc: {  	[tilespmem:s24], [sflag:$0x2] =	stream.indirect.gather [hbm4b:s6+s22], $0x80, s10, s22, $0xb8;
	[tilespmem:$0x1EA00] =	vst v63  }
0xdd: {  	_ =	swait.ge [sflag:s25], $0x4000  }
0xde: {  	[sflag:s25] =	ssyncset.done $0x0  }
0xdf: {  	[sflag:s25] =	ssyncadd.s32 $0xFFFFC000  }
0xe0: {  	_ =	swait.ge [sflag:s1], $0x80  }
0xe1: {  	[sflag:s1] =	ssyncset.done $0x0  }
0xe2: {  	[sflag:s1] =	ssyncadd.s32 $0xFFFFFF80  }
0xe3: {  	[spmem:s3] =	stream.indirect.scatter.add.f32 [tilespmem:s17], [sflag:$0x3], $0x80, s21, s22, $0xb8;
	[tilespmem:$0x1EA00] =	vst v63  }
0xe4: {  	_ =	swait.ge [sflag:s29], $0x4000  }
0xe5: {  	[sflag:s29] =	ssyncset.done $0x0  }
0xe6: {  	s11 =	simm.s32 $0x8;
	[sflag:s29] =	ssyncadd.s32 $0xFFFFC000  }
0xe7: {  	_ =	swait.ge [sflag:s11], $0x80  }
0xe8: {  	[sflag:s11] =	ssyncset.done $0x0  }
0xe9: {  	[sflag:s11] =	ssyncadd.s32 $0xFFFFFF80  }
0xea: {  	[spmem:s3] =	stream.indirect.scatter.add.f32 [tilespmem:s24], [sflag:$0x4], $0x80, s23, s22, $0xb8;
	[tilespmem:$0x1EA00] =	vst v63  }
0xeb: {  	_ =	swait.ge [sflag:s28], $0x4000  }
0xec: {  	[sflag:s28] =	ssyncset.done $0x0  }
0xed: {  	[sflag:s28] =	ssyncadd.s32 $0xFFFFC000  }
0xee: {  	_ =	swait.ge [sflag:s31], $0x4000  }
0xef: {  	[sflag:s31] =	ssyncset.done $0x0  }
0xf0: {  	[sflag:s31] =	ssyncadd.s32 $0xFFFFC000  }
0xf1: {  	s12 =	stileid.u32;
	[bflag:$0x0] =	sbarrier.arrive $0xFFFF  }
0xf2: {  	s0 =	sshll.u32 s12, $0x6;
	s8 =	rddreg [dreg:$0x4]  }
0xf3: {  	s0 =	sor.u32 $0x1C09, s0;
	s14 =	rddreg [dreg:$0xc];
	s13 =	sshrl.u32 s8, $0x3  }
0xf4: {  	[hbm:s14], [sflag:s0] =	dma.local [spmem:s13], $0x2800  }
0xf5: {  	_ =	swait.ge [sflag:s18], $0x2800  }
0xf6: {  	s15 =	rddreg [dreg:$0xe]  }
0xf7: {  	s16 =	rddreg [dreg:$0xd];
	s7 =	sadd.s32 $0x1, s15  }
0xf8: {  	p0 =	sne.s32 s7, s16  }
.Ltmp2:
0xf9: {  	_ = 	snop;
	(pc) =	sbr.rel @p0 .LBB2_1-.Ltmp2, $3  }
0xfa: {  	_ =	sdelay $0x1  }
0xfb: {  	[sflag:s18] =	ssyncset.done $0x0  }
0xfc: {  	[sflag:s18] =	ssyncadd.s32 $0xFFFFD800  }
0xfd: {  	_ =	sfence.sel $0x180000  }
0xfe: {  	[bflag:$0x0] =	sbarrier.arrive $0xFFFF  }
0xff: {  	_ =	strace $0x9000004D  }
0x100: {  	s0 =	stileid.u32;
	[bflag:$0x2] =	sbarrier.arrive $0xFFFF  }
0x101: {  	p0 =	sne.s32 s0, $0x0;
	s0 =	rddreg [dreg:$0x3]  }
0x102: {  	s0 =	sadd.s32 @!p0 $0x100000, s0  }
0x103: {  	[sflag:s0] =	ssyncadd.tile.s32 @!p0 $0x1;
	_ =	shalt  }
.Lfunc_end2:
_tile_overlayer_lowered:
.L_overlay_start_2:
0x104: {  	(tag) =	ssettag $0x2  }
0x105: {  	s0 =	rddreg [dreg:$0x0];
	s2 =	stileid.u32  }
0x106: {  	s1 =	rddreg [dreg:$0x1];
	p0 =	sne.s32 s2, $0x0  }
0x107: {  	s3 =	rddreg [dreg:$0x2];
	[bflag:$0x3] =	sbarrier.arrive $0xFFFF;
	s2 =	simm.s32 @!p0 $0x1C09  }
0x108: {  	[timem:s3], [sflag:s2] =	dma.local @!p0 [hbm:s0], s1  }
0x109: {  	s0 =	simm.s32 @!p0 $0x9  }
0x10a: {  	_ =	swait.ge @!p0 [sflag:s0], s1  }
0x10b: {  	s1 =	ssub.s32 @!p0 $0x0, s1;
	[sflag:s0] =	ssyncset.done @!p0 $0x0  }
0x10c: {  	[sflag:s0] =	ssyncadd.s32 @!p0 s1  }
0x10d: {  	[bflag:$0x3] =	sbarrier.arrive $0xFFFF  }
0x10e: {  	_ =	shalt  }

// kernel: kernel.8.cloned.1.call-start
scs
__scs_entry_jumppad:
0x0: {  	(pc) =	sbr.rel $0x88, $3  }
0x1: {  	(tag) =	ssettag $0x0;
	lr =	simm.s32 $0x1  }
0x2: {  	[smem:$0x3F9B] =	sst lr;
	_ =	strace $0xD0000000  }
0x3: {  	_ = 	snop  }
0x4: {  	_ = 	snop  }
0x5: {  	_ = 	snop  }
0x6: {  	_ = 	snop  }
0x7: {  	_ = 	snop  }
__scs_overlays_trampoline_lowered:
0x8: {  	[smem:$0x3FAA] =	sst s0  }
0x9: {  	[smem:$0x3FAB] =	sst s1  }
0xa: {  	[smem:$0x3FAC] =	sst s2  }
0xb: {  	[smem:$0x3FAD] =	sst s3  }
0xc: {  	[smem:$0x3FAE] =	sst s4  }
0xd: {  	[smem:$0x3FAF] =	sst s5  }
0xe: {  	[smem:$0x3FB0] =	sst s6  }
0xf: {  	[smem:$0x3FB1] =	sst s7  }
0x10: {  	[smem:$0x3FB2] =	sst s8  }
0x11: {  	[smem:$0x3FB3] =	sst s9;
	s0 =	simm.s32 @!p0 $0x0  }
0x12: {  	s1 =	sld [smem:$0x3F99];
	s0 =	simm.s32 @p0 $0x1  }
0x13: {  	[smem:$0x3FB4] =	sst s0;
	s0 =	simm.s32 @!p1 $0x0  }
0x14: {  	s2 =	sld [smem:$0x3F98];
	s0 =	simm.s32 @p1 $0x1  }
0x15: {  	[smem:$0x3FB5] =	sst s0;
	s0 =	simm.s32 @!p2 $0x0  }
0x16: {  	s3 =	sld [smem:$0x3FDB];
	s0 =	simm.s32 @p2 $0x1  }
0x17: {  	s4 =	simm.s32 $0x1BF5;
	[smem:$0x3FB7] =	sst s0  }
0x18: {  	s0 =	sld [smem:$0x3F9A];
	_ =	swait.ge [sflag:s4], $0x0  }
0x19: {  	s7 =	sld [smem:$0x3F9B]  }
0x1a: {  	s8 =	sadd.s32 $0xFFFFE003, lr  }
0x1b: {  	s9 =	sadd.s32 $0xFFFFFEF7, lr;
	s5 =	simm.s32 $0xFFFFFFFF;
	p2 =	slt.u32 s8, $0xFFFFF086  }
0x1c: {  	p1 =	slt.u32 s9, $0xF7A;
	s5 =	simm.s32 @!p2 $0x0  }
0x1d: {  	s5 =	simm.s32 @p1 $0x1;
	p0 =	seq.s32 s7, s2  }
0x1e: {  	s7 =	smul.u32 @!p0 $0xF7A, s2;
	p2 =	seq.s32 @!p0 s5, $0x0  }
0x1f: {  	s9 =	smul.u32 $0xF7A, s1;
	s8 =	simm.s32 @!p0 $0x1BF5;
	p2 =	por !p2, p0  }
0x20: {  	[sflag:s8] =	ssyncset.s32 @!p0 $0xFFFFF086;
	s6 =	sadd.s32 @!p0 s3, s7;
	s7 =	simm.s32 @!p0 $0x108  }
0x21: {  	s3 =	sadd.s32 s3, s9;
	s6 =	sadd.s32 @!p0 $0x88, s6;
	s7 =	simm.s32 @p2 $0x1082  }
0x22: {  	[simem:s7], [sflag:s8] =	dma.local @!p0 [hbm:s6], $0xF7A  }
0x23: {  	s9 =	sor.u32 $0xD0000000, s2;
	s6 =	simm.s32 $0x108;
	_ =	swait.ge @!p0 [sflag:s8], $0x0  }
0x24: {  	s3 =	sadd.s32 $0x88, s3;
	s6 =	simm.s32 @!p1 $0x1082;
	[sflag:s4] =	ssyncset.s32 $0xFFFFF086  }
0x25: {  	[simem:s6], [sflag:s4] =	dma.local [hbm:s3], $0xF7A  }
0x26: {  	[smem:$0x3F9B] =	sst s1;
	(tag) =	ssettag s2;
	_ =	strace s9  }
0x27: {  	s1 =	sld [smem:$0x3FAB]  }
0x28: {  	s2 =	sld [smem:$0x3FAC]  }
0x29: {  	s4 =	sld [smem:$0x3FAE]  }
0x2a: {  	p0 =	seq.s32 s5, $0x0;
	s5 =	sld [smem:$0x3FAF]  }
0x2b: {  	s6 =	sld [smem:$0x3FB0]  }
0x2c: {  	s7 =	sld [smem:$0x3FB1]  }
0x2d: {  	s3 =	simm.s32 $0x108;
	s8 =	sld [smem:$0x3FB2]  }
0x2e: {  	s3 =	simm.s32 @!p0 $0x1082;
	s9 =	sld [smem:$0x3FB3]  }
0x2f: {  	lr =	sadd.s32 s0, s3;
	s0 =	sld [smem:$0x3FAA]  }
0x30: {  	s3 =	sld [smem:$0x3FAD]  }
0x31: {  	[smem:$0x3FB6] =	sst s10  }
0x32: {  	s10 =	sld [smem:$0x3FB4];
	_ =	sdelay $0x3  }
0x33: {  	p0 =	seq.s32 s10, $0x1;
	s10 =	sld [smem:$0x3FB6];
	_ =	sdelay $0x3  }
0x34: {  	[smem:$0x3FB6] =	sst s10  }
0x35: {  	s10 =	sld [smem:$0x3FB5];
	_ =	sdelay $0x3  }
0x36: {  	p1 =	seq.s32 s10, $0x1;
	s10 =	sld [smem:$0x3FB6];
	_ =	sdelay $0x3  }
0x37: {  	[smem:$0x3FB6] =	sst s10  }
0x38: {  	s10 =	sld [smem:$0x3FB7]  }
0x39: {  	_ = 	snop;
	(pc) =	sbr.ind lr, $3  }
0x3a: {  	_ = 	snop  }
0x3b: {  	_ = 	snop  }
0x3c: {  	p2 =	seq.s32 s10, $0x1;
	s10 =	sld [smem:$0x3FB6]  }
0x3d: {  	_ =	shalt  }
0x3e: {  	_ =	shalt  }
0x3f: {  	_ =	shalt  }
0x40: {  	_ =	shalt  }
0x41: {  	_ =	shalt  }
0x42: {  	_ =	shalt  }
0x43: {  	_ =	shalt  }
0x44: {  	_ =	shalt  }
0x45: {  	_ =	shalt  }
0x46: {  	_ =	shalt  }
0x47: {  	_ =	shalt  }
0x48: {  	_ =	shalt  }
0x49: {  	_ =	shalt  }
0x4a: {  	_ =	shalt  }
0x4b: {  	_ =	shalt  }
0x4c: {  	_ =	shalt  }
0x4d: {  	_ =	shalt  }
0x4e: {  	_ =	shalt  }
0x4f: {  	_ =	shalt  }
0x50: {  	_ =	shalt  }
0x51: {  	_ =	shalt  }
0x52: {  	_ =	shalt  }
0x53: {  	_ =	shalt  }
0x54: {  	_ =	shalt  }
0x55: {  	_ =	shalt  }
0x56: {  	_ =	shalt  }
0x57: {  	_ =	shalt  }
0x58: {  	_ =	shalt  }
0x59: {  	_ =	shalt  }
0x5a: {  	_ =	shalt  }
0x5b: {  	_ =	shalt  }
0x5c: {  	_ =	shalt  }
0x5d: {  	_ =	shalt  }
0x5e: {  	_ =	shalt  }
0x5f: {  	_ =	shalt  }
0x60: {  	_ =	shalt  }
0x61: {  	_ =	shalt  }
0x62: {  	_ =	shalt  }
0x63: {  	_ =	shalt  }
0x64: {  	_ =	shalt  }
0x65: {  	_ =	shalt  }
0x66: {  	_ =	shalt  }
0x67: {  	_ =	shalt  }
0x68: {  	_ =	shalt  }
0x69: {  	_ =	shalt  }
0x6a: {  	_ =	shalt  }
0x6b: {  	_ =	shalt  }
0x6c: {  	_ =	shalt  }
0x6d: {  	_ =	shalt  }
0x6e: {  	_ =	shalt  }
0x6f: {  	_ =	shalt  }
0x70: {  	_ =	shalt  }
0x71: {  	_ =	shalt  }
0x72: {  	_ =	shalt  }
0x73: {  	_ =	shalt  }
0x74: {  	_ =	shalt  }
0x75: {  	_ =	shalt  }
0x76: {  	_ =	shalt  }
0x77: {  	_ =	shalt  }
0x78: {  	_ =	shalt  }
0x79: {  	_ =	shalt  }
0x7a: {  	_ =	shalt  }
0x7b: {  	_ =	shalt  }
0x7c: {  	_ =	shalt  }
0x7d: {  	_ =	shalt  }
0x7e: {  	_ =	shalt  }
0x7f: {  	_ =	shalt  }
0x80: {  	_ =	shalt  }
0x81: {  	_ =	shalt  }
0x82: {  	_ =	shalt  }
0x83: {  	_ =	shalt  }
0x84: {  	_ =	shalt  }
0x85: {  	_ =	shalt  }
0x86: {  	_ =	shalt  }
0x87: {  	_ =	shalt  }
.Lfunc_end0:
.L_simem_size_0:
called_computation_lowered:
.L_overlay_start_0:
0x88: {  	s2 =	sld [smem:$0x3FD9]  }
0x89: {  	s3 =	sld [smem:$0x3FFE];
	_ =	sdelay $0x1  }
0x8a: {  	s1 =	srdreg.scid  }
0x8b: {  	s0 =	sand.u32 $0x1, s1  }
0x8c: {  	s17 =	sshll.u32 s0, $0xA;
	s2 =	sadd.s32 s3, s2  }
0x8d: {  	s2 =	sadd.s32 s2, s17  }
0x8e: {  	[smem:$0x3FC2] =	sst s2  }
0x8f: {  	_ = 	snop  }
0x90: {  	s2 =	sld [smem:$0x3FD0];
	(tm) =	ssettm $0x1  }
0x91: {  	s18 =	sld [smem:$0x3FFB];
	_ =	sdelay $0x3  }
0x92: {  	_ =	strace s18  }
0x93: {  	s3 =	sld [smem:$0x3FFC];
	_ =	sdelay $0x3  }
0x94: {  	_ =	strace s3  }
0x95: {  	s3 =	sld [smem:$0x3FFD];
	_ =	sdelay $0x3  }
0x96: {  	_ =	strace s3  }
0x97: {  	_ =	strace $0x8FFFFFFF  }
0x98: {  	s19 =	sld [smem:$0x3FDB];
	_ =	sdelay $0x1  }
0x99: {  	s4 =	simm.s32 $_scs_section_size  }
0x9a: {  	s5 =	simm.s32 $_size__tile_overlayer_lowered;
	s6 =	simm.s32 $_tile_overlayer_lowered  }
0x9b: {  	s22 =	simm.s32 $0x1BFF;
	s21 =	sshll.u32 s6, $0x1;
	s3 =	sadd.s32 s4, s19  }
0x9c: {  	s7 =	simm.s32 $0x0;
	s20 =	sshll.u32 s5, $0x1;
	s5 =	sadd.s32 s21, s3  }
0x9d: {  	[timem:s7], [sflag:s22] =	dma.local [hbm:s5], s20  }
0x9e: {  	_ =	swait.ge [sflag:s22], s20  }
0x9f: {  	s4 =	ssub.s32 $0x0, s20;
	[sflag:s22] =	ssyncset.done $0x0  }
0xa0: {  	[sflag:s22] =	ssyncadd.s32 s4;
	_ =	sdelay $0x1  }
0xa1: {  	s23 =	simm.s32 $0x1B8B  }
0xa2: {  	_ =	swait.ge [sflag:s23], $0x1  }
0xa3: {  	[sflag:s23] =	ssyncset.done $0x0  }
0xa4: {  	s25 =	simm.s32 $0x1B8E;
	s24 =	sld [smem:$0x3FFE];
	[sflag:s23] =	ssyncadd.s32 $0xFFFFFFFF  }
0xa5: {  	s26 =	simm.s32 $execute0_lowered;
	[smem:$0x3FD2] =	sst s25  }
0xa6: {  	s5 =	sshll.u32 s26, $0x1;
	_ =	strace $0x80000046;
	[dreg:$0x1] =	wrdreg $0xFFFFFFFF  }
0xa7: {  	s28 =	simm.s32 $_size_execute0_lowered;
	s3 =	sadd.s32 s3, s5;
	[dreg:$0x0] =	wrdreg $0x0  }
0xa8: {  	s5 =	sshll.u32 s28, $0x1;
	[dreg:$0x2] =	wrdreg s3  }
0xa9: {  	[dreg:$0x3] =	wrdreg s5  }
0xaa: {  	[dreg:$0x4] =	wrdreg $0xC0  }
0xab: {  	_ =	task [dreg:s7], $0x5FFFF  }
0xac: {  	[dreg:$0x1] =	wrdreg $0xFFFFFFFF  }
0xad: {  	[dreg:$0x0] =	wrdreg $0x60  }
0xae: {  	[dreg:$0x2] =	wrdreg s2  }
0xaf: {  	[dreg:$0x3] =	wrdreg s24  }
0xb0: {  	[dreg:$0x4] =	wrdreg $0x2B000  }
0xb1: {  	[dreg:$0x5] =	wrdreg $0x9  }
0xb2: {  	_ =	task.clear_ibuf [dreg:s7], $0x6FFFF;
	_ =	strace $0x90000046  }
0xb3: {  	s29 =	simm.s32 $0x9;
	_ =	strace $0x80000048  }
0xb4: {  	_ =	swait.ge [sflag:s29], $0x1  }
0xb5: {  	[sflag:s29] =	ssyncadd.s32 $0xFFFFFFFF  }
0xb6: {  	_ =	strace $0x90000048  }
0xb7: {  	_ =	sfence  }
0xb8: {  	s30 =	sld [smem:$0x0];
	_ =	sdelay $0x2  }
0xb9: {  	s31 =	sshll.u32 s1, $0xD;
	s1 =	sshrl.u32 s1, $0x2  }
0xba: {  	s3 =	sand.u32 $0x4000, s31;
	s1 =	sadd.s32 s1, s30  }
0xbb: {  	s0 =	sor.u32 s3, s0;
	s1 =	sshll.u32 s1, $0x11  }
0xbc: {  	s0 =	sor.u32 s1, s0  }
0xbd: {  	s0 =	sadd.s32 $0x8F2B, s0  }
0xbe: {  	[sflag:s0] =	ssyncadd.remote.s32 $0x1  }
0xbf: {  	_ =	sfence.sel $0xFFFF  }
0xc0: {  	[dreg:$0x0] =	wrdreg $0xFFFFFFFF;
	(pc) =	sbr.abs _section_cstart, $3  }
0xc1: {  	[dreg:$0x1] =	wrdreg $0xFFFFFFFF  }
0xc2: {  	_ =	task.clear_ibuf [dreg:s7], $0x2FFFF;
	_ =	strace $0x9FFFFFFF  }
0xc3: {  	(tm) =	ssettm $0x7FFFFFFF  }
tec
execute0_lowered:
.L_overlay_start_1:
0x0: {  	(tag) =	ssettag $0x1  }
0x1: {  	s5 =	rddreg [dreg:$0x0]  }
0x2: {  	s4 =	rddreg [dreg:$0x1]  }
0x3: {  	s2 =	rddreg [dreg:$0x2]  }
0x4: {  	s0 =	rddreg [dreg:$0x3];
	s3 =	simm.s32 $0x0;
	s6 =	srdreg.scid  }
0x5: {  	s1 =	stileid.u32;
	s11 =	simm.s32 $0x2800;
	s12 =	simm.s32 $0x100  }
0x6: {  	s13 =	simm.s32 $0x0;
	[smem:$0x7FF] =	sst s3;
	s7 =	smul.u32 $0x500, s1  }
0x7: {  	s6 =	sand.u32 $0x1, s6;
	s9 =	smul.u32 $0xA00, s1;
	_ =	strace $0x80000047  }
0x8: {  	s8 =	sshll.u32 s6, $0x7;
	s31 =	sshll.u32 s6, $0x4;
	s6 =	ssub.s32 $0x2, s6  }
0x9: {  	s7 =	sor.u32 s8, s7;
	s8 =	sor.u32 s1, s31;
	s10 =	sshrl.u32 s6, $0x1  }
0xa: {  	s9 =	sshrl.u32 s9, $0x2;
	s7 =	sshrl.u32 s7, $0x3;
	s8 =	smul.u32 $0x500, s8  }
0xb: {  	s10 =	ssub.s32 s6, s10;
	s7 =	sadd.s32 s7, s4;
	s4 =	sadd.s32 s9, s2  }
0xc: {  	s9 =	simm.s32 $0x1;
	s5 =	sadd.s32 s5, s8;
	s6 =	sadd.s32 $0x2800, s7  }
0xd: {  	v0 =	vimm.f32 $1.000000000e+00;
	v1 =	vimm.f32 $0.0e+00;
	s7 =	smax.u32 s10, $0x1;
	s8 =	simm.s32 $0x2880;
	s10 =	simm.s32 $0x80  }
.LBB2_1:
0xe: {  	[tilespmem:$0x2800] =	vst v0  }
0xf: {  	[tilespmem:$0x2810] =	vst v0  }
0x10: {  	[tilespmem:$0x2820] =	vst v0  }
0x11: {  	[tilespmem:$0x2830] =	vst v0  }
0x12: {  	[tilespmem:$0x2840] =	vst v0  }
0x13: {  	[tilespmem:$0x2850] =	vst v0  }
0x14: {  	[tilespmem:$0x2860] =	vst v0  }
0x15: {  	[tilespmem:$0x2870] =	vst v0  }
0x16: {  	[tilespmem:$0x2880] =	vst v1  }
0x17: {  	[tilespmem:$0x2890] =	vst v1  }
0x18: {  	[tilespmem:$0x28A0] =	vst v1  }
0x19: {  	[tilespmem:$0x28B0] =	vst v1  }
0x1a: {  	[tilespmem:$0x28C0] =	vst v1  }
0x1b: {  	[tilespmem:$0x28D0] =	vst v1  }
0x1c: {  	[tilespmem:$0x28E0] =	vst v1  }
0x1d: {  	[tilespmem:$0x28F0] =	vst v1  }
0x1e: {  	[tilespmem:$0x2900] =	vst v1  }
0x1f: {  	[tilespmem:$0x2910] =	vst v1  }
0x20: {  	[tilespmem:$0x2920] =	vst v1  }
0x21: {  	[tilespmem:$0x2930] =	vst v1  }
0x22: {  	[tilespmem:$0x2940] =	vst v1  }
0x23: {  	[tilespmem:$0x2950] =	vst v1  }
0x24: {  	[tilespmem:$0x2960] =	vst v1  }
0x25: {  	[tilespmem:$0x2970] =	vst v1  }
0x26: {  	[tilespmem:$0x2980] =	vst v1  }
0x27: {  	[tilespmem:$0x2990] =	vst v1  }
0x28: {  	[tilespmem:$0x29A0] =	vst v1  }
0x29: {  	[tilespmem:$0x29B0] =	vst v1  }
0x2a: {  	[tilespmem:$0x29C0] =	vst v1  }
0x2b: {  	[tilespmem:$0x29D0] =	vst v1  }
0x2c: {  	[tilespmem:$0x29E0] =	vst v1  }
0x2d: {  	[tilespmem:$0x29F0] =	vst v1  }
0x2e: {  	[tilespmem:$0x2A00] =	vst v1  }
0x2f: {  	[tilespmem:$0x2A10] =	vst v1  }
0x30: {  	[tilespmem:$0x2A20] =	vst v1  }
0x31: {  	[tilespmem:$0x2A30] =	vst v1  }
0x32: {  	[tilespmem:$0x2A40] =	vst v1  }
0x33: {  	[tilespmem:$0x2A50] =	vst v1  }
0x34: {  	[tilespmem:$0x2A60] =	vst v1  }
0x35: {  	[tilespmem:$0x2A70] =	vst v1  }
0x36: {  	[tilespmem:$0x2A80] =	vst v1  }
0x37: {  	[tilespmem:$0x2A90] =	vst v1  }
0x38: {  	[tilespmem:$0x2AA0] =	vst v1  }
0x39: {  	[tilespmem:$0x2AB0] =	vst v1  }
0x3a: {  	[tilespmem:$0x2AC0] =	vst v1  }
0x3b: {  	[tilespmem:$0x2AD0] =	vst v1  }
0x3c: {  	[tilespmem:$0x2AE0] =	vst v1  }
0x3d: {  	[tilespmem:$0x2AF0] =	vst v1  }
0x3e: {  	[spmem:s4] =	stream.linear.scatter [tilespmem:s8], [sflag:$0x1], $0x280, $0x38;
	[tilespmem:$0x2D80] =	vst v63  }
0x3f: {  	_ =	swait.ge [sflag:s9], $0x280  }
0x40: {  	[sflag:s9] =	ssyncset.done $0x0  }
0x41: {  	[sflag:s9] =	ssyncadd.s32 $0xFFFFFD80  }
0x42: {  	[bflag:$0x0] =	sbarrier.arrive $0xFFFF  }
0x43: {  	[tilespmem:s3], [sflag:$0x1] =	stream.linear.gather [hbm4b:s5+s3], $0x2800, $0x38;
	[tilespmem:$0x2D80] =	vst v63  }
0x44: {  	_ =	swait.ge [sflag:s9], $0x2800  }
0x45: {  	[sflag:s9] =	ssyncset.done $0x0  }
0x46: {  	s14 =	simm.s32 $0x0;
	[sflag:s9] =	ssyncadd.s32 $0xFFFFD800  }
0x47: {  	[spmem:s2] =	stream.indirect.scatter.add.f32 [tilespmem:s11], [sflag:$0x1], $0x1, s14, s10, $0xb8;
	[tilespmem:$0x2D80] =	vst v63  }
0x48: {  	_ =	swait.ge [sflag:s9], $0x80  }
0x49: {  	s14 =	simm.s32 $0x200;
	[sflag:s9] =	ssyncset.done $0x0  }
.LBB2_2:
0x4a: {  	s15 =	sshra.s32 s14, $0x2;
	[sflag:s9] =	ssyncadd.s32 $0xFFFFFF80;
	p0 =	sne.s32 s14, $0x9E00  }
0x4b: {  	[spmem:s2] =	stream.indirect.scatter.add.f32 [tilespmem:s11], [sflag:$0x1], $0x1, s15, s10, $0xb8;
	[tilespmem:$0x2D80] =	vst v63  }
.Ltmp0:
0x4c: {  	_ = 	snop;
	(pc) =	sbr.rel @p0 .LBB2_2-.Ltmp0, $4  }
0x4d: {  	_ = 	snop  }
0x4e: {  	s14 =	sadd.s32 $0x200, s14  }
0x4f: {  	_ =	swait.ge [sflag:s9], $0x80  }
0x50: {  	[sflag:s9] =	ssyncset.done $0x0  }
0x51: {  	[sflag:s9] =	ssyncadd.s32 $0xFFFFFF80  }
0x52: {  	[bflag:$0x0] =	sbarrier.arrive $0xFFFF  }
0x53: {  	[tilespmem:s8], [sflag:$0x1] =	stream.linear.gather [spmem:s4], $0x280, $0x38;
	[tilespmem:$0x2D80] =	vst v63  }
0x54: {  	s13 =	sadd.s32 $0x1, s13;
	_ =	swait.ge [sflag:s9], $0x280  }
0x55: {  	p0 =	sne.s32 s13, s7;
	[sflag:s9] =	ssyncset.done $0x0  }
.Ltmp1:
0x56: {  	[sflag:s9] =	ssyncadd.s32 $0xFFFFFD80;
	(pc) =	sbr.rel @p0 .LBB2_1-.Ltmp1, $4  }
0x57: {  	[hbm4b:s6+s10] =	stream.strided.scatter [tilespmem:s8], [sflag:$0x1], $0x280, s12, s10, $0x38;
	[tilespmem:$0x2D80] =	vst v63  }
0x58: {  	_ =	swait.ge [sflag:s9], $0x280  }
0x59: {  	[sflag:s9] =	ssyncset.done $0x0  }
0x5a: {  	[sflag:s9] =	ssyncadd.s32 $0xFFFFFD80  }
0x5b: {  	_ =	sfence.sel $0x180000  }
0x5c: {  	[bflag:$0x0] =	sbarrier.arrive $0xFFFF  }
0x5d: {  	p0 =	sne.s32 s1, $0x0;
	_ =	strace $0x90000047  }
0x5e: {  	s0 =	sadd.s32 @!p0 $0x100000, s0;
	[bflag:$0x2] =	sbarrier.arrive $0xFFFF  }
0x5f: {  	[sflag:s0] =	ssyncadd.tile.s32 @!p0 $0x1;
	_ =	shalt  }
.Lfunc_end2:
_tile_overlayer_lowered:
.L_overlay_start_2:
0x60: {  	(tag) =	ssettag $0x2  }
0x61: {  	s0 =	rddreg [dreg:$0x0];
	s2 =	stileid.u32  }
0x62: {  	s1 =	rddreg [dreg:$0x1];
	p0 =	sne.s32 s2, $0x0  }
0x63: {  	s3 =	rddreg [dreg:$0x2];
	[bflag:$0x3] =	sbarrier.arrive $0xFFFF;
	s2 =	simm.s32 @!p0 $0x1C01  }
0x64: {  	[timem:s3], [sflag:s2] =	dma.local @!p0 [hbm:s0], s1  }
0x65: {  	s0 =	simm.s32 @!p0 $0x1  }
0x66: {  	_ =	swait.ge @!p0 [sflag:s0], s1  }
0x67: {  	s1 =	ssub.s32 @!p0 $0x0, s1;
	[sflag:s0] =	ssyncset.done @!p0 $0x0  }
0x68: {  	[sflag:s0] =	ssyncadd.s32 @!p0 s1  }
0x69: {  	[bflag:$0x3] =	sbarrier.arrive $0xFFFF  }
0x6a: {  	_ =	shalt  }

</sc_bundles>
